<compile_context>
chip_gen: v7x
topology: tpu7x:2x2x1
jax: 0.10.2.dev20260603
libtpu: 0.0.44.dev20260713+nightly
codegen_flags: <defaults>
</compile_context>

<pallas_src>
import functools

import jax
import jax.numpy as jnp
from jax import lax
from jax.experimental import pallas as pl
from jax.experimental.pallas import tpu as pltpu
from jax.experimental.pallas import tpu_sc as plsc

N_NODES = 10000
D = 128
NC, NS = 2, 16
NW = NC * NS
CHUNK = 128
CPT = 80
EPT = CHUNK * CPT
E_PAD = EPT * NW
N_PAD = 10240
ROWS_PER_TILE = N_PAD // NS
ZROWS = 16


def _agg_body(with_deg, *args):
    if with_deg:
        (edges_hbm, table_hbm,
         agg_out, deg_out,
         ib0, ib1, rows0, rows1, ones, zbuf, zd,
         isem0, isem1, gsem0, gsem1, ssem0, ssem1, zsem,
         dsem0, dsem1,
         agg_sh, deg_sh) = args
    else:
        (edges_hbm, table_hbm,
         agg_out,
         ib0, ib1, rows0, rows1, zbuf,
         isem0, isem1, gsem0, gsem1, ssem0, ssem1, zsem,
         agg_sh) = args
    ib = (ib0, ib1)
    isem = (isem0, isem1)
    rows = (rows0, rows1)
    gsem = (gsem0, gsem1)
    ssem = (ssem0, ssem1)
    cid = lax.axis_index("c")
    sid = lax.axis_index("s")
    wid = sid * NC + cid

    pltpu.async_copy(edges_hbm.at[wid, 0], ib0, isem0)
    pltpu.make_async_copy(edges_hbm.at[wid, 0], ib0, isem0).wait()
    pltpu.async_copy(table_hbm.at[ib0.at[0]], rows0, gsem0)

    z16 = jnp.zeros((16,), jnp.float32)

    def zero_zbuf(r, c):
        for k in range(D // 16):
            zbuf[r, pl.ds(k * 16, 16)] = z16
        return c
    lax.fori_loop(0, ZROWS, zero_zbuf, 0)

    def zero_agg(t, c):
        pltpu.async_copy(
            zbuf, agg_sh.at[pl.ds(sid * ROWS_PER_TILE + t * ZROWS, ZROWS)], zsem)
        return c
    lax.fori_loop(0, ROWS_PER_TILE // ZROWS, zero_agg, 0)

    if with_deg:
        one16 = jnp.ones((16,), jnp.float32)
        for k in range(CHUNK // 16):
            ones[pl.ds(k * 16, 16)] = one16
        for k in range(ROWS_PER_TILE // 16):
            zd[pl.ds(k * 16, 16)] = z16
        pltpu.sync_copy(zd, deg_sh.at[pl.ds(sid * ROWS_PER_TILE, ROWS_PER_TILE)])

    def zero_wait(t, c):
        pltpu.make_async_copy(
            zbuf, agg_sh.at[pl.ds(sid * ROWS_PER_TILE + t * ZROWS, ZROWS)], zsem).wait()
        return c
    lax.fori_loop(0, ROWS_PER_TILE // ZROWS, zero_wait, 0)

    plsc.subcore_barrier()

    dsem = (dsem0, dsem1) if with_deg else None

    def step(gg, c):
        for q in (0, 1):
            sc = 2 * gg + q
            ibc, ibn = ib[q], ib[1 - q]
            for b in (0, 1, 2, 3):
                t = 4 * sc + b
                rb = b % 2
                nrb = 1 - rb
                pib, prow = (ibc, 2 * b - 1) if b > 0 else (ibn, 7)

                @pl.when(t >= 1)
                def _wait_prev_scatter():
                    pltpu.make_async_copy(
                        rows[nrb], agg_sh.at[pib.at[prow]], ssem[nrb]).wait()
                    if with_deg:
                        pltpu.make_async_copy(
                            ones, deg_sh.at[pib.at[prow]], dsem[nrb]).wait()

                if b == 0:
                    @pl.when(sc + 1 < CPT // 4)
                    def _prefetch_idx():
                        pltpu.async_copy(
                            edges_hbm.at[wid, sc + 1], ibn, isem[1 - q])

                @pl.when(t + 1 < CPT)
                def _issue_next_gather():
                    if b < 3:
                        pltpu.async_copy(
                            table_hbm.at[ibc.at[2 * b + 2]], rows[nrb], gsem[nrb])
                    else:
                        pltpu.make_async_copy(
                            edges_hbm.at[wid, sc + 1], ibn, isem[1 - q]).wait()
                        pltpu.async_copy(
                            table_hbm.at[ibn.at[0]], rows[nrb], gsem[nrb])

                pltpu.make_async_copy(
                    table_hbm.at[ibc.at[2 * b]], rows[rb], gsem[rb]).wait()
                pltpu.async_copy(
                    rows[rb], agg_sh.at[ibc.at[2 * b + 1]], ssem[rb], add=True)
                if with_deg:
                    pltpu.async_copy(
                        ones, deg_sh.at[ibc.at[2 * b + 1]], dsem[rb], add=True)
        return c
    lax.fori_loop(0, CPT // 8, step, 0)

    pltpu.make_async_copy(rows[1], agg_sh.at[ib[1].at[7]], ssem[1]).wait()
    if with_deg:
        pltpu.make_async_copy(ones, deg_sh.at[ib[1].at[7]], dsem[1]).wait()

    plsc.subcore_barrier()

    pltpu.sync_copy(agg_sh.at[pl.ds(sid * ROWS_PER_TILE, ROWS_PER_TILE)],
                    agg_out.at[cid, pl.ds(sid * ROWS_PER_TILE, ROWS_PER_TILE)])
    if with_deg:
        pltpu.sync_copy(deg_sh.at[pl.ds(sid * ROWS_PER_TILE, ROWS_PER_TILE)],
                        deg_out.at[pl.ds(cid * N_PAD + sid * ROWS_PER_TILE,
                                         ROWS_PER_TILE)])


def _make_agg(with_deg):
    mesh = plsc.VectorSubcoreMesh(core_axis_name="c", subcore_axis_name="s",
                                  num_cores=NC, num_subcores=NS)
    outs = [jax.ShapeDtypeStruct((NC, N_PAD, D), jnp.float32)]
    if with_deg:
        outs.append(jax.ShapeDtypeStruct((NC * N_PAD,), jnp.float32))
    scratch = [
        pltpu.VMEM((8, CHUNK), jnp.int32),
        pltpu.VMEM((8, CHUNK), jnp.int32),
        pltpu.VMEM((CHUNK, D), jnp.float32),
        pltpu.VMEM((CHUNK, D), jnp.float32),
    ]
    if with_deg:
        scratch.append(pltpu.VMEM((CHUNK,), jnp.float32))
    scratch.append(pltpu.VMEM((ZROWS, D), jnp.float32))
    if with_deg:
        scratch.append(pltpu.VMEM((ROWS_PER_TILE,), jnp.float32))
    scratch += [pltpu.SemaphoreType.DMA] * (9 if with_deg else 7)
    scratch.append(pltpu.VMEM_SHARED((N_PAD, D), jnp.float32))
    if with_deg:
        scratch.append(pltpu.VMEM_SHARED((N_PAD,), jnp.float32))
    return pl.kernel(
        functools.partial(_agg_body, with_deg),
        out_type=tuple(outs) if with_deg else outs[0],
        mesh=mesh,
        scratch_types=scratch,
    )


_agg_with_deg = _make_agg(True)
_agg_only = _make_agg(False)


def _self_body(x_ref, wr_ref, bl_ref, out_ref):
    dn = (((1,), (1,)), ((), ()))
    out_ref[...] = lax.dot_general(
        x_ref[...], wr_ref[...], dn,
        preferred_element_type=jnp.float32) + bl_ref[...]


def _tc_self(x, Wr, bl):
    BLK = 2000
    grid = (N_NODES // BLK,)
    return pl.pallas_call(
        _self_body,
        grid=grid,
        in_specs=[
            pl.BlockSpec((BLK, D), lambda i: (i, 0)),
            pl.BlockSpec((D, D), lambda i: (0, 0)),
            pl.BlockSpec((1, D), lambda i: (0, 0)),
        ],
        out_specs=pl.BlockSpec((BLK, D), lambda i: (i, 0)),
        out_shape=jax.ShapeDtypeStruct((N_NODES, D), jnp.float32),
    )(x, Wr, bl.reshape(1, D))


def _layer_body(do_relu, aggp_ref, degp_ref, xr_ref, wl_ref, out_ref):
    deg = degp_ref[0] + degp_ref[1]
    inv = 1.0 / jnp.maximum(deg, 1.0)
    mean = (aggp_ref[0] + aggp_ref[1]) * inv
    dn = (((1,), (1,)), ((), ()))
    acc = lax.dot_general(mean, wl_ref[...], dn, preferred_element_type=jnp.float32)
    acc = acc + xr_ref[...]
    out_ref[...] = jnp.maximum(acc, 0.0) if do_relu else acc


def _tc_layer(aggp, degp, xr, Wl, do_relu):
    BLK = 2000
    grid = (N_NODES // BLK,)
    return pl.pallas_call(
        functools.partial(_layer_body, do_relu),
        grid=grid,
        in_specs=[
            pl.BlockSpec((NC, BLK, D), lambda i: (0, i, 0)),
            pl.BlockSpec((NC, BLK, 1), lambda i: (0, i, 0)),
            pl.BlockSpec((BLK, D), lambda i: (i, 0)),
            pl.BlockSpec((D, D), lambda i: (0, 0)),
        ],
        out_specs=pl.BlockSpec((BLK, D), lambda i: (i, 0)),
        out_shape=jax.ShapeDtypeStruct((N_NODES, D), jnp.float32),
    )(aggp, degp, xr, Wl)


@jax.jit
def kernel(x, edge_index, W1l, b1l, W1r, W2l, b2l, W2r):
    src = edge_index[0].astype(jnp.int32)
    dst = edge_index[1].astype(jnp.int32)
    pad = E_PAD - src.shape[0]
    pi = jnp.arange(pad, dtype=jnp.int32)
    src_p = jnp.concatenate([src, pi % N_NODES]).reshape(NW, CPT, 1, CHUNK)
    dst_p = jnp.concatenate([dst, N_NODES + pi % (N_PAD - N_NODES)]
                            ).reshape(NW, CPT, 1, CHUNK)
    edges = jnp.concatenate([src_p, dst_p], axis=2)
    edges = edges.reshape(NW, CPT // 4, 8, CHUNK)

    agg1, deg_flat = _agg_with_deg(edges, x)
    xr1 = _tc_self(x, W1r, b1l)
    degp = deg_flat.reshape(NC, N_PAD, 1)
    h = _tc_layer(agg1, degp, xr1, W1l, True)
    agg2 = _agg_only(edges, h)
    xr2 = _tc_self(h, W2r, b2l)
    return _tc_layer(agg2, degp, xr2, W2l, False)

# --- scband reference (transcript-rebuilt; emitter-appended) ---
"""Pipeline reference for scband-py-gsage-42691974922960 (READ-ONLY COPY).

The authoritative reference and input builder live on the scoring server;
editing this copy changes nothing except your own understanding.
"""

import jax, jax.numpy as jnp
import numpy as np

N_NODES = 10000
N_EDGES = 320000
D_IN = 128
D_HID = 128
D_OUT = 128


def setup_inputs(seed: int = 0) -> dict:
    key = jax.random.key(seed)
    ks = jax.random.split(key, 10)
    x = jax.random.normal(ks[0], (N_NODES, D_IN), dtype=jnp.float32)
    edge_index = jax.random.randint(ks[1], (2, N_EDGES), 0, N_NODES, dtype=jnp.int64)
    # SAGEConv layer 1 params: lin_l (neighbor agg, with bias), lin_r (root, no bias)
    s1 = 1.0 / np.sqrt(D_IN)
    W1l = jax.random.uniform(ks[2], (D_HID, D_IN), minval=-s1, maxval=s1, dtype=jnp.float32)
    b1l = jax.random.uniform(ks[3], (D_HID,), minval=-s1, maxval=s1, dtype=jnp.float32)
    W1r = jax.random.uniform(ks[4], (D_HID, D_IN), minval=-s1, maxval=s1, dtype=jnp.float32)
    s2 = 1.0 / np.sqrt(D_HID)
    W2l = jax.random.uniform(ks[5], (D_OUT, D_HID), minval=-s2, maxval=s2, dtype=jnp.float32)
    b2l = jax.random.uniform(ks[6], (D_OUT,), minval=-s2, maxval=s2, dtype=jnp.float32)
    W2r = jax.random.uniform(ks[7], (D_OUT, D_HID), minval=-s2, maxval=s2, dtype=jnp.float32)
    return {"x": x, "edge_index": edge_index, "W1l": W1l, "b1l": b1l, "W1r": W1r, "W2l": W2l, "b2l": b2l, "W2r": W2r}


def _sage_conv(x, edge_index, Wl, bl, Wr):
    src = edge_index[0]
    dst = edge_index[1]
    msgs = jnp.take(x, src, axis=0)  # gather neighbor features
    agg = jax.ops.segment_sum(msgs, dst, num_segments=N_NODES)
    deg = jax.ops.segment_sum(jnp.ones((msgs.shape[0],), dtype=x.dtype), dst, num_segments=N_NODES)
    mean = agg / jnp.clip(deg, 1.0)[:, None]
    return mean @ Wl.T + bl + x @ Wr.T


def reference(x, edge_index, W1l, b1l, W1r, W2l, b2l, W2r):
    h = _sage_conv(x, edge_index, W1l, b1l, W1r)
    h = jax.nn.relu(h)
    out = _sage_conv(h, edge_index, W2l, b2l, W2r)
    return out

if __name__ == "__main__":
    import jax
    _d = setup_inputs()
    print(jax.jit(kernel)(*tuple(_d.values())))

</pallas_src>

<mosaic_0001>
#map = affine_map<(d0, d1) -> (0, 0, 0, 0)>
#map1 = affine_map<(d0, d1) -> (0, 0)>
#map2 = affine_map<(d0, d1) -> (0, 0, 0)>
#map3 = affine_map<(d0, d1) -> (0)>
module attributes {stable_mosaic.version = 14 : i64} {
  func.func @_agg_body(%arg0: i32, %arg1: i32, %arg2: memref<32x20x8x128xi32, #tpu.memory_space<hbm>>, %arg3: memref<10000x128xf32, #tpu.memory_space<hbm>>, %arg4: memref<2x10240x128xf32, #tpu.memory_space<hbm>>, %arg5: memref<20480xf32, #tpu.memory_space<hbm>>, %arg6: memref<8x128xi32, #tpu.memory_space<vmem>>, %arg7: memref<8x128xi32, #tpu.memory_space<vmem>>, %arg8: memref<128x128xf32, #tpu.memory_space<vmem>>, %arg9: memref<128x128xf32, #tpu.memory_space<vmem>>, %arg10: memref<128xf32, #tpu.memory_space<vmem>>, %arg11: memref<16x128xf32, #tpu.memory_space<vmem>>, %arg12: memref<640xf32, #tpu.memory_space<vmem>>, %arg13: memref<!tpu.dma_semaphore, #tpu.memory_space<semaphore_mem>>, %arg14: memref<!tpu.dma_semaphore, #tpu.memory_space<semaphore_mem>>, %arg15: memref<!tpu.dma_semaphore, #tpu.memory_space<semaphore_mem>>, %arg16: memref<!tpu.dma_semaphore, #tpu.memory_space<semaphore_mem>>, %arg17: memref<!tpu.dma_semaphore, #tpu.memory_space<semaphore_mem>>, %arg18: memref<!tpu.dma_semaphore, #tpu.memory_space<semaphore_mem>>, %arg19: memref<!tpu.dma_semaphore, #tpu.memory_space<semaphore_mem>>, %arg20: memref<!tpu.dma_semaphore, #tpu.memory_space<semaphore_mem>>, %arg21: memref<!tpu.dma_semaphore, #tpu.memory_space<semaphore_mem>>, %arg22: memref<10240x128xf32, #tpu.memory_space<vmem_shared>>, %arg23: memref<10240xf32, #tpu.memory_space<vmem_shared>>) attributes {dimension_semantics = [#tpu.dimension_semantics<core_parallel>, #tpu.dimension_semantics<subcore_parallel>], iteration_bounds = array<i64: 2, 16>, scalar_prefetch = 0 : i64, scratch_operands = 18 : i64, tpu.core_type = #tpu.core_type<sc_vector_subcore>, window_params = [{transform_indices = #map}, {transform_indices = #map1}, {transform_indices = #map2}, {transform_indices = #map3}]} {
    %mul3A = arith.constant 2 : i32
    %mul3A_0 = arith.muli %arg1, %mul3A : i32
    %add3A = arith.addi %mul3A_0, %arg0 : i32
    %dma_start3A = arith.constant 0 : i32
    %dma_start3A_1 = arith.constant 0 : i32
    %dma_start3A_2 = arith.constant 0 : i32
    %dma_start3A_3 = tpu.memref_slice %arg2[%add3A, %dma_start3A, %dma_start3A_1, %dma_start3A_2] : memref<32x20x8x128xi32, #tpu.memory_space<hbm>> -> memref<1x1x8x128xi32, #tpu.memory_space<hbm>>
    %dma_start3A_4 = tpu.memref_squeeze %dma_start3A_3 : memref<1x1x8x128xi32, #tpu.memory_space<hbm>> -> memref<8x128xi32, #tpu.memory_space<hbm>>
    %dma_start3A_5 = arith.constant 0 : i32
    %dma_start3A_6 = arith.constant 0 : i32
    %dma_start3A_7 = tpu.memref_slice %arg2[%add3A, %dma_start3A, %dma_start3A_5, %dma_start3A_6] : memref<32x20x8x128xi32, #tpu.memory_space<hbm>> -> memref<1x1x8x128xi32, #tpu.memory_space<hbm>>
    %dma_start3A_8 = tpu.memref_squeeze %dma_start3A_7 : memref<1x1x8x128xi32, #tpu.memory_space<hbm>> -> memref<8x128xi32, #tpu.memory_space<hbm>>
    tpu.enqueue_dma source(%dma_start3A_8 : memref<8x128xi32, #tpu.memory_space<hbm>>) target(%arg6 : memref<8x128xi32, #tpu.memory_space<vmem>>) target_semaphore(%arg13 : memref<!tpu.dma_semaphore, #tpu.memory_space<semaphore_mem>>)
    %dma_wait3A = arith.constant 0 : i32
    %dma_wait3A_9 = arith.constant 0 : i32
    %dma_wait3A_10 = arith.constant 0 : i32
    %dma_wait3A_11 = tpu.memref_slice %arg2[%add3A, %dma_wait3A, %dma_wait3A_9, %dma_wait3A_10] : memref<32x20x8x128xi32, #tpu.memory_space<hbm>> -> memref<1x1x8x128xi32, #tpu.memory_space<hbm>>
    %dma_wait3A_12 = tpu.memref_squeeze %dma_wait3A_11 : memref<1x1x8x128xi32, #tpu.memory_space<hbm>> -> memref<8x128xi32, #tpu.memory_space<hbm>>
    %dma_wait3A_13 = arith.constant 0 : i32
    %dma_wait3A_14 = arith.constant 0 : i32
    %dma_wait3A_15 = tpu.memref_slice %arg2[%add3A, %dma_wait3A, %dma_wait3A_13, %dma_wait3A_14] : memref<32x20x8x128xi32, #tpu.memory_space<hbm>> -> memref<1x1x8x128xi32, #tpu.memory_space<hbm>>
    %dma_wait3A_16 = tpu.memref_squeeze %dma_wait3A_15 : memref<1x1x8x128xi32, #tpu.memory_space<hbm>> -> memref<8x128xi32, #tpu.memory_space<hbm>>
    tpu.wait_dma2 semaphore(%arg13 : memref<!tpu.dma_semaphore, #tpu.memory_space<semaphore_mem>>) src(%dma_wait3A_16 : memref<8x128xi32, #tpu.memory_space<hbm>>) dst(%arg6 : memref<8x128xi32, #tpu.memory_space<vmem>>)
    %dma_start3A_17 = arith.constant 0 : i32
    %dma_start3A_18 = arith.constant 0 : i32
    %dma_start3A_19 = tpu.memref_slice %arg6[%dma_start3A_17, %dma_start3A_18] : memref<8x128xi32, #tpu.memory_space<vmem>> -> memref<1x128xi32, #tpu.memory_space<vmem>>
    %dma_start3A_20 = tpu.memref_squeeze %dma_start3A_19 : memref<1x128xi32, #tpu.memory_space<vmem>> -> memref<128xi32, #tpu.memory_space<vmem>>
    %dma_start3A_21 = arith.constant 0 : i32
    %dma_start3A_22 = arith.constant 0 : i32
    %dma_start3A_23 = tpu.memref_slice %arg3[%dma_start3A_21, %dma_start3A_22] : memref<10000x128xf32, #tpu.memory_space<hbm>> -> memref<10000x128xf32, #tpu.memory_space<hbm>>
    tpu.enqueue_indirect_dma source(%dma_start3A_23 : memref<10000x128xf32, #tpu.memory_space<hbm>>) target(%arg8 : memref<128x128xf32, #tpu.memory_space<vmem>>) offsets(%dma_start3A_20 : memref<128xi32, #tpu.memory_space<vmem>>) semaphore(%arg15 : memref<!tpu.dma_semaphore, #tpu.memory_space<semaphore_mem>>)
    %broadcast_in_dim3A = arith.constant 0.000000e+00 : f32
    %broadcast_in_dim3A_24 = vector.broadcast %broadcast_in_dim3A : f32 to vector<16xf32>
    %scan3A = arith.constant 0 : i32
    %scan3A_25 = arith.constant 0 : i32
    %scan3A_26 = arith.constant 16 : i32
    %scan3A_27 = arith.addi %scan3A_25, %scan3A_26 : i32
    %scan3A_28 = arith.constant 1 : i32
    scf.for %scan3A_268 = %scan3A_25 to %scan3A_27 step %scan3A_28  : i32 {
      %swap3A_269 = arith.index_cast %scan3A_268 : i32 to index
      %swap3A_270 = arith.constant 0 : index
      %swap3A_271 = tpu.vector_load %arg11[%swap3A_269, %swap3A_270] {strides = array<i32>} : memref<16x128xf32, #tpu.memory_space<vmem>>, vector<1x16xf32>,
      %swap3A_272 = vector.shape_cast %swap3A_271 : vector<1x16xf32> to vector<16xf32>
      %swap3A_273 = vector.shape_cast %broadcast_in_dim3A_24 : vector<16xf32> to vector<1x16xf32>
      tpu.vector_store %arg11[%swap3A_269, %swap3A_270], %swap3A_273 {strides = array<i32>} : memref<16x128xf32, #tpu.memory_space<vmem>>, vector<1x16xf32>,
      %swap3A_274 = arith.index_cast %scan3A_268 : i32 to index
      %swap3A_275 = arith.constant 16 : index
      %swap3A_276 = tpu.vector_load %arg11[%swap3A_274, %swap3A_275] {strides = array<i32>} : memref<16x128xf32, #tpu.memory_space<vmem>>, vector<1x16xf32>,
      %swap3A_277 = vector.shape_cast %swap3A_276 : vector<1x16xf32> to vector<16xf32>
      %swap3A_278 = vector.shape_cast %broadcast_in_dim3A_24 : vector<16xf32> to vector<1x16xf32>
      tpu.vector_store %arg11[%swap3A_274, %swap3A_275], %swap3A_278 {strides = array<i32>} : memref<16x128xf32, #tpu.memory_space<vmem>>, vector<1x16xf32>,
      %swap3A_279 = arith.index_cast %scan3A_268 : i32 to index
      %swap3A_280 = arith.constant 32 : index
      %swap3A_281 = tpu.vector_load %arg11[%swap3A_279, %swap3A_280] {strides = array<i32>} : memref<16x128xf32, #tpu.memory_space<vmem>>, vector<1x16xf32>,
      %swap3A_282 = vector.shape_cast %swap3A_281 : vector<1x16xf32> to vector<16xf32>
      %swap3A_283 = vector.shape_cast %broadcast_in_dim3A_24 : vector<16xf32> to vector<1x16xf32>
      tpu.vector_store %arg11[%swap3A_279, %swap3A_280], %swap3A_283 {strides = array<i32>} : memref<16x128xf32, #tpu.memory_space<vmem>>, vector<1x16xf32>,
      %swap3A_284 = arith.index_cast %scan3A_268 : i32 to index
      %swap3A_285 = arith.constant 48 : index
      %swap3A_286 = tpu.vector_load %arg11[%swap3A_284, %swap3A_285] {strides = array<i32>} : memref<16x128xf32, #tpu.memory_space<vmem>>, vector<1x16xf32>,
      %swap3A_287 = vector.shape_cast %swap3A_286 : vector<1x16xf32> to vector<16xf32>
      %swap3A_288 = vector.shape_cast %broadcast_in_dim3A_24 : vector<16xf32> to vector<1x16xf32>
      tpu.vector_store %arg11[%swap3A_284, %swap3A_285], %swap3A_288 {strides = array<i32>} : memref<16x128xf32, #tpu.memory_space<vmem>>, vector<1x16xf32>,
      %swap3A_289 = arith.index_cast %scan3A_268 : i32 to index
      %swap3A_290 = arith.constant 64 : index
      %swap3A_291 = tpu.vector_load %arg11[%swap3A_289, %swap3A_290] {strides = array<i32>} : memref<16x128xf32, #tpu.memory_space<vmem>>, vector<1x16xf32>,
      %swap3A_292 = vector.shape_cast %swap3A_291 : vector<1x16xf32> to vector<16xf32>
      %swap3A_293 = vector.shape_cast %broadcast_in_dim3A_24 : vector<16xf32> to vector<1x16xf32>
      tpu.vector_store %arg11[%swap3A_289, %swap3A_290], %swap3A_293 {strides = array<i32>} : memref<16x128xf32, #tpu.memory_space<vmem>>, vector<1x16xf32>,
      %swap3A_294 = arith.index_cast %scan3A_268 : i32 to index
      %swap3A_295 = arith.constant 80 : index
      %swap3A_296 = tpu.vector_load %arg11[%swap3A_294, %swap3A_295] {strides = array<i32>} : memref<16x128xf32, #tpu.memory_space<vmem>>, vector<1x16xf32>,
      %swap3A_297 = vector.shape_cast %swap3A_296 : vector<1x16xf32> to vector<16xf32>
      %swap3A_298 = vector.shape_cast %broadcast_in_dim3A_24 : vector<16xf32> to vector<1x16xf32>
      tpu.vector_store %arg11[%swap3A_294, %swap3A_295], %swap3A_298 {strides = array<i32>} : memref<16x128xf32, #tpu.memory_space<vmem>>, vector<1x16xf32>,
      %swap3A_299 = arith.index_cast %scan3A_268 : i32 to index
      %swap3A_300 = arith.constant 96 : index
      %swap3A_301 = tpu.vector_load %arg11[%swap3A_299, %swap3A_300] {strides = array<i32>} : memref<16x128xf32, #tpu.memory_space<vmem>>, vector<1x16xf32>,
      %swap3A_302 = vector.shape_cast %swap3A_301 : vector<1x16xf32> to vector<16xf32>
      %swap3A_303 = vector.shape_cast %broadcast_in_dim3A_24 : vector<16xf32> to vector<1x16xf32>
      tpu.vector_store %arg11[%swap3A_299, %swap3A_300], %swap3A_303 {strides = array<i32>} : memref<16x128xf32, #tpu.memory_space<vmem>>, vector<1x16xf32>,
      %swap3A_304 = arith.index_cast %scan3A_268 : i32 to index
      %swap3A_305 = arith.constant 112 : index
      %swap3A_306 = tpu.vector_load %arg11[%swap3A_304, %swap3A_305] {strides = array<i32>} : memref<16x128xf32, #tpu.memory_space<vmem>>, vector<1x16xf32>,
      %swap3A_307 = vector.shape_cast %swap3A_306 : vector<1x16xf32> to vector<16xf32>
      %swap3A_308 = vector.shape_cast %broadcast_in_dim3A_24 : vector<16xf32> to vector<1x16xf32>
      tpu.vector_store %arg11[%swap3A_304, %swap3A_305], %swap3A_308 {strides = array<i32>} : memref<16x128xf32, #tpu.memory_space<vmem>>, vector<1x16xf32>,
    }
    %scan3A_29 = arith.constant 16 : i32
    %scan3A_30 = arith.constant 0 : i32
    %scan3A_31 = arith.constant 0 : i32
    %scan3A_32 = arith.constant 40 : i32
    %scan3A_33 = arith.addi %scan3A_31, %scan3A_32 : i32
    %scan3A_34 = arith.constant 1 : i32
    scf.for %scan3A_268 = %scan3A_31 to %scan3A_33 step %scan3A_34  : i32 {
      %mul3A_269 = arith.constant 640 : i32
      %mul3A_270 = arith.muli %arg1, %mul3A_269 : i32
      %mul3A_271 = arith.constant 16 : i32
      %mul3A_272 = arith.muli %scan3A_268, %mul3A_271 : i32
      %add3A_273 = arith.addi %mul3A_270, %mul3A_272 : i32
      %dma_start3A_274 = arith.constant 0 : i32
      %dma_start3A_275 = tpu.memref_slice %arg22[%add3A_273, %dma_start3A_274] : memref<10240x128xf32, #tpu.memory_space<vmem_shared>> -> memref<16x128xf32, #tpu.memory_space<vmem_shared>>
      %dma_start3A_276 = arith.constant 0 : i32
      %dma_start3A_277 = tpu.memref_slice %arg22[%add3A_273, %dma_start3A_276] : memref<10240x128xf32, #tpu.memory_space<vmem_shared>> -> memref<16x128xf32, #tpu.memory_space<vmem_shared>>
      tpu.enqueue_dma source(%arg11 : memref<16x128xf32, #tpu.memory_space<vmem>>) target(%dma_start3A_277 : memref<16x128xf32, #tpu.memory_space<vmem_shared>>) target_semaphore(%arg19 : memref<!tpu.dma_semaphore, #tpu.memory_space<semaphore_mem>>)
    }
    %scan3A_35 = arith.constant 40 : i32
    %broadcast_in_dim3A_36 = arith.constant 1.000000e+00 : f32
    %broadcast_in_dim3A_37 = vector.broadcast %broadcast_in_dim3A_36 : f32 to vector<16xf32>
    %swap3A = arith.constant 0 : index
    %swap3A_38 = tpu.vector_load %arg10[%swap3A] {strides = array<i32>} : memref<128xf32, #tpu.memory_space<vmem>>, vector<16xf32>,
    %swap3A_39 = vector.shape_cast %swap3A_38 : vector<16xf32> to vector<16xf32>
    %swap3A_40 = vector.shape_cast %broadcast_in_dim3A_37 : vector<16xf32> to vector<16xf32>
    tpu.vector_store %arg10[%swap3A], %swap3A_40 {strides = array<i32>} : memref<128xf32, #tpu.memory_space<vmem>>, vector<16xf32>,
    %swap3A_41 = arith.constant 16 : index
    %swap3A_42 = tpu.vector_load %arg10[%swap3A_41] {strides = array<i32>} : memref<128xf32, #tpu.memory_space<vmem>>, vector<16xf32>,
    %swap3A_43 = vector.shape_cast %swap3A_42 : vector<16xf32> to vector<16xf32>
    %swap3A_44 = vector.shape_cast %broadcast_in_dim3A_37 : vector<16xf32> to vector<16xf32>
    tpu.vector_store %arg10[%swap3A_41], %swap3A_44 {strides = array<i32>} : memref<128xf32, #tpu.memory_space<vmem>>, vector<16xf32>,
    %swap3A_45 = arith.constant 32 : index
    %swap3A_46 = tpu.vector_load %arg10[%swap3A_45] {strides = array<i32>} : memref<128xf32, #tpu.memory_space<vmem>>, vector<16xf32>,
    %swap3A_47 = vector.shape_cast %swap3A_46 : vector<16xf32> to vector<16xf32>
    %swap3A_48 = vector.shape_cast %broadcast_in_dim3A_37 : vector<16xf32> to vector<16xf32>
    tpu.vector_store %arg10[%swap3A_45], %swap3A_48 {strides = array<i32>} : memref<128xf32, #tpu.memory_space<vmem>>, vector<16xf32>,
    %swap3A_49 = arith.constant 48 : index
    %swap3A_50 = tpu.vector_load %arg10[%swap3A_49] {strides = array<i32>} : memref<128xf32, #tpu.memory_space<vmem>>, vector<16xf32>,
    %swap3A_51 = vector.shape_cast %swap3A_50 : vector<16xf32> to vector<16xf32>
    %swap3A_52 = vector.shape_cast %broadcast_in_dim3A_37 : vector<16xf32> to vector<16xf32>
    tpu.vector_store %arg10[%swap3A_49], %swap3A_52 {strides = array<i32>} : memref<128xf32, #tpu.memory_space<vmem>>, vector<16xf32>,
    %swap3A_53 = arith.constant 64 : index
    %swap3A_54 = tpu.vector_load %arg10[%swap3A_53] {strides = array<i32>} : memref<128xf32, #tpu.memory_space<vmem>>, vector<16xf32>,
    %swap3A_55 = vector.shape_cast %swap3A_54 : vector<16xf32> to vector<16xf32>
    %swap3A_56 = vector.shape_cast %broadcast_in_dim3A_37 : vector<16xf32> to vector<16xf32>
    tpu.vector_store %arg10[%swap3A_53], %swap3A_56 {strides = array<i32>} : memref<128xf32, #tpu.memory_space<vmem>>, vector<16xf32>,
    %swap3A_57 = arith.constant 80 : index
    %swap3A_58 = tpu.vector_load %arg10[%swap3A_57] {strides = array<i32>} : memref<128xf32, #tpu.memory_space<vmem>>, vector<16xf32>,
    %swap3A_59 = vector.shape_cast %swap3A_58 : vector<16xf32> to vector<16xf32>
    %swap3A_60 = vector.shape_cast %broadcast_in_dim3A_37 : vector<16xf32> to vector<16xf32>
    tpu.vector_store %arg10[%swap3A_57], %swap3A_60 {strides = array<i32>} : memref<128xf32, #tpu.memory_space<vmem>>, vector<16xf32>,
    %swap3A_61 = arith.constant 96 : index
    %swap3A_62 = tpu.vector_load %arg10[%swap3A_61] {strides = array<i32>} : memref<128xf32, #tpu.memory_space<vmem>>, vector<16xf32>,
    %swap3A_63 = vector.shape_cast %swap3A_62 : vector<16xf32> to vector<16xf32>
    %swap3A_64 = vector.shape_cast %broadcast_in_dim3A_37 : vector<16xf32> to vector<16xf32>
    tpu.vector_store %arg10[%swap3A_61], %swap3A_64 {strides = array<i32>} : memref<128xf32, #tpu.memory_space<vmem>>, vector<16xf32>,
    %swap3A_65 = arith.constant 112 : index
    %swap3A_66 = tpu.vector_load %arg10[%swap3A_65] {strides = array<i32>} : memref<128xf32, #tpu.memory_space<vmem>>, vector<16xf32>,
    %swap3A_67 = vector.shape_cast %swap3A_66 : vector<16xf32> to vector<16xf32>
    %swap3A_68 = vector.shape_cast %broadcast_in_dim3A_37 : vector<16xf32> to vector<16xf32>
    tpu.vector_store %arg10[%swap3A_65], %swap3A_68 {strides = array<i32>} : memref<128xf32, #tpu.memory_space<vmem>>, vector<16xf32>,
    %swap3A_69 = arith.constant 0 : index
    %swap3A_70 = tpu.vector_load %arg12[%swap3A_69] {strides = array<i32>} : memref<640xf32, #tpu.memory_space<vmem>>, vector<16xf32>,
    %swap3A_71 = vector.shape_cast %swap3A_70 : vector<16xf32> to vector<16xf32>
    %swap3A_72 = vector.shape_cast %broadcast_in_dim3A_24 : vector<16xf32> to vector<16xf32>
    tpu.vector_store %arg12[%swap3A_69], %swap3A_72 {strides = array<i32>} : memref<640xf32, #tpu.memory_space<vmem>>, vector<16xf32>,
    %swap3A_73 = arith.constant 16 : index
    %swap3A_74 = tpu.vector_load %arg12[%swap3A_73] {strides = array<i32>} : memref<640xf32, #tpu.memory_space<vmem>>, vector<16xf32>,
    %swap3A_75 = vector.shape_cast %swap3A_74 : vector<16xf32> to vector<16xf32>
    %swap3A_76 = vector.shape_cast %broadcast_in_dim3A_24 : vector<16xf32> to vector<16xf32>
    tpu.vector_store %arg12[%swap3A_73], %swap3A_76 {strides = array<i32>} : memref<640xf32, #tpu.memory_space<vmem>>, vector<16xf32>,
    %swap3A_77 = arith.constant 32 : index
    %swap3A_78 = tpu.vector_load %arg12[%swap3A_77] {strides = array<i32>} : memref<640xf32, #tpu.memory_space<vmem>>, vector<16xf32>,
    %swap3A_79 = vector.shape_cast %swap3A_78 : vector<16xf32> to vector<16xf32>
    %swap3A_80 = vector.shape_cast %broadcast_in_dim3A_24 : vector<16xf32> to vector<16xf32>
    tpu.vector_store %arg12[%swap3A_77], %swap3A_80 {strides = array<i32>} : memref<640xf32, #tpu.memory_space<vmem>>, vector<16xf32>,
    %swap3A_81 = arith.constant 48 : index
    %swap3A_82 = tpu.vector_load %arg12[%swap3A_81] {strides = array<i32>} : memref<640xf32, #tpu.memory_space<vmem>>, vector<16xf32>,
    %swap3A_83 = vector.shape_cast %swap3A_82 : vector<16xf32> to vector<16xf32>
    %swap3A_84 = vector.shape_cast %broadcast_in_dim3A_24 : vector<16xf32> to vector<16xf32>
    tpu.vector_store %arg12[%swap3A_81], %swap3A_84 {strides = array<i32>} : memref<640xf32, #tpu.memory_space<vmem>>, vector<16xf32>,
    %swap3A_85 = arith.constant 64 : index
    %swap3A_86 = tpu.vector_load %arg12[%swap3A_85] {strides = array<i32>} : memref<640xf32, #tpu.memory_space<vmem>>, vector<16xf32>,
    %swap3A_87 = vector.shape_cast %swap3A_86 : vector<16xf32> to vector<16xf32>
    %swap3A_88 = vector.shape_cast %broadcast_in_dim3A_24 : vector<16xf32> to vector<16xf32>
    tpu.vector_store %arg12[%swap3A_85], %swap3A_88 {strides = array<i32>} : memref<640xf32, #tpu.memory_space<vmem>>, vector<16xf32>,
    %swap3A_89 = arith.constant 80 : index
    %swap3A_90 = tpu.vector_load %arg12[%swap3A_89] {strides = array<i32>} : memref<640xf32, #tpu.memory_space<vmem>>, vector<16xf32>,
    %swap3A_91 = vector.shape_cast %swap3A_90 : vector<16xf32> to vector<16xf32>
    %swap3A_92 = vector.shape_cast %broadcast_in_dim3A_24 : vector<16xf32> to vector<16xf32>
    tpu.vector_store %arg12[%swap3A_89], %swap3A_92 {strides = array<i32>} : memref<640xf32, #tpu.memory_space<vmem>>, vector<16xf32>,
    %swap3A_93 = arith.constant 96 : index
    %swap3A_94 = tpu.vector_load %arg12[%swap3A_93] {strides = array<i32>} : memref<640xf32, #tpu.memory_space<vmem>>, vector<16xf32>,
    %swap3A_95 = vector.shape_cast %swap3A_94 : vector<16xf32> to vector<16xf32>
    %swap3A_96 = vector.shape_cast %broadcast_in_dim3A_24 : vector<16xf32> to vector<16xf32>
    tpu.vector_store %arg12[%swap3A_93], %swap3A_96 {strides = array<i32>} : memref<640xf32, #tpu.memory_space<vmem>>, vector<16xf32>,
    %swap3A_97 = arith.constant 112 : index
    %swap3A_98 = tpu.vector_load %arg12[%swap3A_97] {strides = array<i32>} : memref<640xf32, #tpu.memory_space<vmem>>, vector<16xf32>,
    %swap3A_99 = vector.shape_cast %swap3A_98 : vector<16xf32> to vector<16xf32>
    %swap3A_100 = vector.shape_cast %broadcast_in_dim3A_24 : vector<16xf32> to vector<16xf32>
    tpu.vector_store %arg12[%swap3A_97], %swap3A_100 {strides = array<i32>} : memref<640xf32, #tpu.memory_space<vmem>>, vector<16xf32>,
    %swap3A_101 = arith.constant 128 : index
    %swap3A_102 = tpu.vector_load %arg12[%swap3A_101] {strides = array<i32>} : memref<640xf32, #tpu.memory_space<vmem>>, vector<16xf32>,
    %swap3A_103 = vector.shape_cast %swap3A_102 : vector<16xf32> to vector<16xf32>
    %swap3A_104 = vector.shape_cast %broadcast_in_dim3A_24 : vector<16xf32> to vector<16xf32>
    tpu.vector_store %arg12[%swap3A_101], %swap3A_104 {strides = array<i32>} : memref<640xf32, #tpu.memory_space<vmem>>, vector<16xf32>,
    %swap3A_105 = arith.constant 144 : index
    %swap3A_106 = tpu.vector_load %arg12[%swap3A_105] {strides = array<i32>} : memref<640xf32, #tpu.memory_space<vmem>>, vector<16xf32>,
    %swap3A_107 = vector.shape_cast %swap3A_106 : vector<16xf32> to vector<16xf32>
    %swap3A_108 = vector.shape_cast %broadcast_in_dim3A_24 : vector<16xf32> to vector<16xf32>
    tpu.vector_store %arg12[%swap3A_105], %swap3A_108 {strides = array<i32>} : memref<640xf32, #tpu.memory_space<vmem>>, vector<16xf32>,
    %swap3A_109 = arith.constant 160 : index
    %swap3A_110 = tpu.vector_load %arg12[%swap3A_109] {strides = array<i32>} : memref<640xf32, #tpu.memory_space<vmem>>, vector<16xf32>,
    %swap3A_111 = vector.shape_cast %swap3A_110 : vector<16xf32> to vector<16xf32>
    %swap3A_112 = vector.shape_cast %broadcast_in_dim3A_24 : vector<16xf32> to vector<16xf32>
    tpu.vector_store %arg12[%swap3A_109], %swap3A_112 {strides = array<i32>} : memref<640xf32, #tpu.memory_space<vmem>>, vector<16xf32>,
    %swap3A_113 = arith.constant 176 : index
    %swap3A_114 = tpu.vector_load %arg12[%swap3A_113] {strides = array<i32>} : memref<640xf32, #tpu.memory_space<vmem>>, vector<16xf32>,
    %swap3A_115 = vector.shape_cast %swap3A_114 : vector<16xf32> to vector<16xf32>
    %swap3A_116 = vector.shape_cast %broadcast_in_dim3A_24 : vector<16xf32> to vector<16xf32>
    tpu.vector_store %arg12[%swap3A_113], %swap3A_116 {strides = array<i32>} : memref<640xf32, #tpu.memory_space<vmem>>, vector<16xf32>,
    %swap3A_117 = arith.constant 192 : index
    %swap3A_118 = tpu.vector_load %arg12[%swap3A_117] {strides = array<i32>} : memref<640xf32, #tpu.memory_space<vmem>>, vector<16xf32>,
    %swap3A_119 = vector.shape_cast %swap3A_118 : vector<16xf32> to vector<16xf32>
    %swap3A_120 = vector.shape_cast %broadcast_in_dim3A_24 : vector<16xf32> to vector<16xf32>
    tpu.vector_store %arg12[%swap3A_117], %swap3A_120 {strides = array<i32>} : memref<640xf32, #tpu.memory_space<vmem>>, vector<16xf32>,
    %swap3A_121 = arith.constant 208 : index
    %swap3A_122 = tpu.vector_load %arg12[%swap3A_121] {strides = array<i32>} : memref<640xf32, #tpu.memory_space<vmem>>, vector<16xf32>,
    %swap3A_123 = vector.shape_cast %swap3A_122 : vector<16xf32> to vector<16xf32>
    %swap3A_124 = vector.shape_cast %broadcast_in_dim3A_24 : vector<16xf32> to vector<16xf32>
    tpu.vector_store %arg12[%swap3A_121], %swap3A_124 {strides = array<i32>} : memref<640xf32, #tpu.memory_space<vmem>>, vector<16xf32>,
    %swap3A_125 = arith.constant 224 : index
    %swap3A_126 = tpu.vector_load %arg12[%swap3A_125] {strides = array<i32>} : memref<640xf32, #tpu.memory_space<vmem>>, vector<16xf32>,
    %swap3A_127 = vector.shape_cast %swap3A_126 : vector<16xf32> to vector<16xf32>
    %swap3A_128 = vector.shape_cast %broadcast_in_dim3A_24 : vector<16xf32> to vector<16xf32>
    tpu.vector_store %arg12[%swap3A_125], %swap3A_128 {strides = array<i32>} : memref<640xf32, #tpu.memory_space<vmem>>, vector<16xf32>,
    %swap3A_129 = arith.constant 240 : index
    %swap3A_130 = tpu.vector_load %arg12[%swap3A_129] {strides = array<i32>} : memref<640xf32, #tpu.memory_space<vmem>>, vector<16xf32>,
    %swap3A_131 = vector.shape_cast %swap3A_130 : vector<16xf32> to vector<16xf32>
    %swap3A_132 = vector.shape_cast %broadcast_in_dim3A_24 : vector<16xf32> to vector<16xf32>
    tpu.vector_store %arg12[%swap3A_129], %swap3A_132 {strides = array<i32>} : memref<640xf32, #tpu.memory_space<vmem>>, vector<16xf32>,
    %swap3A_133 = arith.constant 256 : index
    %swap3A_134 = tpu.vector_load %arg12[%swap3A_133] {strides = array<i32>} : memref<640xf32, #tpu.memory_space<vmem>>, vector<16xf32>,
    %swap3A_135 = vector.shape_cast %swap3A_134 : vector<16xf32> to vector<16xf32>
    %swap3A_136 = vector.shape_cast %broadcast_in_dim3A_24 : vector<16xf32> to vector<16xf32>
    tpu.vector_store %arg12[%swap3A_133], %swap3A_136 {strides = array<i32>} : memref<640xf32, #tpu.memory_space<vmem>>, vector<16xf32>,
    %swap3A_137 = arith.constant 272 : index
    %swap3A_138 = tpu.vector_load %arg12[%swap3A_137] {strides = array<i32>} : memref<640xf32, #tpu.memory_space<vmem>>, vector<16xf32>,
    %swap3A_139 = vector.shape_cast %swap3A_138 : vector<16xf32> to vector<16xf32>
    %swap3A_140 = vector.shape_cast %broadcast_in_dim3A_24 : vector<16xf32> to vector<16xf32>
    tpu.vector_store %arg12[%swap3A_137], %swap3A_140 {strides = array<i32>} : memref<640xf32, #tpu.memory_space<vmem>>, vector<16xf32>,
    %swap3A_141 = arith.constant 288 : index
    %swap3A_142 = tpu.vector_load %arg12[%swap3A_141] {strides = array<i32>} : memref<640xf32, #tpu.memory_space<vmem>>, vector<16xf32>,
    %swap3A_143 = vector.shape_cast %swap3A_142 : vector<16xf32> to vector<16xf32>
    %swap3A_144 = vector.shape_cast %broadcast_in_dim3A_24 : vector<16xf32> to vector<16xf32>
    tpu.vector_store %arg12[%swap3A_141], %swap3A_144 {strides = array<i32>} : memref<640xf32, #tpu.memory_space<vmem>>, vector<16xf32>,
    %swap3A_145 = arith.constant 304 : index
    %swap3A_146 = tpu.vector_load %arg12[%swap3A_145] {strides = array<i32>} : memref<640xf32, #tpu.memory_space<vmem>>, vector<16xf32>,
    %swap3A_147 = vector.shape_cast %swap3A_146 : vector<16xf32> to vector<16xf32>
    %swap3A_148 = vector.shape_cast %broadcast_in_dim3A_24 : vector<16xf32> to vector<16xf32>
    tpu.vector_store %arg12[%swap3A_145], %swap3A_148 {strides = array<i32>} : memref<640xf32, #tpu.memory_space<vmem>>, vector<16xf32>,
    %swap3A_149 = arith.constant 320 : index
    %swap3A_150 = tpu.vector_load %arg12[%swap3A_149] {strides = array<i32>} : memref<640xf32, #tpu.memory_space<vmem>>, vector<16xf32>,
    %swap3A_151 = vector.shape_cast %swap3A_150 : vector<16xf32> to vector<16xf32>
    %swap3A_152 = vector.shape_cast %broadcast_in_dim3A_24 : vector<16xf32> to vector<16xf32>
    tpu.vector_store %arg12[%swap3A_149], %swap3A_152 {strides = array<i32>} : memref<640xf32, #tpu.memory_space<vmem>>, vector<16xf32>,
    %swap3A_153 = arith.constant 336 : index
    %swap3A_154 = tpu.vector_load %arg12[%swap3A_153] {strides = array<i32>} : memref<640xf32, #tpu.memory_space<vmem>>, vector<16xf32>,
    %swap3A_155 = vector.shape_cast %swap3A_154 : vector<16xf32> to vector<16xf32>
    %swap3A_156 = vector.shape_cast %broadcast_in_dim3A_24 : vector<16xf32> to vector<16xf32>
    tpu.vector_store %arg12[%swap3A_153], %swap3A_156 {strides = array<i32>} : memref<640xf32, #tpu.memory_space<vmem>>, vector<16xf32>,
    %swap3A_157 = arith.constant 352 : index
    %swap3A_158 = tpu.vector_load %arg12[%swap3A_157] {strides = array<i32>} : memref<640xf32, #tpu.memory_space<vmem>>, vector<16xf32>,
    %swap3A_159 = vector.shape_cast %swap3A_158 : vector<16xf32> to vector<16xf32>
    %swap3A_160 = vector.shape_cast %broadcast_in_dim3A_24 : vector<16xf32> to vector<16xf32>
    tpu.vector_store %arg12[%swap3A_157], %swap3A_160 {strides = array<i32>} : memref<640xf32, #tpu.memory_space<vmem>>, vector<16xf32>,
    %swap3A_161 = arith.constant 368 : index
    %swap3A_162 = tpu.vector_load %arg12[%swap3A_161] {strides = array<i32>} : memref<640xf32, #tpu.memory_space<vmem>>, vector<16xf32>,
    %swap3A_163 = vector.shape_cast %swap3A_162 : vector<16xf32> to vector<16xf32>
    %swap3A_164 = vector.shape_cast %broadcast_in_dim3A_24 : vector<16xf32> to vector<16xf32>
    tpu.vector_store %arg12[%swap3A_161], %swap3A_164 {strides = array<i32>} : memref<640xf32, #tpu.memory_space<vmem>>, vector<16xf32>,
    %swap3A_165 = arith.constant 384 : index
    %swap3A_166 = tpu.vector_load %arg12[%swap3A_165] {strides = array<i32>} : memref<640xf32, #tpu.memory_space<vmem>>, vector<16xf32>,
    %swap3A_167 = vector.shape_cast %swap3A_166 : vector<16xf32> to vector<16xf32>
    %swap3A_168 = vector.shape_cast %broadcast_in_dim3A_24 : vector<16xf32> to vector<16xf32>
    tpu.vector_store %arg12[%swap3A_165], %swap3A_168 {strides = array<i32>} : memref<640xf32, #tpu.memory_space<vmem>>, vector<16xf32>,
    %swap3A_169 = arith.constant 400 : index
    %swap3A_170 = tpu.vector_load %arg12[%swap3A_169] {strides = array<i32>} : memref<640xf32, #tpu.memory_space<vmem>>, vector<16xf32>,
    %swap3A_171 = vector.shape_cast %swap3A_170 : vector<16xf32> to vector<16xf32>
    %swap3A_172 = vector.shape_cast %broadcast_in_dim3A_24 : vector<16xf32> to vector<16xf32>
    tpu.vector_store %arg12[%swap3A_169], %swap3A_172 {strides = array<i32>} : memref<640xf32, #tpu.memory_space<vmem>>, vector<16xf32>,
    %swap3A_173 = arith.constant 416 : index
    %swap3A_174 = tpu.vector_load %arg12[%swap3A_173] {strides = array<i32>} : memref<640xf32, #tpu.memory_space<vmem>>, vector<16xf32>,
    %swap3A_175 = vector.shape_cast %swap3A_174 : vector<16xf32> to vector<16xf32>
    %swap3A_176 = vector.shape_cast %broadcast_in_dim3A_24 : vector<16xf32> to vector<16xf32>
    tpu.vector_store %arg12[%swap3A_173], %swap3A_176 {strides = array<i32>} : memref<640xf32, #tpu.memory_space<vmem>>, vector<16xf32>,
    %swap3A_177 = arith.constant 432 : index
    %swap3A_178 = tpu.vector_load %arg12[%swap3A_177] {strides = array<i32>} : memref<640xf32, #tpu.memory_space<vmem>>, vector<16xf32>,
    %swap3A_179 = vector.shape_cast %swap3A_178 : vector<16xf32> to vector<16xf32>
    %swap3A_180 = vector.shape_cast %broadcast_in_dim3A_24 : vector<16xf32> to vector<16xf32>
    tpu.vector_store %arg12[%swap3A_177], %swap3A_180 {strides = array<i32>} : memref<640xf32, #tpu.memory_space<vmem>>, vector<16xf32>,
    %swap3A_181 = arith.constant 448 : index
    %swap3A_182 = tpu.vector_load %arg12[%swap3A_181] {strides = array<i32>} : memref<640xf32, #tpu.memory_space<vmem>>, vector<16xf32>,
    %swap3A_183 = vector.shape_cast %swap3A_182 : vector<16xf32> to vector<16xf32>
    %swap3A_184 = vector.shape_cast %broadcast_in_dim3A_24 : vector<16xf32> to vector<16xf32>
    tpu.vector_store %arg12[%swap3A_181], %swap3A_184 {strides = array<i32>} : memref<640xf32, #tpu.memory_space<vmem>>, vector<16xf32>,
    %swap3A_185 = arith.constant 464 : index
    %swap3A_186 = tpu.vector_load %arg12[%swap3A_185] {strides = array<i32>} : memref<640xf32, #tpu.memory_space<vmem>>, vector<16xf32>,
    %swap3A_187 = vector.shape_cast %swap3A_186 : vector<16xf32> to vector<16xf32>
    %swap3A_188 = vector.shape_cast %broadcast_in_dim3A_24 : vector<16xf32> to vector<16xf32>
    tpu.vector_store %arg12[%swap3A_185], %swap3A_188 {strides = array<i32>} : memref<640xf32, #tpu.memory_space<vmem>>, vector<16xf32>,
    %swap3A_189 = arith.constant 480 : index
    %swap3A_190 = tpu.vector_load %arg12[%swap3A_189] {strides = array<i32>} : memref<640xf32, #tpu.memory_space<vmem>>, vector<16xf32>,
    %swap3A_191 = vector.shape_cast %swap3A_190 : vector<16xf32> to vector<16xf32>
    %swap3A_192 = vector.shape_cast %broadcast_in_dim3A_24 : vector<16xf32> to vector<16xf32>
    tpu.vector_store %arg12[%swap3A_189], %swap3A_192 {strides = array<i32>} : memref<640xf32, #tpu.memory_space<vmem>>, vector<16xf32>,
    %swap3A_193 = arith.constant 496 : index
    %swap3A_194 = tpu.vector_load %arg12[%swap3A_193] {strides = array<i32>} : memref<640xf32, #tpu.memory_space<vmem>>, vector<16xf32>,
    %swap3A_195 = vector.shape_cast %swap3A_194 : vector<16xf32> to vector<16xf32>
    %swap3A_196 = vector.shape_cast %broadcast_in_dim3A_24 : vector<16xf32> to vector<16xf32>
    tpu.vector_store %arg12[%swap3A_193], %swap3A_196 {strides = array<i32>} : memref<640xf32, #tpu.memory_space<vmem>>, vector<16xf32>,
    %swap3A_197 = arith.constant 512 : index
    %swap3A_198 = tpu.vector_load %arg12[%swap3A_197] {strides = array<i32>} : memref<640xf32, #tpu.memory_space<vmem>>, vector<16xf32>,
    %swap3A_199 = vector.shape_cast %swap3A_198 : vector<16xf32> to vector<16xf32>
    %swap3A_200 = vector.shape_cast %broadcast_in_dim3A_24 : vector<16xf32> to vector<16xf32>
    tpu.vector_store %arg12[%swap3A_197], %swap3A_200 {strides = array<i32>} : memref<640xf32, #tpu.memory_space<vmem>>, vector<16xf32>,
    %swap3A_201 = arith.constant 528 : index
    %swap3A_202 = tpu.vector_load %arg12[%swap3A_201] {strides = array<i32>} : memref<640xf32, #tpu.memory_space<vmem>>, vector<16xf32>,
    %swap3A_203 = vector.shape_cast %swap3A_202 : vector<16xf32> to vector<16xf32>
    %swap3A_204 = vector.shape_cast %broadcast_in_dim3A_24 : vector<16xf32> to vector<16xf32>
    tpu.vector_store %arg12[%swap3A_201], %swap3A_204 {strides = array<i32>} : memref<640xf32, #tpu.memory_space<vmem>>, vector<16xf32>,
    %swap3A_205 = arith.constant 544 : index
    %swap3A_206 = tpu.vector_load %arg12[%swap3A_205] {strides = array<i32>} : memref<640xf32, #tpu.memory_space<vmem>>, vector<16xf32>,
    %swap3A_207 = vector.shape_cast %swap3A_206 : vector<16xf32> to vector<16xf32>
    %swap3A_208 = vector.shape_cast %broadcast_in_dim3A_24 : vector<16xf32> to vector<16xf32>
    tpu.vector_store %arg12[%swap3A_205], %swap3A_208 {strides = array<i32>} : memref<640xf32, #tpu.memory_space<vmem>>, vector<16xf32>,
    %swap3A_209 = arith.constant 560 : index
    %swap3A_210 = tpu.vector_load %arg12[%swap3A_209] {strides = array<i32>} : memref<640xf32, #tpu.memory_space<vmem>>, vector<16xf32>,
    %swap3A_211 = vector.shape_cast %swap3A_210 : vector<16xf32> to vector<16xf32>
    %swap3A_212 = vector.shape_cast %broadcast_in_dim3A_24 : vector<16xf32> to vector<16xf32>
    tpu.vector_store %arg12[%swap3A_209], %swap3A_212 {strides = array<i32>} : memref<640xf32, #tpu.memory_space<vmem>>, vector<16xf32>,
    %swap3A_213 = arith.constant 576 : index
    %swap3A_214 = tpu.vector_load %arg12[%swap3A_213] {strides = array<i32>} : memref<640xf32, #tpu.memory_space<vmem>>, vector<16xf32>,
    %swap3A_215 = vector.shape_cast %swap3A_214 : vector<16xf32> to vector<16xf32>
    %swap3A_216 = vector.shape_cast %broadcast_in_dim3A_24 : vector<16xf32> to vector<16xf32>
    tpu.vector_store %arg12[%swap3A_213], %swap3A_216 {strides = array<i32>} : memref<640xf32, #tpu.memory_space<vmem>>, vector<16xf32>,
    %swap3A_217 = arith.constant 592 : index
    %swap3A_218 = tpu.vector_load %arg12[%swap3A_217] {strides = array<i32>} : memref<640xf32, #tpu.memory_space<vmem>>, vector<16xf32>,
    %swap3A_219 = vector.shape_cast %swap3A_218 : vector<16xf32> to vector<16xf32>
    %swap3A_220 = vector.shape_cast %broadcast_in_dim3A_24 : vector<16xf32> to vector<16xf32>
    tpu.vector_store %arg12[%swap3A_217], %swap3A_220 {strides = array<i32>} : memref<640xf32, #tpu.memory_space<vmem>>, vector<16xf32>,
    %swap3A_221 = arith.constant 608 : index
    %swap3A_222 = tpu.vector_load %arg12[%swap3A_221] {strides = array<i32>} : memref<640xf32, #tpu.memory_space<vmem>>, vector<16xf32>,
    %swap3A_223 = vector.shape_cast %swap3A_222 : vector<16xf32> to vector<16xf32>
    %swap3A_224 = vector.shape_cast %broadcast_in_dim3A_24 : vector<16xf32> to vector<16xf32>
    tpu.vector_store %arg12[%swap3A_221], %swap3A_224 {strides = array<i32>} : memref<640xf32, #tpu.memory_space<vmem>>, vector<16xf32>,
    %swap3A_225 = arith.constant 624 : index
    %swap3A_226 = tpu.vector_load %arg12[%swap3A_225] {strides = array<i32>} : memref<640xf32, #tpu.memory_space<vmem>>, vector<16xf32>,
    %swap3A_227 = vector.shape_cast %swap3A_226 : vector<16xf32> to vector<16xf32>
    %swap3A_228 = vector.shape_cast %broadcast_in_dim3A_24 : vector<16xf32> to vector<16xf32>
    tpu.vector_store %arg12[%swap3A_225], %swap3A_228 {strides = array<i32>} : memref<640xf32, #tpu.memory_space<vmem>>, vector<16xf32>,
    %mul3A_229 = arith.constant 640 : i32
    %mul3A_230 = arith.muli %arg1, %mul3A_229 : i32
    "tpu.region"() ({
      %run_scoped3A = tpu.sem_alloc : memref<!tpu.dma_semaphore, #tpu.memory_space<semaphore_mem>>
      %dma_start3A_268 = tpu.memref_slice %arg23[%mul3A_230] : memref<10240xf32, #tpu.memory_space<vmem_shared>> -> memref<640xf32, #tpu.memory_space<vmem_shared>>
      %dma_start3A_269 = tpu.memref_slice %arg23[%mul3A_230] : memref<10240xf32, #tpu.memory_space<vmem_shared>> -> memref<640xf32, #tpu.memory_space<vmem_shared>>
      tpu.enqueue_dma source(%arg12 : memref<640xf32, #tpu.memory_space<vmem>>) target(%dma_start3A_269 : memref<640xf32, #tpu.memory_space<vmem_shared>>) target_semaphore(%run_scoped3A : memref<!tpu.dma_semaphore, #tpu.memory_space<semaphore_mem>>)
      %dma_wait3A_270 = tpu.memref_slice %arg23[%mul3A_230] : memref<10240xf32, #tpu.memory_space<vmem_shared>> -> memref<640xf32, #tpu.memory_space<vmem_shared>>
      %dma_wait3A_271 = tpu.memref_slice %arg23[%mul3A_230] : memref<10240xf32, #tpu.memory_space<vmem_shared>> -> memref<640xf32, #tpu.memory_space<vmem_shared>>
      tpu.wait_dma2 semaphore(%run_scoped3A : memref<!tpu.dma_semaphore, #tpu.memory_space<semaphore_mem>>) src(%arg12 : memref<640xf32, #tpu.memory_space<vmem>>) dst(%dma_wait3A_271 : memref<640xf32, #tpu.memory_space<vmem_shared>>)
      tpu.yield
    }) : () -> ()
    %scan3A_231 = arith.constant 0 : i32
    %scan3A_232 = arith.constant 0 : i32
    %scan3A_233 = arith.constant 40 : i32
    %scan3A_234 = arith.addi %scan3A_232, %scan3A_233 : i32
    %scan3A_235 = arith.constant 1 : i32
    scf.for %scan3A_268 = %scan3A_232 to %scan3A_234 step %scan3A_235  : i32 {
      %mul3A_269 = arith.constant 640 : i32
      %mul3A_270 = arith.muli %arg1, %mul3A_269 : i32
      %mul3A_271 = arith.constant 16 : i32
      %mul3A_272 = arith.muli %scan3A_268, %mul3A_271 : i32
      %add3A_273 = arith.addi %mul3A_270, %mul3A_272 : i32
      %dma_wait3A_274 = arith.constant 0 : i32
      %dma_wait3A_275 = tpu.memref_slice %arg22[%add3A_273, %dma_wait3A_274] : memref<10240x128xf32, #tpu.memory_space<vmem_shared>> -> memref<16x128xf32, #tpu.memory_space<vmem_shared>>
      %dma_wait3A_276 = arith.constant 0 : i32
      %dma_wait3A_277 = tpu.memref_slice %arg22[%add3A_273, %dma_wait3A_276] : memref<10240x128xf32, #tpu.memory_space<vmem_shared>> -> memref<16x128xf32, #tpu.memory_space<vmem_shared>>
      tpu.wait_dma2 semaphore(%arg19 : memref<!tpu.dma_semaphore, #tpu.memory_space<semaphore_mem>>) src(%arg11 : memref<16x128xf32, #tpu.memory_space<vmem>>) dst(%dma_wait3A_277 : memref<16x128xf32, #tpu.memory_space<vmem_shared>>)
    }
    %scan3A_236 = arith.constant 40 : i32
    %barrier3A = arith.constant 0 : index
    tpu.barrier barrier_id(%barrier3A)
    %scan3A_237 = arith.constant 0 : i32
    %scan3A_238 = arith.constant 0 : i32
    %scan3A_239 = arith.constant 10 : i32
    %scan3A_240 = arith.addi %scan3A_238, %scan3A_239 : i32
    %scan3A_241 = arith.constant 1 : i32
    scf.for %scan3A_268 = %scan3A_238 to %scan3A_240 step %scan3A_241  : i32 {
      %mul3A_269 = arith.constant 2 : i32
      %mul3A_270 = arith.muli %mul3A_269, %scan3A_268 : i32
      %add3A_271 = arith.constant 0 : i32
      %add3A_272 = arith.addi %mul3A_270, %add3A_271 : i32
      %mul3A_273 = arith.constant 4 : i32
      %mul3A_274 = arith.muli %mul3A_273, %add3A_272 : i32
      %add3A_275 = arith.constant 0 : i32
      %add3A_276 = arith.addi %mul3A_274, %add3A_275 : i32
      %ge3A = arith.constant 1 : i32
      %ge3A_277 = arith.cmpi sge, %add3A_276, %ge3A : i32
      %convert_element_type3A = arith.extui %ge3A_277 : i1 to i32
      %cond3A = arith.constant 0 : i32
      %cond3A_278 = arith.cmpi ne, %convert_element_type3A, %cond3A : i32
      scf.if %cond3A_278 {
        %dma_wait3A_575 = arith.constant 7 : i32
        %dma_wait3A_576 = arith.constant 0 : i32
        %dma_wait3A_577 = tpu.memref_slice %arg7[%dma_wait3A_575, %dma_wait3A_576] : memref<8x128xi32, #tpu.memory_space<vmem>> -> memref<1x128xi32, #tpu.memory_space<vmem>>
        %dma_wait3A_578 = tpu.memref_squeeze %dma_wait3A_577 : memref<1x128xi32, #tpu.memory_space<vmem>> -> memref<128xi32, #tpu.memory_space<vmem>>
        %dma_wait3A_579 = arith.constant 0 : i32
        %dma_wait3A_580 = arith.constant 0 : i32
        %dma_wait3A_581 = tpu.memref_slice %arg22[%dma_wait3A_579, %dma_wait3A_580] : memref<10240x128xf32, #tpu.memory_space<vmem_shared>> -> memref<10240x128xf32, #tpu.memory_space<vmem_shared>>
        tpu.wait_indirect_dma semaphore(%arg18 : memref<!tpu.dma_semaphore, #tpu.memory_space<semaphore_mem>>) src(%arg9 : memref<128x128xf32, #tpu.memory_space<vmem>>) dst(%dma_wait3A_581 : memref<10240x128xf32, #tpu.memory_space<vmem_shared>>)
        %dma_wait3A_582 = arith.constant 7 : i32
        %dma_wait3A_583 = arith.constant 0 : i32
        %dma_wait3A_584 = tpu.memref_slice %arg7[%dma_wait3A_582, %dma_wait3A_583] : memref<8x128xi32, #tpu.memory_space<vmem>> -> memref<1x128xi32, #tpu.memory_space<vmem>>
        %dma_wait3A_585 = tpu.memref_squeeze %dma_wait3A_584 : memref<1x128xi32, #tpu.memory_space<vmem>> -> memref<128xi32, #tpu.memory_space<vmem>>
        %dma_wait3A_586 = arith.constant 0 : i32
        %dma_wait3A_587 = tpu.memref_slice %arg23[%dma_wait3A_586] : memref<10240xf32, #tpu.memory_space<vmem_shared>> -> memref<10240xf32, #tpu.memory_space<vmem_shared>>
        tpu.wait_indirect_dma semaphore(%arg21 : memref<!tpu.dma_semaphore, #tpu.memory_space<semaphore_mem>>) src(%arg10 : memref<128xf32, #tpu.memory_space<vmem>>) dst(%dma_wait3A_587 : memref<10240xf32, #tpu.memory_space<vmem_shared>>)
      } else {
      }
      %add3A_279 = arith.constant 1 : i32
      %add3A_280 = arith.addi %add3A_272, %add3A_279 : i32
      %lt3A = arith.constant 20 : i32
      %lt3A_281 = arith.cmpi slt, %add3A_280, %lt3A : i32
      %convert_element_type3A_282 = arith.extui %lt3A_281 : i1 to i32
      %cond3A_283 = arith.constant 0 : i32
      %cond3A_284 = arith.cmpi ne, %convert_element_type3A_282, %cond3A_283 : i32
      scf.if %cond3A_284 {
        %add3A_575 = arith.constant 1 : i32
        %add3A_576 = arith.addi %add3A_272, %add3A_575 : i32
        %dma_start3A_577 = arith.constant 0 : i32
        %dma_start3A_578 = arith.constant 0 : i32
        %dma_start3A_579 = tpu.memref_slice %arg2[%add3A, %add3A_576, %dma_start3A_577, %dma_start3A_578] : memref<32x20x8x128xi32, #tpu.memory_space<hbm>> -> memref<1x1x8x128xi32, #tpu.memory_space<hbm>>
        %dma_start3A_580 = tpu.memref_squeeze %dma_start3A_579 : memref<1x1x8x128xi32, #tpu.memory_space<hbm>> -> memref<8x128xi32, #tpu.memory_space<hbm>>
        %dma_start3A_581 = arith.constant 0 : i32
        %dma_start3A_582 = arith.constant 0 : i32
        %dma_start3A_583 = tpu.memref_slice %arg2[%add3A, %add3A_576, %dma_start3A_581, %dma_start3A_582] : memref<32x20x8x128xi32, #tpu.memory_space<hbm>> -> memref<1x1x8x128xi32, #tpu.memory_space<hbm>>
        %dma_start3A_584 = tpu.memref_squeeze %dma_start3A_583 : memref<1x1x8x128xi32, #tpu.memory_space<hbm>> -> memref<8x128xi32, #tpu.memory_space<hbm>>
        tpu.enqueue_dma source(%dma_start3A_584 : memref<8x128xi32, #tpu.memory_space<hbm>>) target(%arg7 : memref<8x128xi32, #tpu.memory_space<vmem>>) target_semaphore(%arg14 : memref<!tpu.dma_semaphore, #tpu.memory_space<semaphore_mem>>)
      } else {
      }
      %add3A_285 = arith.constant 1 : i32
      %add3A_286 = arith.addi %add3A_276, %add3A_285 : i32
      %lt3A_287 = arith.constant 80 : i32
      %lt3A_288 = arith.cmpi slt, %add3A_286, %lt3A_287 : i32
      %convert_element_type3A_289 = arith.extui %lt3A_288 : i1 to i32
      %cond3A_290 = arith.constant 0 : i32
      %cond3A_291 = arith.cmpi ne, %convert_element_type3A_289, %cond3A_290 : i32
      scf.if %cond3A_291 {
        %dma_start3A_575 = arith.constant 2 : i32
        %dma_start3A_576 = arith.constant 0 : i32
        %dma_start3A_577 = tpu.memref_slice %arg6[%dma_start3A_575, %dma_start3A_576] : memref<8x128xi32, #tpu.memory_space<vmem>> -> memref<1x128xi32, #tpu.memory_space<vmem>>
        %dma_start3A_578 = tpu.memref_squeeze %dma_start3A_577 : memref<1x128xi32, #tpu.memory_space<vmem>> -> memref<128xi32, #tpu.memory_space<vmem>>
        %dma_start3A_579 = arith.constant 0 : i32
        %dma_start3A_580 = arith.constant 0 : i32
        %dma_start3A_581 = tpu.memref_slice %arg3[%dma_start3A_579, %dma_start3A_580] : memref<10000x128xf32, #tpu.memory_space<hbm>> -> memref<10000x128xf32, #tpu.memory_space<hbm>>
        tpu.enqueue_indirect_dma source(%dma_start3A_581 : memref<10000x128xf32, #tpu.memory_space<hbm>>) target(%arg9 : memref<128x128xf32, #tpu.memory_space<vmem>>) offsets(%dma_start3A_578 : memref<128xi32, #tpu.memory_space<vmem>>) semaphore(%arg16 : memref<!tpu.dma_semaphore, #tpu.memory_space<semaphore_mem>>)
      } else {
      }
      %dma_wait3A_292 = arith.constant 0 : i32
      %dma_wait3A_293 = arith.constant 0 : i32
      %dma_wait3A_294 = tpu.memref_slice %arg6[%dma_wait3A_292, %dma_wait3A_293] : memref<8x128xi32, #tpu.memory_space<vmem>> -> memref<1x128xi32, #tpu.memory_space<vmem>>
      %dma_wait3A_295 = tpu.memref_squeeze %dma_wait3A_294 : memref<1x128xi32, #tpu.memory_space<vmem>> -> memref<128xi32, #tpu.memory_space<vmem>>
      %dma_wait3A_296 = arith.constant 0 : i32
      %dma_wait3A_297 = arith.constant 0 : i32
      %dma_wait3A_298 = tpu.memref_slice %arg3[%dma_wait3A_296, %dma_wait3A_297] : memref<10000x128xf32, #tpu.memory_space<hbm>> -> memref<10000x128xf32, #tpu.memory_space<hbm>>
      tpu.wait_indirect_dma semaphore(%arg15 : memref<!tpu.dma_semaphore, #tpu.memory_space<semaphore_mem>>) src(%dma_wait3A_298 : memref<10000x128xf32, #tpu.memory_space<hbm>>) dst(%arg8 : memref<128x128xf32, #tpu.memory_space<vmem>>)
      %dma_start3A_299 = arith.constant 1 : i32
      %dma_start3A_300 = arith.constant 0 : i32
      %dma_start3A_301 = tpu.memref_slice %arg6[%dma_start3A_299, %dma_start3A_300] : memref<8x128xi32, #tpu.memory_space<vmem>> -> memref<1x128xi32, #tpu.memory_space<vmem>>
      %dma_start3A_302 = tpu.memref_squeeze %dma_start3A_301 : memref<1x128xi32, #tpu.memory_space<vmem>> -> memref<128xi32, #tpu.memory_space<vmem>>
      %dma_start3A_303 = arith.constant 0 : i32
      %dma_start3A_304 = arith.constant 0 : i32
      %dma_start3A_305 = tpu.memref_slice %arg22[%dma_start3A_303, %dma_start3A_304] : memref<10240x128xf32, #tpu.memory_space<vmem_shared>> -> memref<10240x128xf32, #tpu.memory_space<vmem_shared>>
      tpu.enqueue_indirect_dma source(%arg8 : memref<128x128xf32, #tpu.memory_space<vmem>>) target(%dma_start3A_305 : memref<10240x128xf32, #tpu.memory_space<vmem_shared>>) offsets(%dma_start3A_302 : memref<128xi32, #tpu.memory_space<vmem>>) semaphore(%arg17 : memref<!tpu.dma_semaphore, #tpu.memory_space<semaphore_mem>>) {add = true}
      %dma_start3A_306 = arith.constant 1 : i32
      %dma_start3A_307 = arith.constant 0 : i32
      %dma_start3A_308 = tpu.memref_slice %arg6[%dma_start3A_306, %dma_start3A_307] : memref<8x128xi32, #tpu.memory_space<vmem>> -> memref<1x128xi32, #tpu.memory_space<vmem>>
      %dma_start3A_309 = tpu.memref_squeeze %dma_start3A_308 : memref<1x128xi32, #tpu.memory_space<vmem>> -> memref<128xi32, #tpu.memory_space<vmem>>
      %dma_start3A_310 = arith.constant 0 : i32
      %dma_start3A_311 = tpu.memref_slice %arg23[%dma_start3A_310] : memref<10240xf32, #tpu.memory_space<vmem_shared>> -> memref<10240xf32, #tpu.memory_space<vmem_shared>>
      tpu.enqueue_indirect_dma source(%arg10 : memref<128xf32, #tpu.memory_space<vmem>>) target(%dma_start3A_311 : memref<10240xf32, #tpu.memory_space<vmem_shared>>) offsets(%dma_start3A_309 : memref<128xi32, #tpu.memory_space<vmem>>) semaphore(%arg20 : memref<!tpu.dma_semaphore, #tpu.memory_space<semaphore_mem>>) {add = true}
      %mul3A_312 = arith.constant 4 : i32
      %mul3A_313 = arith.muli %mul3A_312, %add3A_272 : i32
      %add3A_314 = arith.constant 1 : i32
      %add3A_315 = arith.addi %mul3A_313, %add3A_314 : i32
      %ge3A_316 = arith.constant 1 : i32
      %ge3A_317 = arith.cmpi sge, %add3A_315, %ge3A_316 : i32
      %convert_element_type3A_318 = arith.extui %ge3A_317 : i1 to i32
      %cond3A_319 = arith.constant 0 : i32
      %cond3A_320 = arith.cmpi ne, %convert_element_type3A_318, %cond3A_319 : i32
      scf.if %cond3A_320 {
        %dma_wait3A_575 = arith.constant 1 : i32
        %dma_wait3A_576 = arith.constant 0 : i32
        %dma_wait3A_577 = tpu.memref_slice %arg6[%dma_wait3A_575, %dma_wait3A_576] : memref<8x128xi32, #tpu.memory_space<vmem>> -> memref<1x128xi32, #tpu.memory_space<vmem>>
        %dma_wait3A_578 = tpu.memref_squeeze %dma_wait3A_577 : memref<1x128xi32, #tpu.memory_space<vmem>> -> memref<128xi32, #tpu.memory_space<vmem>>
        %dma_wait3A_579 = arith.constant 0 : i32
        %dma_wait3A_580 = arith.constant 0 : i32
        %dma_wait3A_581 = tpu.memref_slice %arg22[%dma_wait3A_579, %dma_wait3A_580] : memref<10240x128xf32, #tpu.memory_space<vmem_shared>> -> memref<10240x128xf32, #tpu.memory_space<vmem_shared>>
        tpu.wait_indirect_dma semaphore(%arg17 : memref<!tpu.dma_semaphore, #tpu.memory_space<semaphore_mem>>) src(%arg8 : memref<128x128xf32, #tpu.memory_space<vmem>>) dst(%dma_wait3A_581 : memref<10240x128xf32, #tpu.memory_space<vmem_shared>>)
        %dma_wait3A_582 = arith.constant 1 : i32
        %dma_wait3A_583 = arith.constant 0 : i32
        %dma_wait3A_584 = tpu.memref_slice %arg6[%dma_wait3A_582, %dma_wait3A_583] : memref<8x128xi32, #tpu.memory_space<vmem>> -> memref<1x128xi32, #tpu.memory_space<vmem>>
        %dma_wait3A_585 = tpu.memref_squeeze %dma_wait3A_584 : memref<1x128xi32, #tpu.memory_space<vmem>> -> memref<128xi32, #tpu.memory_space<vmem>>
        %dma_wait3A_586 = arith.constant 0 : i32
        %dma_wait3A_587 = tpu.memref_slice %arg23[%dma_wait3A_586] : memref<10240xf32, #tpu.memory_space<vmem_shared>> -> memref<10240xf32, #tpu.memory_space<vmem_shared>>
        tpu.wait_indirect_dma semaphore(%arg20 : memref<!tpu.dma_semaphore, #tpu.memory_space<semaphore_mem>>) src(%arg10 : memref<128xf32, #tpu.memory_space<vmem>>) dst(%dma_wait3A_587 : memref<10240xf32, #tpu.memory_space<vmem_shared>>)
      } else {
      }
      %add3A_321 = arith.constant 1 : i32
      %add3A_322 = arith.addi %add3A_315, %add3A_321 : i32
      %lt3A_323 = arith.constant 80 : i32
      %lt3A_324 = arith.cmpi slt, %add3A_322, %lt3A_323 : i32
      %convert_element_type3A_325 = arith.extui %lt3A_324 : i1 to i32
      %cond3A_326 = arith.constant 0 : i32
      %cond3A_327 = arith.cmpi ne, %convert_element_type3A_325, %cond3A_326 : i32
      scf.if %cond3A_327 {
        %dma_start3A_575 = arith.constant 4 : i32
        %dma_start3A_576 = arith.constant 0 : i32
        %dma_start3A_577 = tpu.memref_slice %arg6[%dma_start3A_575, %dma_start3A_576] : memref<8x128xi32, #tpu.memory_space<vmem>> -> memref<1x128xi32, #tpu.memory_space<vmem>>
        %dma_start3A_578 = tpu.memref_squeeze %dma_start3A_577 : memref<1x128xi32, #tpu.memory_space<vmem>> -> memref<128xi32, #tpu.memory_space<vmem>>
        %dma_start3A_579 = arith.constant 0 : i32
        %dma_start3A_580 = arith.constant 0 : i32
        %dma_start3A_581 = tpu.memref_slice %arg3[%dma_start3A_579, %dma_start3A_580] : memref<10000x128xf32, #tpu.memory_space<hbm>> -> memref<10000x128xf32, #tpu.memory_space<hbm>>
        tpu.enqueue_indirect_dma source(%dma_start3A_581 : memref<10000x128xf32, #tpu.memory_space<hbm>>) target(%arg8 : memref<128x128xf32, #tpu.memory_space<vmem>>) offsets(%dma_start3A_578 : memref<128xi32, #tpu.memory_space<vmem>>) semaphore(%arg15 : memref<!tpu.dma_semaphore, #tpu.memory_space<semaphore_mem>>)
      } else {
      }
      %dma_wait3A_328 = arith.constant 2 : i32
      %dma_wait3A_329 = arith.constant 0 : i32
      %dma_wait3A_330 = tpu.memref_slice %arg6[%dma_wait3A_328, %dma_wait3A_329] : memref<8x128xi32, #tpu.memory_space<vmem>> -> memref<1x128xi32, #tpu.memory_space<vmem>>
      %dma_wait3A_331 = tpu.memref_squeeze %dma_wait3A_330 : memref<1x128xi32, #tpu.memory_space<vmem>> -> memref<128xi32, #tpu.memory_space<vmem>>
      %dma_wait3A_332 = arith.constant 0 : i32
      %dma_wait3A_333 = arith.constant 0 : i32
      %dma_wait3A_334 = tpu.memref_slice %arg3[%dma_wait3A_332, %dma_wait3A_333] : memref<10000x128xf32, #tpu.memory_space<hbm>> -> memref<10000x128xf32, #tpu.memory_space<hbm>>
      tpu.wait_indirect_dma semaphore(%arg16 : memref<!tpu.dma_semaphore, #tpu.memory_space<semaphore_mem>>) src(%dma_wait3A_334 : memref<10000x128xf32, #tpu.memory_space<hbm>>) dst(%arg9 : memref<128x128xf32, #tpu.memory_space<vmem>>)
      %dma_start3A_335 = arith.constant 3 : i32
      %dma_start3A_336 = arith.constant 0 : i32
      %dma_start3A_337 = tpu.memref_slice %arg6[%dma_start3A_335, %dma_start3A_336] : memref<8x128xi32, #tpu.memory_space<vmem>> -> memref<1x128xi32, #tpu.memory_space<vmem>>
      %dma_start3A_338 = tpu.memref_squeeze %dma_start3A_337 : memref<1x128xi32, #tpu.memory_space<vmem>> -> memref<128xi32, #tpu.memory_space<vmem>>
      %dma_start3A_339 = arith.constant 0 : i32
      %dma_start3A_340 = arith.constant 0 : i32
      %dma_start3A_341 = tpu.memref_slice %arg22[%dma_start3A_339, %dma_start3A_340] : memref<10240x128xf32, #tpu.memory_space<vmem_shared>> -> memref<10240x128xf32, #tpu.memory_space<vmem_shared>>
      tpu.enqueue_indirect_dma source(%arg9 : memref<128x128xf32, #tpu.memory_space<vmem>>) target(%dma_start3A_341 : memref<10240x128xf32, #tpu.memory_space<vmem_shared>>) offsets(%dma_start3A_338 : memref<128xi32, #tpu.memory_space<vmem>>) semaphore(%arg18 : memref<!tpu.dma_semaphore, #tpu.memory_space<semaphore_mem>>) {add = true}
      %dma_start3A_342 = arith.constant 3 : i32
      %dma_start3A_343 = arith.constant 0 : i32
      %dma_start3A_344 = tpu.memref_slice %arg6[%dma_start3A_342, %dma_start3A_343] : memref<8x128xi32, #tpu.memory_space<vmem>> -> memref<1x128xi32, #tpu.memory_space<vmem>>
      %dma_start3A_345 = tpu.memref_squeeze %dma_start3A_344 : memref<1x128xi32, #tpu.memory_space<vmem>> -> memref<128xi32, #tpu.memory_space<vmem>>
      %dma_start3A_346 = arith.constant 0 : i32
      %dma_start3A_347 = tpu.memref_slice %arg23[%dma_start3A_346] : memref<10240xf32, #tpu.memory_space<vmem_shared>> -> memref<10240xf32, #tpu.memory_space<vmem_shared>>
      tpu.enqueue_indirect_dma source(%arg10 : memref<128xf32, #tpu.memory_space<vmem>>) target(%dma_start3A_347 : memref<10240xf32, #tpu.memory_space<vmem_shared>>) offsets(%dma_start3A_345 : memref<128xi32, #tpu.memory_space<vmem>>) semaphore(%arg21 : memref<!tpu.dma_semaphore, #tpu.memory_space<semaphore_mem>>) {add = true}
      %mul3A_348 = arith.constant 4 : i32
      %mul3A_349 = arith.muli %mul3A_348, %add3A_272 : i32
      %add3A_350 = arith.constant 2 : i32
      %add3A_351 = arith.addi %mul3A_349, %add3A_350 : i32
      %ge3A_352 = arith.constant 1 : i32
      %ge3A_353 = arith.cmpi sge, %add3A_351, %ge3A_352 : i32
      %convert_element_type3A_354 = arith.extui %ge3A_353 : i1 to i32
      %cond3A_355 = arith.constant 0 : i32
      %cond3A_356 = arith.cmpi ne, %convert_element_type3A_354, %cond3A_355 : i32
      scf.if %cond3A_356 {
        %dma_wait3A_575 = arith.constant 3 : i32
        %dma_wait3A_576 = arith.constant 0 : i32
        %dma_wait3A_577 = tpu.memref_slice %arg6[%dma_wait3A_575, %dma_wait3A_576] : memref<8x128xi32, #tpu.memory_space<vmem>> -> memref<1x128xi32, #tpu.memory_space<vmem>>
        %dma_wait3A_578 = tpu.memref_squeeze %dma_wait3A_577 : memref<1x128xi32, #tpu.memory_space<vmem>> -> memref<128xi32, #tpu.memory_space<vmem>>
        %dma_wait3A_579 = arith.constant 0 : i32
        %dma_wait3A_580 = arith.constant 0 : i32
        %dma_wait3A_581 = tpu.memref_slice %arg22[%dma_wait3A_579, %dma_wait3A_580] : memref<10240x128xf32, #tpu.memory_space<vmem_shared>> -> memref<10240x128xf32, #tpu.memory_space<vmem_shared>>
        tpu.wait_indirect_dma semaphore(%arg18 : memref<!tpu.dma_semaphore, #tpu.memory_space<semaphore_mem>>) src(%arg9 : memref<128x128xf32, #tpu.memory_space<vmem>>) dst(%dma_wait3A_581 : memref<10240x128xf32, #tpu.memory_space<vmem_shared>>)
        %dma_wait3A_582 = arith.constant 3 : i32
        %dma_wait3A_583 = arith.constant 0 : i32
        %dma_wait3A_584 = tpu.memref_slice %arg6[%dma_wait3A_582, %dma_wait3A_583] : memref<8x128xi32, #tpu.memory_space<vmem>> -> memref<1x128xi32, #tpu.memory_space<vmem>>
        %dma_wait3A_585 = tpu.memref_squeeze %dma_wait3A_584 : memref<1x128xi32, #tpu.memory_space<vmem>> -> memref<128xi32, #tpu.memory_space<vmem>>
        %dma_wait3A_586 = arith.constant 0 : i32
        %dma_wait3A_587 = tpu.memref_slice %arg23[%dma_wait3A_586] : memref<10240xf32, #tpu.memory_space<vmem_shared>> -> memref<10240xf32, #tpu.memory_space<vmem_shared>>
        tpu.wait_indirect_dma semaphore(%arg21 : memref<!tpu.dma_semaphore, #tpu.memory_space<semaphore_mem>>) src(%arg10 : memref<128xf32, #tpu.memory_space<vmem>>) dst(%dma_wait3A_587 : memref<10240xf32, #tpu.memory_space<vmem_shared>>)
      } else {
      }
      %add3A_357 = arith.constant 1 : i32
      %add3A_358 = arith.addi %add3A_351, %add3A_357 : i32
      %lt3A_359 = arith.constant 80 : i32
      %lt3A_360 = arith.cmpi slt, %add3A_358, %lt3A_359 : i32
      %convert_element_type3A_361 = arith.extui %lt3A_360 : i1 to i32
      %cond3A_362 = arith.constant 0 : i32
      %cond3A_363 = arith.cmpi ne, %convert_element_type3A_361, %cond3A_362 : i32
      scf.if %cond3A_363 {
        %dma_start3A_575 = arith.constant 6 : i32
        %dma_start3A_576 = arith.constant 0 : i32
        %dma_start3A_577 = tpu.memref_slice %arg6[%dma_start3A_575, %dma_start3A_576] : memref<8x128xi32, #tpu.memory_space<vmem>> -> memref<1x128xi32, #tpu.memory_space<vmem>>
        %dma_start3A_578 = tpu.memref_squeeze %dma_start3A_577 : memref<1x128xi32, #tpu.memory_space<vmem>> -> memref<128xi32, #tpu.memory_space<vmem>>
        %dma_start3A_579 = arith.constant 0 : i32
        %dma_start3A_580 = arith.constant 0 : i32
        %dma_start3A_581 = tpu.memref_slice %arg3[%dma_start3A_579, %dma_start3A_580] : memref<10000x128xf32, #tpu.memory_space<hbm>> -> memref<10000x128xf32, #tpu.memory_space<hbm>>
        tpu.enqueue_indirect_dma source(%dma_start3A_581 : memref<10000x128xf32, #tpu.memory_space<hbm>>) target(%arg9 : memref<128x128xf32, #tpu.memory_space<vmem>>) offsets(%dma_start3A_578 : memref<128xi32, #tpu.memory_space<vmem>>) semaphore(%arg16 : memref<!tpu.dma_semaphore, #tpu.memory_space<semaphore_mem>>)
      } else {
      }
      %dma_wait3A_364 = arith.constant 4 : i32
      %dma_wait3A_365 = arith.constant 0 : i32
      %dma_wait3A_366 = tpu.memref_slice %arg6[%dma_wait3A_364, %dma_wait3A_365] : memref<8x128xi32, #tpu.memory_space<vmem>> -> memref<1x128xi32, #tpu.memory_space<vmem>>
      %dma_wait3A_367 = tpu.memref_squeeze %dma_wait3A_366 : memref<1x128xi32, #tpu.memory_space<vmem>> -> memref<128xi32, #tpu.memory_space<vmem>>
      %dma_wait3A_368 = arith.constant 0 : i32
      %dma_wait3A_369 = arith.constant 0 : i32
      %dma_wait3A_370 = tpu.memref_slice %arg3[%dma_wait3A_368, %dma_wait3A_369] : memref<10000x128xf32, #tpu.memory_space<hbm>> -> memref<10000x128xf32, #tpu.memory_space<hbm>>
      tpu.wait_indirect_dma semaphore(%arg15 : memref<!tpu.dma_semaphore, #tpu.memory_space<semaphore_mem>>) src(%dma_wait3A_370 : memref<10000x128xf32, #tpu.memory_space<hbm>>) dst(%arg8 : memref<128x128xf32, #tpu.memory_space<vmem>>)
      %dma_start3A_371 = arith.constant 5 : i32
      %dma_start3A_372 = arith.constant 0 : i32
      %dma_start3A_373 = tpu.memref_slice %arg6[%dma_start3A_371, %dma_start3A_372] : memref<8x128xi32, #tpu.memory_space<vmem>> -> memref<1x128xi32, #tpu.memory_space<vmem>>
      %dma_start3A_374 = tpu.memref_squeeze %dma_start3A_373 : memref<1x128xi32, #tpu.memory_space<vmem>> -> memref<128xi32, #tpu.memory_space<vmem>>
      %dma_start3A_375 = arith.constant 0 : i32
      %dma_start3A_376 = arith.constant 0 : i32
      %dma_start3A_377 = tpu.memref_slice %arg22[%dma_start3A_375, %dma_start3A_376] : memref<10240x128xf32, #tpu.memory_space<vmem_shared>> -> memref<10240x128xf32, #tpu.memory_space<vmem_shared>>
      tpu.enqueue_indirect_dma source(%arg8 : memref<128x128xf32, #tpu.memory_space<vmem>>) target(%dma_start3A_377 : memref<10240x128xf32, #tpu.memory_space<vmem_shared>>) offsets(%dma_start3A_374 : memref<128xi32, #tpu.memory_space<vmem>>) semaphore(%arg17 : memref<!tpu.dma_semaphore, #tpu.memory_space<semaphore_mem>>) {add = true}
      %dma_start3A_378 = arith.constant 5 : i32
      %dma_start3A_379 = arith.constant 0 : i32
      %dma_start3A_380 = tpu.memref_slice %arg6[%dma_start3A_378, %dma_start3A_379] : memref<8x128xi32, #tpu.memory_space<vmem>> -> memref<1x128xi32, #tpu.memory_space<vmem>>
      %dma_start3A_381 = tpu.memref_squeeze %dma_start3A_380 : memref<1x128xi32, #tpu.memory_space<vmem>> -> memref<128xi32, #tpu.memory_space<vmem>>
      %dma_start3A_382 = arith.constant 0 : i32
      %dma_start3A_383 = tpu.memref_slice %arg23[%dma_start3A_382] : memref<10240xf32, #tpu.memory_space<vmem_shared>> -> memref<10240xf32, #tpu.memory_space<vmem_shared>>
      tpu.enqueue_indirect_dma source(%arg10 : memref<128xf32, #tpu.memory_space<vmem>>) target(%dma_start3A_383 : memref<10240xf32, #tpu.memory_space<vmem_shared>>) offsets(%dma_start3A_381 : memref<128xi32, #tpu.memory_space<vmem>>) semaphore(%arg20 : memref<!tpu.dma_semaphore, #tpu.memory_space<semaphore_mem>>) {add = true}
      %mul3A_384 = arith.constant 4 : i32
      %mul3A_385 = arith.muli %mul3A_384, %add3A_272 : i32
      %add3A_386 = arith.constant 3 : i32
      %add3A_387 = arith.addi %mul3A_385, %add3A_386 : i32
      %ge3A_388 = arith.constant 1 : i32
      %ge3A_389 = arith.cmpi sge, %add3A_387, %ge3A_388 : i32
      %convert_element_type3A_390 = arith.extui %ge3A_389 : i1 to i32
      %cond3A_391 = arith.constant 0 : i32
      %cond3A_392 = arith.cmpi ne, %convert_element_type3A_390, %cond3A_391 : i32
      scf.if %cond3A_392 {
        %dma_wait3A_575 = arith.constant 5 : i32
        %dma_wait3A_576 = arith.constant 0 : i32
        %dma_wait3A_577 = tpu.memref_slice %arg6[%dma_wait3A_575, %dma_wait3A_576] : memref<8x128xi32, #tpu.memory_space<vmem>> -> memref<1x128xi32, #tpu.memory_space<vmem>>
        %dma_wait3A_578 = tpu.memref_squeeze %dma_wait3A_577 : memref<1x128xi32, #tpu.memory_space<vmem>> -> memref<128xi32, #tpu.memory_space<vmem>>
        %dma_wait3A_579 = arith.constant 0 : i32
        %dma_wait3A_580 = arith.constant 0 : i32
        %dma_wait3A_581 = tpu.memref_slice %arg22[%dma_wait3A_579, %dma_wait3A_580] : memref<10240x128xf32, #tpu.memory_space<vmem_shared>> -> memref<10240x128xf32, #tpu.memory_space<vmem_shared>>
        tpu.wait_indirect_dma semaphore(%arg17 : memref<!tpu.dma_semaphore, #tpu.memory_space<semaphore_mem>>) src(%arg8 : memref<128x128xf32, #tpu.memory_space<vmem>>) dst(%dma_wait3A_581 : memref<10240x128xf32, #tpu.memory_space<vmem_shared>>)
        %dma_wait3A_582 = arith.constant 5 : i32
        %dma_wait3A_583 = arith.constant 0 : i32
        %dma_wait3A_584 = tpu.memref_slice %arg6[%dma_wait3A_582, %dma_wait3A_583] : memref<8x128xi32, #tpu.memory_space<vmem>> -> memref<1x128xi32, #tpu.memory_space<vmem>>
        %dma_wait3A_585 = tpu.memref_squeeze %dma_wait3A_584 : memref<1x128xi32, #tpu.memory_space<vmem>> -> memref<128xi32, #tpu.memory_space<vmem>>
        %dma_wait3A_586 = arith.constant 0 : i32
        %dma_wait3A_587 = tpu.memref_slice %arg23[%dma_wait3A_586] : memref<10240xf32, #tpu.memory_space<vmem_shared>> -> memref<10240xf32, #tpu.memory_space<vmem_shared>>
        tpu.wait_indirect_dma semaphore(%arg20 : memref<!tpu.dma_semaphore, #tpu.memory_space<semaphore_mem>>) src(%arg10 : memref<128xf32, #tpu.memory_space<vmem>>) dst(%dma_wait3A_587 : memref<10240xf32, #tpu.memory_space<vmem_shared>>)
      } else {
      }
      %add3A_393 = arith.constant 1 : i32
      %add3A_394 = arith.addi %add3A_387, %add3A_393 : i32
      %lt3A_395 = arith.constant 80 : i32
      %lt3A_396 = arith.cmpi slt, %add3A_394, %lt3A_395 : i32
      %convert_element_type3A_397 = arith.extui %lt3A_396 : i1 to i32
      %cond3A_398 = arith.constant 0 : i32
      %cond3A_399 = arith.cmpi ne, %convert_element_type3A_397, %cond3A_398 : i32
      scf.if %cond3A_399 {
        %add3A_575 = arith.constant 1 : i32
        %add3A_576 = arith.addi %add3A_272, %add3A_575 : i32
        %dma_wait3A_577 = arith.constant 0 : i32
        %dma_wait3A_578 = arith.constant 0 : i32
        %dma_wait3A_579 = tpu.memref_slice %arg2[%add3A, %add3A_576, %dma_wait3A_577, %dma_wait3A_578] : memref<32x20x8x128xi32, #tpu.memory_space<hbm>> -> memref<1x1x8x128xi32, #tpu.memory_space<hbm>>
        %dma_wait3A_580 = tpu.memref_squeeze %dma_wait3A_579 : memref<1x1x8x128xi32, #tpu.memory_space<hbm>> -> memref<8x128xi32, #tpu.memory_space<hbm>>
        %dma_wait3A_581 = arith.constant 0 : i32
        %dma_wait3A_582 = arith.constant 0 : i32
        %dma_wait3A_583 = tpu.memref_slice %arg2[%add3A, %add3A_576, %dma_wait3A_581, %dma_wait3A_582] : memref<32x20x8x128xi32, #tpu.memory_space<hbm>> -> memref<1x1x8x128xi32, #tpu.memory_space<hbm>>
        %dma_wait3A_584 = tpu.memref_squeeze %dma_wait3A_583 : memref<1x1x8x128xi32, #tpu.memory_space<hbm>> -> memref<8x128xi32, #tpu.memory_space<hbm>>
        tpu.wait_dma2 semaphore(%arg14 : memref<!tpu.dma_semaphore, #tpu.memory_space<semaphore_mem>>) src(%dma_wait3A_584 : memref<8x128xi32, #tpu.memory_space<hbm>>) dst(%arg7 : memref<8x128xi32, #tpu.memory_space<vmem>>)
        %dma_start3A_585 = arith.constant 0 : i32
        %dma_start3A_586 = arith.constant 0 : i32
        %dma_start3A_587 = tpu.memref_slice %arg7[%dma_start3A_585, %dma_start3A_586] : memref<8x128xi32, #tpu.memory_space<vmem>> -> memref<1x128xi32, #tpu.memory_space<vmem>>
        %dma_start3A_588 = tpu.memref_squeeze %dma_start3A_587 : memref<1x128xi32, #tpu.memory_space<vmem>> -> memref<128xi32, #tpu.memory_space<vmem>>
        %dma_start3A_589 = arith.constant 0 : i32
        %dma_start3A_590 = arith.constant 0 : i32
        %dma_start3A_591 = tpu.memref_slice %arg3[%dma_start3A_589, %dma_start3A_590] : memref<10000x128xf32, #tpu.memory_space<hbm>> -> memref<10000x128xf32, #tpu.memory_space<hbm>>
        tpu.enqueue_indirect_dma source(%dma_start3A_591 : memref<10000x128xf32, #tpu.memory_space<hbm>>) target(%arg8 : memref<128x128xf32, #tpu.memory_space<vmem>>) offsets(%dma_start3A_588 : memref<128xi32, #tpu.memory_space<vmem>>) semaphore(%arg15 : memref<!tpu.dma_semaphore, #tpu.memory_space<semaphore_mem>>)
      } else {
      }
      %dma_wait3A_400 = arith.constant 6 : i32
      %dma_wait3A_401 = arith.constant 0 : i32
      %dma_wait3A_402 = tpu.memref_slice %arg6[%dma_wait3A_400, %dma_wait3A_401] : memref<8x128xi32, #tpu.memory_space<vmem>> -> memref<1x128xi32, #tpu.memory_space<vmem>>
      %dma_wait3A_403 = tpu.memref_squeeze %dma_wait3A_402 : memref<1x128xi32, #tpu.memory_space<vmem>> -> memref<128xi32, #tpu.memory_space<vmem>>
      %dma_wait3A_404 = arith.constant 0 : i32
      %dma_wait3A_405 = arith.constant 0 : i32
      %dma_wait3A_406 = tpu.memref_slice %arg3[%dma_wait3A_404, %dma_wait3A_405] : memref<10000x128xf32, #tpu.memory_space<hbm>> -> memref<10000x128xf32, #tpu.memory_space<hbm>>
      tpu.wait_indirect_dma semaphore(%arg16 : memref<!tpu.dma_semaphore, #tpu.memory_space<semaphore_mem>>) src(%dma_wait3A_406 : memref<10000x128xf32, #tpu.memory_space<hbm>>) dst(%arg9 : memref<128x128xf32, #tpu.memory_space<vmem>>)
      %dma_start3A_407 = arith.constant 7 : i32
      %dma_start3A_408 = arith.constant 0 : i32
      %dma_start3A_409 = tpu.memref_slice %arg6[%dma_start3A_407, %dma_start3A_408] : memref<8x128xi32, #tpu.memory_space<vmem>> -> memref<1x128xi32, #tpu.memory_space<vmem>>
      %dma_start3A_410 = tpu.memref_squeeze %dma_start3A_409 : memref<1x128xi32, #tpu.memory_space<vmem>> -> memref<128xi32, #tpu.memory_space<vmem>>
      %dma_start3A_411 = arith.constant 0 : i32
      %dma_start3A_412 = arith.constant 0 : i32
      %dma_start3A_413 = tpu.memref_slice %arg22[%dma_start3A_411, %dma_start3A_412] : memref<10240x128xf32, #tpu.memory_space<vmem_shared>> -> memref<10240x128xf32, #tpu.memory_space<vmem_shared>>
      tpu.enqueue_indirect_dma source(%arg9 : memref<128x128xf32, #tpu.memory_space<vmem>>) target(%dma_start3A_413 : memref<10240x128xf32, #tpu.memory_space<vmem_shared>>) offsets(%dma_start3A_410 : memref<128xi32, #tpu.memory_space<vmem>>) semaphore(%arg18 : memref<!tpu.dma_semaphore, #tpu.memory_space<semaphore_mem>>) {add = true}
      %dma_start3A_414 = arith.constant 7 : i32
      %dma_start3A_415 = arith.constant 0 : i32
      %dma_start3A_416 = tpu.memref_slice %arg6[%dma_start3A_414, %dma_start3A_415] : memref<8x128xi32, #tpu.memory_space<vmem>> -> memref<1x128xi32, #tpu.memory_space<vmem>>
      %dma_start3A_417 = tpu.memref_squeeze %dma_start3A_416 : memref<1x128xi32, #tpu.memory_space<vmem>> -> memref<128xi32, #tpu.memory_space<vmem>>
      %dma_start3A_418 = arith.constant 0 : i32
      %dma_start3A_419 = tpu.memref_slice %arg23[%dma_start3A_418] : memref<10240xf32, #tpu.memory_space<vmem_shared>> -> memref<10240xf32, #tpu.memory_space<vmem_shared>>
      tpu.enqueue_indirect_dma source(%arg10 : memref<128xf32, #tpu.memory_space<vmem>>) target(%dma_start3A_419 : memref<10240xf32, #tpu.memory_space<vmem_shared>>) offsets(%dma_start3A_417 : memref<128xi32, #tpu.memory_space<vmem>>) semaphore(%arg21 : memref<!tpu.dma_semaphore, #tpu.memory_space<semaphore_mem>>) {add = true}
      %mul3A_420 = arith.constant 2 : i32
      %mul3A_421 = arith.muli %mul3A_420, %scan3A_268 : i32
      %add3A_422 = arith.constant 1 : i32
      %add3A_423 = arith.addi %mul3A_421, %add3A_422 : i32
      %mul3A_424 = arith.constant 4 : i32
      %mul3A_425 = arith.muli %mul3A_424, %add3A_423 : i32
      %add3A_426 = arith.constant 0 : i32
      %add3A_427 = arith.addi %mul3A_425, %add3A_426 : i32
      %ge3A_428 = arith.constant 1 : i32
      %ge3A_429 = arith.cmpi sge, %add3A_427, %ge3A_428 : i32
      %convert_element_type3A_430 = arith.extui %ge3A_429 : i1 to i32
      %cond3A_431 = arith.constant 0 : i32
      %cond3A_432 = arith.cmpi ne, %convert_element_type3A_430, %cond3A_431 : i32
      scf.if %cond3A_432 {
        %dma_wait3A_575 = arith.constant 7 : i32
        %dma_wait3A_576 = arith.constant 0 : i32
        %dma_wait3A_577 = tpu.memref_slice %arg6[%dma_wait3A_575, %dma_wait3A_576] : memref<8x128xi32, #tpu.memory_space<vmem>> -> memref<1x128xi32, #tpu.memory_space<vmem>>
        %dma_wait3A_578 = tpu.memref_squeeze %dma_wait3A_577 : memref<1x128xi32, #tpu.memory_space<vmem>> -> memref<128xi32, #tpu.memory_space<vmem>>
        %dma_wait3A_579 = arith.constant 0 : i32
        %dma_wait3A_580 = arith.constant 0 : i32
        %dma_wait3A_581 = tpu.memref_slice %arg22[%dma_wait3A_579, %dma_wait3A_580] : memref<10240x128xf32, #tpu.memory_space<vmem_shared>> -> memref<10240x128xf32, #tpu.memory_space<vmem_shared>>
        tpu.wait_indirect_dma semaphore(%arg18 : memref<!tpu.dma_semaphore, #tpu.memory_space<semaphore_mem>>) src(%arg9 : memref<128x128xf32, #tpu.memory_space<vmem>>) dst(%dma_wait3A_581 : memref<10240x128xf32, #tpu.memory_space<vmem_shared>>)
        %dma_wait3A_582 = arith.constant 7 : i32
        %dma_wait3A_583 = arith.constant 0 : i32
        %dma_wait3A_584 = tpu.memref_slice %arg6[%dma_wait3A_582, %dma_wait3A_583] : memref<8x128xi32, #tpu.memory_space<vmem>> -> memref<1x128xi32, #tpu.memory_space<vmem>>
        %dma_wait3A_585 = tpu.memref_squeeze %dma_wait3A_584 : memref<1x128xi32, #tpu.memory_space<vmem>> -> memref<128xi32, #tpu.memory_space<vmem>>
        %dma_wait3A_586 = arith.constant 0 : i32
        %dma_wait3A_587 = tpu.memref_slice %arg23[%dma_wait3A_586] : memref<10240xf32, #tpu.memory_space<vmem_shared>> -> memref<10240xf32, #tpu.memory_space<vmem_shared>>
        tpu.wait_indirect_dma semaphore(%arg21 : memref<!tpu.dma_semaphore, #tpu.memory_space<semaphore_mem>>) src(%arg10 : memref<128xf32, #tpu.memory_space<vmem>>) dst(%dma_wait3A_587 : memref<10240xf32, #tpu.memory_space<vmem_shared>>)
      } else {
      }
      %add3A_433 = arith.constant 1 : i32
      %add3A_434 = arith.addi %add3A_423, %add3A_433 : i32
      %lt3A_435 = arith.constant 20 : i32
      %lt3A_436 = arith.cmpi slt, %add3A_434, %lt3A_435 : i32
      %convert_element_type3A_437 = arith.extui %lt3A_436 : i1 to i32
      %cond3A_438 = arith.constant 0 : i32
      %cond3A_439 = arith.cmpi ne, %convert_element_type3A_437, %cond3A_438 : i32
      scf.if %cond3A_439 {
        %add3A_575 = arith.constant 1 : i32
        %add3A_576 = arith.addi %add3A_423, %add3A_575 : i32
        %dma_start3A_577 = arith.constant 0 : i32
        %dma_start3A_578 = arith.constant 0 : i32
        %dma_start3A_579 = tpu.memref_slice %arg2[%add3A, %add3A_576, %dma_start3A_577, %dma_start3A_578] : memref<32x20x8x128xi32, #tpu.memory_space<hbm>> -> memref<1x1x8x128xi32, #tpu.memory_space<hbm>>
        %dma_start3A_580 = tpu.memref_squeeze %dma_start3A_579 : memref<1x1x8x128xi32, #tpu.memory_space<hbm>> -> memref<8x128xi32, #tpu.memory_space<hbm>>
        %dma_start3A_581 = arith.constant 0 : i32
        %dma_start3A_582 = arith.constant 0 : i32
        %dma_start3A_583 = tpu.memref_slice %arg2[%add3A, %add3A_576, %dma_start3A_581, %dma_start3A_582] : memref<32x20x8x128xi32, #tpu.memory_space<hbm>> -> memref<1x1x8x128xi32, #tpu.memory_space<hbm>>
        %dma_start3A_584 = tpu.memref_squeeze %dma_start3A_583 : memref<1x1x8x128xi32, #tpu.memory_space<hbm>> -> memref<8x128xi32, #tpu.memory_space<hbm>>
        tpu.enqueue_dma source(%dma_start3A_584 : memref<8x128xi32, #tpu.memory_space<hbm>>) target(%arg6 : memref<8x128xi32, #tpu.memory_space<vmem>>) target_semaphore(%arg13 : memref<!tpu.dma_semaphore, #tpu.memory_space<semaphore_mem>>)
      } else {
      }
      %add3A_440 = arith.constant 1 : i32
      %add3A_441 = arith.addi %add3A_427, %add3A_440 : i32
      %lt3A_442 = arith.constant 80 : i32
      %lt3A_443 = arith.cmpi slt, %add3A_441, %lt3A_442 : i32
      %convert_element_type3A_444 = arith.extui %lt3A_443 : i1 to i32
      %cond3A_445 = arith.constant 0 : i32
      %cond3A_446 = arith.cmpi ne, %convert_element_type3A_444, %cond3A_445 : i32
      scf.if %cond3A_446 {
        %dma_start3A_575 = arith.constant 2 : i32
        %dma_start3A_576 = arith.constant 0 : i32
        %dma_start3A_577 = tpu.memref_slice %arg7[%dma_start3A_575, %dma_start3A_576] : memref<8x128xi32, #tpu.memory_space<vmem>> -> memref<1x128xi32, #tpu.memory_space<vmem>>
        %dma_start3A_578 = tpu.memref_squeeze %dma_start3A_577 : memref<1x128xi32, #tpu.memory_space<vmem>> -> memref<128xi32, #tpu.memory_space<vmem>>
        %dma_start3A_579 = arith.constant 0 : i32
        %dma_start3A_580 = arith.constant 0 : i32
        %dma_start3A_581 = tpu.memref_slice %arg3[%dma_start3A_579, %dma_start3A_580] : memref<10000x128xf32, #tpu.memory_space<hbm>> -> memref<10000x128xf32, #tpu.memory_space<hbm>>
        tpu.enqueue_indirect_dma source(%dma_start3A_581 : memref<10000x128xf32, #tpu.memory_space<hbm>>) target(%arg9 : memref<128x128xf32, #tpu.memory_space<vmem>>) offsets(%dma_start3A_578 : memref<128xi32, #tpu.memory_space<vmem>>) semaphore(%arg16 : memref<!tpu.dma_semaphore, #tpu.memory_space<semaphore_mem>>)
      } else {
      }
      %dma_wait3A_447 = arith.constant 0 : i32
      %dma_wait3A_448 = arith.constant 0 : i32
      %dma_wait3A_449 = tpu.memref_slice %arg7[%dma_wait3A_447, %dma_wait3A_448] : memref<8x128xi32, #tpu.memory_space<vmem>> -> memref<1x128xi32, #tpu.memory_space<vmem>>
      %dma_wait3A_450 = tpu.memref_squeeze %dma_wait3A_449 : memref<1x128xi32, #tpu.memory_space<vmem>> -> memref<128xi32, #tpu.memory_space<vmem>>
      %dma_wait3A_451 = arith.constant 0 : i32
      %dma_wait3A_452 = arith.constant 0 : i32
      %dma_wait3A_453 = tpu.memref_slice %arg3[%dma_wait3A_451, %dma_wait3A_452] : memref<10000x128xf32, #tpu.memory_space<hbm>> -> memref<10000x128xf32, #tpu.memory_space<hbm>>
      tpu.wait_indirect_dma semaphore(%arg15 : memref<!tpu.dma_semaphore, #tpu.memory_space<semaphore_mem>>) src(%dma_wait3A_453 : memref<10000x128xf32, #tpu.memory_space<hbm>>) dst(%arg8 : memref<128x128xf32, #tpu.memory_space<vmem>>)
      %dma_start3A_454 = arith.constant 1 : i32
      %dma_start3A_455 = arith.constant 0 : i32
      %dma_start3A_456 = tpu.memref_slice %arg7[%dma_start3A_454, %dma_start3A_455] : memref<8x128xi32, #tpu.memory_space<vmem>> -> memref<1x128xi32, #tpu.memory_space<vmem>>
      %dma_start3A_457 = tpu.memref_squeeze %dma_start3A_456 : memref<1x128xi32, #tpu.memory_space<vmem>> -> memref<128xi32, #tpu.memory_space<vmem>>
      %dma_start3A_458 = arith.constant 0 : i32
      %dma_start3A_459 = arith.constant 0 : i32
      %dma_start3A_460 = tpu.memref_slice %arg22[%dma_start3A_458, %dma_start3A_459] : memref<10240x128xf32, #tpu.memory_space<vmem_shared>> -> memref<10240x128xf32, #tpu.memory_space<vmem_shared>>
      tpu.enqueue_indirect_dma source(%arg8 : memref<128x128xf32, #tpu.memory_space<vmem>>) target(%dma_start3A_460 : memref<10240x128xf32, #tpu.memory_space<vmem_shared>>) offsets(%dma_start3A_457 : memref<128xi32, #tpu.memory_space<vmem>>) semaphore(%arg17 : memref<!tpu.dma_semaphore, #tpu.memory_space<semaphore_mem>>) {add = true}
      %dma_start3A_461 = arith.constant 1 : i32
      %dma_start3A_462 = arith.constant 0 : i32
      %dma_start3A_463 = tpu.memref_slice %arg7[%dma_start3A_461, %dma_start3A_462] : memref<8x128xi32, #tpu.memory_space<vmem>> -> memref<1x128xi32, #tpu.memory_space<vmem>>
      %dma_start3A_464 = tpu.memref_squeeze %dma_start3A_463 : memref<1x128xi32, #tpu.memory_space<vmem>> -> memref<128xi32, #tpu.memory_space<vmem>>
      %dma_start3A_465 = arith.constant 0 : i32
      %dma_start3A_466 = tpu.memref_slice %arg23[%dma_start3A_465] : memref<10240xf32, #tpu.memory_space<vmem_shared>> -> memref<10240xf32, #tpu.memory_space<vmem_shared>>
      tpu.enqueue_indirect_dma source(%arg10 : memref<128xf32, #tpu.memory_space<vmem>>) target(%dma_start3A_466 : memref<10240xf32, #tpu.memory_space<vmem_shared>>) offsets(%dma_start3A_464 : memref<128xi32, #tpu.memory_space<vmem>>) semaphore(%arg20 : memref<!tpu.dma_semaphore, #tpu.memory_space<semaphore_mem>>) {add = true}
      %mul3A_467 = arith.constant 4 : i32
      %mul3A_468 = arith.muli %mul3A_467, %add3A_423 : i32
      %add3A_469 = arith.constant 1 : i32
      %add3A_470 = arith.addi %mul3A_468, %add3A_469 : i32
      %ge3A_471 = arith.constant 1 : i32
      %ge3A_472 = arith.cmpi sge, %add3A_470, %ge3A_471 : i32
      %convert_element_type3A_473 = arith.extui %ge3A_472 : i1 to i32
      %cond3A_474 = arith.constant 0 : i32
      %cond3A_475 = arith.cmpi ne, %convert_element_type3A_473, %cond3A_474 : i32
      scf.if %cond3A_475 {
        %dma_wait3A_575 = arith.constant 1 : i32
        %dma_wait3A_576 = arith.constant 0 : i32
        %dma_wait3A_577 = tpu.memref_slice %arg7[%dma_wait3A_575, %dma_wait3A_576] : memref<8x128xi32, #tpu.memory_space<vmem>> -> memref<1x128xi32, #tpu.memory_space<vmem>>
        %dma_wait3A_578 = tpu.memref_squeeze %dma_wait3A_577 : memref<1x128xi32, #tpu.memory_space<vmem>> -> memref<128xi32, #tpu.memory_space<vmem>>
        %dma_wait3A_579 = arith.constant 0 : i32
        %dma_wait3A_580 = arith.constant 0 : i32
        %dma_wait3A_581 = tpu.memref_slice %arg22[%dma_wait3A_579, %dma_wait3A_580] : memref<10240x128xf32, #tpu.memory_space<vmem_shared>> -> memref<10240x128xf32, #tpu.memory_space<vmem_shared>>
        tpu.wait_indirect_dma semaphore(%arg17 : memref<!tpu.dma_semaphore, #tpu.memory_space<semaphore_mem>>) src(%arg8 : memref<128x128xf32, #tpu.memory_space<vmem>>) dst(%dma_wait3A_581 : memref<10240x128xf32, #tpu.memory_space<vmem_shared>>)
        %dma_wait3A_582 = arith.constant 1 : i32
        %dma_wait3A_583 = arith.constant 0 : i32
        %dma_wait3A_584 = tpu.memref_slice %arg7[%dma_wait3A_582, %dma_wait3A_583] : memref<8x128xi32, #tpu.memory_space<vmem>> -> memref<1x128xi32, #tpu.memory_space<vmem>>
        %dma_wait3A_585 = tpu.memref_squeeze %dma_wait3A_584 : memref<1x128xi32, #tpu.memory_space<vmem>> -> memref<128xi32, #tpu.memory_space<vmem>>
        %dma_wait3A_586 = arith.constant 0 : i32
        %dma_wait3A_587 = tpu.memref_slice %arg23[%dma_wait3A_586] : memref<10240xf32, #tpu.memory_space<vmem_shared>> -> memref<10240xf32, #tpu.memory_space<vmem_shared>>
        tpu.wait_indirect_dma semaphore(%arg20 : memref<!tpu.dma_semaphore, #tpu.memory_space<semaphore_mem>>) src(%arg10 : memref<128xf32, #tpu.memory_space<vmem>>) dst(%dma_wait3A_587 : memref<10240xf32, #tpu.memory_space<vmem_shared>>)
      } else {
      }
      %add3A_476 = arith.constant 1 : i32
      %add3A_477 = arith.addi %add3A_470, %add3A_476 : i32
      %lt3A_478 = arith.constant 80 : i32
      %lt3A_479 = arith.cmpi slt, %add3A_477, %lt3A_478 : i32
      %convert_element_type3A_480 = arith.extui %lt3A_479 : i1 to i32
      %cond3A_481 = arith.constant 0 : i32
      %cond3A_482 = arith.cmpi ne, %convert_element_type3A_480, %cond3A_481 : i32
      scf.if %cond3A_482 {
        %dma_start3A_575 = arith.constant 4 : i32
        %dma_start3A_576 = arith.constant 0 : i32
        %dma_start3A_577 = tpu.memref_slice %arg7[%dma_start3A_575, %dma_start3A_576] : memref<8x128xi32, #tpu.memory_space<vmem>> -> memref<1x128xi32, #tpu.memory_space<vmem>>
        %dma_start3A_578 = tpu.memref_squeeze %dma_start3A_577 : memref<1x128xi32, #tpu.memory_space<vmem>> -> memref<128xi32, #tpu.memory_space<vmem>>
        %dma_start3A_579 = arith.constant 0 : i32
        %dma_start3A_580 = arith.constant 0 : i32
        %dma_start3A_581 = tpu.memref_slice %arg3[%dma_start3A_579, %dma_start3A_580] : memref<10000x128xf32, #tpu.memory_space<hbm>> -> memref<10000x128xf32, #tpu.memory_space<hbm>>
        tpu.enqueue_indirect_dma source(%dma_start3A_581 : memref<10000x128xf32, #tpu.memory_space<hbm>>) target(%arg8 : memref<128x128xf32, #tpu.memory_space<vmem>>) offsets(%dma_start3A_578 : memref<128xi32, #tpu.memory_space<vmem>>) semaphore(%arg15 : memref<!tpu.dma_semaphore, #tpu.memory_space<semaphore_mem>>)
      } else {
      }
      %dma_wait3A_483 = arith.constant 2 : i32
      %dma_wait3A_484 = arith.constant 0 : i32
      %dma_wait3A_485 = tpu.memref_slice %arg7[%dma_wait3A_483, %dma_wait3A_484] : memref<8x128xi32, #tpu.memory_space<vmem>> -> memref<1x128xi32, #tpu.memory_space<vmem>>
      %dma_wait3A_486 = tpu.memref_squeeze %dma_wait3A_485 : memref<1x128xi32, #tpu.memory_space<vmem>> -> memref<128xi32, #tpu.memory_space<vmem>>
      %dma_wait3A_487 = arith.constant 0 : i32
      %dma_wait3A_488 = arith.constant 0 : i32
      %dma_wait3A_489 = tpu.memref_slice %arg3[%dma_wait3A_487, %dma_wait3A_488] : memref<10000x128xf32, #tpu.memory_space<hbm>> -> memref<10000x128xf32, #tpu.memory_space<hbm>>
      tpu.wait_indirect_dma semaphore(%arg16 : memref<!tpu.dma_semaphore, #tpu.memory_space<semaphore_mem>>) src(%dma_wait3A_489 : memref<10000x128xf32, #tpu.memory_space<hbm>>) dst(%arg9 : memref<128x128xf32, #tpu.memory_space<vmem>>)
      %dma_start3A_490 = arith.constant 3 : i32
      %dma_start3A_491 = arith.constant 0 : i32
      %dma_start3A_492 = tpu.memref_slice %arg7[%dma_start3A_490, %dma_start3A_491] : memref<8x128xi32, #tpu.memory_space<vmem>> -> memref<1x128xi32, #tpu.memory_space<vmem>>
      %dma_start3A_493 = tpu.memref_squeeze %dma_start3A_492 : memref<1x128xi32, #tpu.memory_space<vmem>> -> memref<128xi32, #tpu.memory_space<vmem>>
      %dma_start3A_494 = arith.constant 0 : i32
      %dma_start3A_495 = arith.constant 0 : i32
      %dma_start3A_496 = tpu.memref_slice %arg22[%dma_start3A_494, %dma_start3A_495] : memref<10240x128xf32, #tpu.memory_space<vmem_shared>> -> memref<10240x128xf32, #tpu.memory_space<vmem_shared>>
      tpu.enqueue_indirect_dma source(%arg9 : memref<128x128xf32, #tpu.memory_space<vmem>>) target(%dma_start3A_496 : memref<10240x128xf32, #tpu.memory_space<vmem_shared>>) offsets(%dma_start3A_493 : memref<128xi32, #tpu.memory_space<vmem>>) semaphore(%arg18 : memref<!tpu.dma_semaphore, #tpu.memory_space<semaphore_mem>>) {add = true}
      %dma_start3A_497 = arith.constant 3 : i32
      %dma_start3A_498 = arith.constant 0 : i32
      %dma_start3A_499 = tpu.memref_slice %arg7[%dma_start3A_497, %dma_start3A_498] : memref<8x128xi32, #tpu.memory_space<vmem>> -> memref<1x128xi32, #tpu.memory_space<vmem>>
      %dma_start3A_500 = tpu.memref_squeeze %dma_start3A_499 : memref<1x128xi32, #tpu.memory_space<vmem>> -> memref<128xi32, #tpu.memory_space<vmem>>
      %dma_start3A_501 = arith.constant 0 : i32
      %dma_start3A_502 = tpu.memref_slice %arg23[%dma_start3A_501] : memref<10240xf32, #tpu.memory_space<vmem_shared>> -> memref<10240xf32, #tpu.memory_space<vmem_shared>>
      tpu.enqueue_indirect_dma source(%arg10 : memref<128xf32, #tpu.memory_space<vmem>>) target(%dma_start3A_502 : memref<10240xf32, #tpu.memory_space<vmem_shared>>) offsets(%dma_start3A_500 : memref<128xi32, #tpu.memory_space<vmem>>) semaphore(%arg21 : memref<!tpu.dma_semaphore, #tpu.memory_space<semaphore_mem>>) {add = true}
      %mul3A_503 = arith.constant 4 : i32
      %mul3A_504 = arith.muli %mul3A_503, %add3A_423 : i32
      %add3A_505 = arith.constant 2 : i32
      %add3A_506 = arith.addi %mul3A_504, %add3A_505 : i32
      %ge3A_507 = arith.constant 1 : i32
      %ge3A_508 = arith.cmpi sge, %add3A_506, %ge3A_507 : i32
      %convert_element_type3A_509 = arith.extui %ge3A_508 : i1 to i32
      %cond3A_510 = arith.constant 0 : i32
      %cond3A_511 = arith.cmpi ne, %convert_element_type3A_509, %cond3A_510 : i32
      scf.if %cond3A_511 {
        %dma_wait3A_575 = arith.constant 3 : i32
        %dma_wait3A_576 = arith.constant 0 : i32
        %dma_wait3A_577 = tpu.memref_slice %arg7[%dma_wait3A_575, %dma_wait3A_576] : memref<8x128xi32, #tpu.memory_space<vmem>> -> memref<1x128xi32, #tpu.memory_space<vmem>>
        %dma_wait3A_578 = tpu.memref_squeeze %dma_wait3A_577 : memref<1x128xi32, #tpu.memory_space<vmem>> -> memref<128xi32, #tpu.memory_space<vmem>>
        %dma_wait3A_579 = arith.constant 0 : i32
        %dma_wait3A_580 = arith.constant 0 : i32
        %dma_wait3A_581 = tpu.memref_slice %arg22[%dma_wait3A_579, %dma_wait3A_580] : memref<10240x128xf32, #tpu.memory_space<vmem_shared>> -> memref<10240x128xf32, #tpu.memory_space<vmem_shared>>
        tpu.wait_indirect_dma semaphore(%arg18 : memref<!tpu.dma_semaphore, #tpu.memory_space<semaphore_mem>>) src(%arg9 : memref<128x128xf32, #tpu.memory_space<vmem>>) dst(%dma_wait3A_581 : memref<10240x128xf32, #tpu.memory_space<vmem_shared>>)
        %dma_wait3A_582 = arith.constant 3 : i32
        %dma_wait3A_583 = arith.constant 0 : i32
        %dma_wait3A_584 = tpu.memref_slice %arg7[%dma_wait3A_582, %dma_wait3A_583] : memref<8x128xi32, #tpu.memory_space<vmem>> -> memref<1x128xi32, #tpu.memory_space<vmem>>
        %dma_wait3A_585 = tpu.memref_squeeze %dma_wait3A_584 : memref<1x128xi32, #tpu.memory_space<vmem>> -> memref<128xi32, #tpu.memory_space<vmem>>
        %dma_wait3A_586 = arith.constant 0 : i32
        %dma_wait3A_587 = tpu.memref_slice %arg23[%dma_wait3A_586] : memref<10240xf32, #tpu.memory_space<vmem_shared>> -> memref<10240xf32, #tpu.memory_space<vmem_shared>>
        tpu.wait_indirect_dma semaphore(%arg21 : memref<!tpu.dma_semaphore, #tpu.memory_space<semaphore_mem>>) src(%arg10 : memref<128xf32, #tpu.memory_space<vmem>>) dst(%dma_wait3A_587 : memref<10240xf32, #tpu.memory_space<vmem_shared>>)
      } else {
      }
      %add3A_512 = arith.constant 1 : i32
      %add3A_513 = arith.addi %add3A_506, %add3A_512 : i32
      %lt3A_514 = arith.constant 80 : i32
      %lt3A_515 = arith.cmpi slt, %add3A_513, %lt3A_514 : i32
      %convert_element_type3A_516 = arith.extui %lt3A_515 : i1 to i32
      %cond3A_517 = arith.constant 0 : i32
      %cond3A_518 = arith.cmpi ne, %convert_element_type3A_516, %cond3A_517 : i32
      scf.if %cond3A_518 {
        %dma_start3A_575 = arith.constant 6 : i32
        %dma_start3A_576 = arith.constant 0 : i32
        %dma_start3A_577 = tpu.memref_slice %arg7[%dma_start3A_575, %dma_start3A_576] : memref<8x128xi32, #tpu.memory_space<vmem>> -> memref<1x128xi32, #tpu.memory_space<vmem>>
        %dma_start3A_578 = tpu.memref_squeeze %dma_start3A_577 : memref<1x128xi32, #tpu.memory_space<vmem>> -> memref<128xi32, #tpu.memory_space<vmem>>
        %dma_start3A_579 = arith.constant 0 : i32
        %dma_start3A_580 = arith.constant 0 : i32
        %dma_start3A_581 = tpu.memref_slice %arg3[%dma_start3A_579, %dma_start3A_580] : memref<10000x128xf32, #tpu.memory_space<hbm>> -> memref<10000x128xf32, #tpu.memory_space<hbm>>
        tpu.enqueue_indirect_dma source(%dma_start3A_581 : memref<10000x128xf32, #tpu.memory_space<hbm>>) target(%arg9 : memref<128x128xf32, #tpu.memory_space<vmem>>) offsets(%dma_start3A_578 : memref<128xi32, #tpu.memory_space<vmem>>) semaphore(%arg16 : memref<!tpu.dma_semaphore, #tpu.memory_space<semaphore_mem>>)
      } else {
      }
      %dma_wait3A_519 = arith.constant 4 : i32
      %dma_wait3A_520 = arith.constant 0 : i32
      %dma_wait3A_521 = tpu.memref_slice %arg7[%dma_wait3A_519, %dma_wait3A_520] : memref<8x128xi32, #tpu.memory_space<vmem>> -> memref<1x128xi32, #tpu.memory_space<vmem>>
      %dma_wait3A_522 = tpu.memref_squeeze %dma_wait3A_521 : memref<1x128xi32, #tpu.memory_space<vmem>> -> memref<128xi32, #tpu.memory_space<vmem>>
      %dma_wait3A_523 = arith.constant 0 : i32
      %dma_wait3A_524 = arith.constant 0 : i32
      %dma_wait3A_525 = tpu.memref_slice %arg3[%dma_wait3A_523, %dma_wait3A_524] : memref<10000x128xf32, #tpu.memory_space<hbm>> -> memref<10000x128xf32, #tpu.memory_space<hbm>>
      tpu.wait_indirect_dma semaphore(%arg15 : memref<!tpu.dma_semaphore, #tpu.memory_space<semaphore_mem>>) src(%dma_wait3A_525 : memref<10000x128xf32, #tpu.memory_space<hbm>>) dst(%arg8 : memref<128x128xf32, #tpu.memory_space<vmem>>)
      %dma_start3A_526 = arith.constant 5 : i32
      %dma_start3A_527 = arith.constant 0 : i32
      %dma_start3A_528 = tpu.memref_slice %arg7[%dma_start3A_526, %dma_start3A_527] : memref<8x128xi32, #tpu.memory_space<vmem>> -> memref<1x128xi32, #tpu.memory_space<vmem>>
      %dma_start3A_529 = tpu.memref_squeeze %dma_start3A_528 : memref<1x128xi32, #tpu.memory_space<vmem>> -> memref<128xi32, #tpu.memory_space<vmem>>
      %dma_start3A_530 = arith.constant 0 : i32
      %dma_start3A_531 = arith.constant 0 : i32
      %dma_start3A_532 = tpu.memref_slice %arg22[%dma_start3A_530, %dma_start3A_531] : memref<10240x128xf32, #tpu.memory_space<vmem_shared>> -> memref<10240x128xf32, #tpu.memory_space<vmem_shared>>
      tpu.enqueue_indirect_dma source(%arg8 : memref<128x128xf32, #tpu.memory_space<vmem>>) target(%dma_start3A_532 : memref<10240x128xf32, #tpu.memory_space<vmem_shared>>) offsets(%dma_start3A_529 : memref<128xi32, #tpu.memory_space<vmem>>) semaphore(%arg17 : memref<!tpu.dma_semaphore, #tpu.memory_space<semaphore_mem>>) {add = true}
      %dma_start3A_533 = arith.constant 5 : i32
      %dma_start3A_534 = arith.constant 0 : i32
      %dma_start3A_535 = tpu.memref_slice %arg7[%dma_start3A_533, %dma_start3A_534] : memref<8x128xi32, #tpu.memory_space<vmem>> -> memref<1x128xi32, #tpu.memory_space<vmem>>
      %dma_start3A_536 = tpu.memref_squeeze %dma_start3A_535 : memref<1x128xi32, #tpu.memory_space<vmem>> -> memref<128xi32, #tpu.memory_space<vmem>>
      %dma_start3A_537 = arith.constant 0 : i32
      %dma_start3A_538 = tpu.memref_slice %arg23[%dma_start3A_537] : memref<10240xf32, #tpu.memory_space<vmem_shared>> -> memref<10240xf32, #tpu.memory_space<vmem_shared>>
      tpu.enqueue_indirect_dma source(%arg10 : memref<128xf32, #tpu.memory_space<vmem>>) target(%dma_start3A_538 : memref<10240xf32, #tpu.memory_space<vmem_shared>>) offsets(%dma_start3A_536 : memref<128xi32, #tpu.memory_space<vmem>>) semaphore(%arg20 : memref<!tpu.dma_semaphore, #tpu.memory_space<semaphore_mem>>) {add = true}
      %mul3A_539 = arith.constant 4 : i32
      %mul3A_540 = arith.muli %mul3A_539, %add3A_423 : i32
      %add3A_541 = arith.constant 3 : i32
      %add3A_542 = arith.addi %mul3A_540, %add3A_541 : i32
      %ge3A_543 = arith.constant 1 : i32
      %ge3A_544 = arith.cmpi sge, %add3A_542, %ge3A_543 : i32
      %convert_element_type3A_545 = arith.extui %ge3A_544 : i1 to i32
      %cond3A_546 = arith.constant 0 : i32
      %cond3A_547 = arith.cmpi ne, %convert_element_type3A_545, %cond3A_546 : i32
      scf.if %cond3A_547 {
        %dma_wait3A_575 = arith.constant 5 : i32
        %dma_wait3A_576 = arith.constant 0 : i32
        %dma_wait3A_577 = tpu.memref_slice %arg7[%dma_wait3A_575, %dma_wait3A_576] : memref<8x128xi32, #tpu.memory_space<vmem>> -> memref<1x128xi32, #tpu.memory_space<vmem>>
        %dma_wait3A_578 = tpu.memref_squeeze %dma_wait3A_577 : memref<1x128xi32, #tpu.memory_space<vmem>> -> memref<128xi32, #tpu.memory_space<vmem>>
        %dma_wait3A_579 = arith.constant 0 : i32
        %dma_wait3A_580 = arith.constant 0 : i32
        %dma_wait3A_581 = tpu.memref_slice %arg22[%dma_wait3A_579, %dma_wait3A_580] : memref<10240x128xf32, #tpu.memory_space<vmem_shared>> -> memref<10240x128xf32, #tpu.memory_space<vmem_shared>>
        tpu.wait_indirect_dma semaphore(%arg17 : memref<!tpu.dma_semaphore, #tpu.memory_space<semaphore_mem>>) src(%arg8 : memref<128x128xf32, #tpu.memory_space<vmem>>) dst(%dma_wait3A_581 : memref<10240x128xf32, #tpu.memory_space<vmem_shared>>)
        %dma_wait3A_582 = arith.constant 5 : i32
        %dma_wait3A_583 = arith.constant 0 : i32
        %dma_wait3A_584 = tpu.memref_slice %arg7[%dma_wait3A_582, %dma_wait3A_583] : memref<8x128xi32, #tpu.memory_space<vmem>> -> memref<1x128xi32, #tpu.memory_space<vmem>>
        %dma_wait3A_585 = tpu.memref_squeeze %dma_wait3A_584 : memref<1x128xi32, #tpu.memory_space<vmem>> -> memref<128xi32, #tpu.memory_space<vmem>>
        %dma_wait3A_586 = arith.constant 0 : i32
        %dma_wait3A_587 = tpu.memref_slice %arg23[%dma_wait3A_586] : memref<10240xf32, #tpu.memory_space<vmem_shared>> -> memref<10240xf32, #tpu.memory_space<vmem_shared>>
        tpu.wait_indirect_dma semaphore(%arg20 : memref<!tpu.dma_semaphore, #tpu.memory_space<semaphore_mem>>) src(%arg10 : memref<128xf32, #tpu.memory_space<vmem>>) dst(%dma_wait3A_587 : memref<10240xf32, #tpu.memory_space<vmem_shared>>)
      } else {
      }
      %add3A_548 = arith.constant 1 : i32
      %add3A_549 = arith.addi %add3A_542, %add3A_548 : i32
      %lt3A_550 = arith.constant 80 : i32
      %lt3A_551 = arith.cmpi slt, %add3A_549, %lt3A_550 : i32
      %convert_element_type3A_552 = arith.extui %lt3A_551 : i1 to i32
      %cond3A_553 = arith.constant 0 : i32
      %cond3A_554 = arith.cmpi ne, %convert_element_type3A_552, %cond3A_553 : i32
      scf.if %cond3A_554 {
        %add3A_575 = arith.constant 1 : i32
        %add3A_576 = arith.addi %add3A_423, %add3A_575 : i32
        %dma_wait3A_577 = arith.constant 0 : i32
        %dma_wait3A_578 = arith.constant 0 : i32
        %dma_wait3A_579 = tpu.memref_slice %arg2[%add3A, %add3A_576, %dma_wait3A_577, %dma_wait3A_578] : memref<32x20x8x128xi32, #tpu.memory_space<hbm>> -> memref<1x1x8x128xi32, #tpu.memory_space<hbm>>
        %dma_wait3A_580 = tpu.memref_squeeze %dma_wait3A_579 : memref<1x1x8x128xi32, #tpu.memory_space<hbm>> -> memref<8x128xi32, #tpu.memory_space<hbm>>
        %dma_wait3A_581 = arith.constant 0 : i32
        %dma_wait3A_582 = arith.constant 0 : i32
        %dma_wait3A_583 = tpu.memref_slice %arg2[%add3A, %add3A_576, %dma_wait3A_581, %dma_wait3A_582] : memref<32x20x8x128xi32, #tpu.memory_space<hbm>> -> memref<1x1x8x128xi32, #tpu.memory_space<hbm>>
        %dma_wait3A_584 = tpu.memref_squeeze %dma_wait3A_583 : memref<1x1x8x128xi32, #tpu.memory_space<hbm>> -> memref<8x128xi32, #tpu.memory_space<hbm>>
        tpu.wait_dma2 semaphore(%arg13 : memref<!tpu.dma_semaphore, #tpu.memory_space<semaphore_mem>>) src(%dma_wait3A_584 : memref<8x128xi32, #tpu.memory_space<hbm>>) dst(%arg6 : memref<8x128xi32, #tpu.memory_space<vmem>>)
        %dma_start3A_585 = arith.constant 0 : i32
        %dma_start3A_586 = arith.constant 0 : i32
        %dma_start3A_587 = tpu.memref_slice %arg6[%dma_start3A_585, %dma_start3A_586] : memref<8x128xi32, #tpu.memory_space<vmem>> -> memref<1x128xi32, #tpu.memory_space<vmem>>
        %dma_start3A_588 = tpu.memref_squeeze %dma_start3A_587 : memref<1x128xi32, #tpu.memory_space<vmem>> -> memref<128xi32, #tpu.memory_space<vmem>>
        %dma_start3A_589 = arith.constant 0 : i32
        %dma_start3A_590 = arith.constant 0 : i32
        %dma_start3A_591 = tpu.memref_slice %arg3[%dma_start3A_589, %dma_start3A_590] : memref<10000x128xf32, #tpu.memory_space<hbm>> -> memref<10000x128xf32, #tpu.memory_space<hbm>>
        tpu.enqueue_indirect_dma source(%dma_start3A_591 : memref<10000x128xf32, #tpu.memory_space<hbm>>) target(%arg8 : memref<128x128xf32, #tpu.memory_space<vmem>>) offsets(%dma_start3A_588 : memref<128xi32, #tpu.memory_space<vmem>>) semaphore(%arg15 : memref<!tpu.dma_semaphore, #tpu.memory_space<semaphore_mem>>)
      } else {
      }
      %dma_wait3A_555 = arith.constant 6 : i32
      %dma_wait3A_556 = arith.constant 0 : i32
      %dma_wait3A_557 = tpu.memref_slice %arg7[%dma_wait3A_555, %dma_wait3A_556] : memref<8x128xi32, #tpu.memory_space<vmem>> -> memref<1x128xi32, #tpu.memory_space<vmem>>
      %dma_wait3A_558 = tpu.memref_squeeze %dma_wait3A_557 : memref<1x128xi32, #tpu.memory_space<vmem>> -> memref<128xi32, #tpu.memory_space<vmem>>
      %dma_wait3A_559 = arith.constant 0 : i32
      %dma_wait3A_560 = arith.constant 0 : i32
      %dma_wait3A_561 = tpu.memref_slice %arg3[%dma_wait3A_559, %dma_wait3A_560] : memref<10000x128xf32, #tpu.memory_space<hbm>> -> memref<10000x128xf32, #tpu.memory_space<hbm>>
      tpu.wait_indirect_dma semaphore(%arg16 : memref<!tpu.dma_semaphore, #tpu.memory_space<semaphore_mem>>) src(%dma_wait3A_561 : memref<10000x128xf32, #tpu.memory_space<hbm>>) dst(%arg9 : memref<128x128xf32, #tpu.memory_space<vmem>>)
      %dma_start3A_562 = arith.constant 7 : i32
      %dma_start3A_563 = arith.constant 0 : i32
      %dma_start3A_564 = tpu.memref_slice %arg7[%dma_start3A_562, %dma_start3A_563] : memref<8x128xi32, #tpu.memory_space<vmem>> -> memref<1x128xi32, #tpu.memory_space<vmem>>
      %dma_start3A_565 = tpu.memref_squeeze %dma_start3A_564 : memref<1x128xi32, #tpu.memory_space<vmem>> -> memref<128xi32, #tpu.memory_space<vmem>>
      %dma_start3A_566 = arith.constant 0 : i32
      %dma_start3A_567 = arith.constant 0 : i32
      %dma_start3A_568 = tpu.memref_slice %arg22[%dma_start3A_566, %dma_start3A_567] : memref<10240x128xf32, #tpu.memory_space<vmem_shared>> -> memref<10240x128xf32, #tpu.memory_space<vmem_shared>>
      tpu.enqueue_indirect_dma source(%arg9 : memref<128x128xf32, #tpu.memory_space<vmem>>) target(%dma_start3A_568 : memref<10240x128xf32, #tpu.memory_space<vmem_shared>>) offsets(%dma_start3A_565 : memref<128xi32, #tpu.memory_space<vmem>>) semaphore(%arg18 : memref<!tpu.dma_semaphore, #tpu.memory_space<semaphore_mem>>) {add = true}
      %dma_start3A_569 = arith.constant 7 : i32
      %dma_start3A_570 = arith.constant 0 : i32
      %dma_start3A_571 = tpu.memref_slice %arg7[%dma_start3A_569, %dma_start3A_570] : memref<8x128xi32, #tpu.memory_space<vmem>> -> memref<1x128xi32, #tpu.memory_space<vmem>>
      %dma_start3A_572 = tpu.memref_squeeze %dma_start3A_571 : memref<1x128xi32, #tpu.memory_space<vmem>> -> memref<128xi32, #tpu.memory_space<vmem>>
      %dma_start3A_573 = arith.constant 0 : i32
      %dma_start3A_574 = tpu.memref_slice %arg23[%dma_start3A_573] : memref<10240xf32, #tpu.memory_space<vmem_shared>> -> memref<10240xf32, #tpu.memory_space<vmem_shared>>
      tpu.enqueue_indirect_dma source(%arg10 : memref<128xf32, #tpu.memory_space<vmem>>) target(%dma_start3A_574 : memref<10240xf32, #tpu.memory_space<vmem_shared>>) offsets(%dma_start3A_572 : memref<128xi32, #tpu.memory_space<vmem>>) semaphore(%arg21 : memref<!tpu.dma_semaphore, #tpu.memory_space<semaphore_mem>>) {add = true}
    }
    %scan3A_242 = arith.constant 10 : i32
    %dma_wait3A_243 = arith.constant 7 : i32
    %dma_wait3A_244 = arith.constant 0 : i32
    %dma_wait3A_245 = tpu.memref_slice %arg7[%dma_wait3A_243, %dma_wait3A_244] : memref<8x128xi32, #tpu.memory_space<vmem>> -> memref<1x128xi32, #tpu.memory_space<vmem>>
    %dma_wait3A_246 = tpu.memref_squeeze %dma_wait3A_245 : memref<1x128xi32, #tpu.memory_space<vmem>> -> memref<128xi32, #tpu.memory_space<vmem>>
    %dma_wait3A_247 = arith.constant 0 : i32
    %dma_wait3A_248 = arith.constant 0 : i32
    %dma_wait3A_249 = tpu.memref_slice %arg22[%dma_wait3A_247, %dma_wait3A_248] : memref<10240x128xf32, #tpu.memory_space<vmem_shared>> -> memref<10240x128xf32, #tpu.memory_space<vmem_shared>>
    tpu.wait_indirect_dma semaphore(%arg18 : memref<!tpu.dma_semaphore, #tpu.memory_space<semaphore_mem>>) src(%arg9 : memref<128x128xf32, #tpu.memory_space<vmem>>) dst(%dma_wait3A_249 : memref<10240x128xf32, #tpu.memory_space<vmem_shared>>)
    %dma_wait3A_250 = arith.constant 7 : i32
    %dma_wait3A_251 = arith.constant 0 : i32
    %dma_wait3A_252 = tpu.memref_slice %arg7[%dma_wait3A_250, %dma_wait3A_251] : memref<8x128xi32, #tpu.memory_space<vmem>> -> memref<1x128xi32, #tpu.memory_space<vmem>>
    %dma_wait3A_253 = tpu.memref_squeeze %dma_wait3A_252 : memref<1x128xi32, #tpu.memory_space<vmem>> -> memref<128xi32, #tpu.memory_space<vmem>>
    %dma_wait3A_254 = arith.constant 0 : i32
    %dma_wait3A_255 = tpu.memref_slice %arg23[%dma_wait3A_254] : memref<10240xf32, #tpu.memory_space<vmem_shared>> -> memref<10240xf32, #tpu.memory_space<vmem_shared>>
    tpu.wait_indirect_dma semaphore(%arg21 : memref<!tpu.dma_semaphore, #tpu.memory_space<semaphore_mem>>) src(%arg10 : memref<128xf32, #tpu.memory_space<vmem>>) dst(%dma_wait3A_255 : memref<10240xf32, #tpu.memory_space<vmem_shared>>)
    %barrier3A_256 = arith.constant 0 : index
    tpu.barrier barrier_id(%barrier3A_256)
    %mul3A_257 = arith.constant 640 : i32
    %mul3A_258 = arith.muli %arg1, %mul3A_257 : i32
    %mul3A_259 = arith.constant 640 : i32
    %mul3A_260 = arith.muli %arg1, %mul3A_259 : i32
    "tpu.region"() ({
      %run_scoped3A = tpu.sem_alloc : memref<!tpu.dma_semaphore, #tpu.memory_space<semaphore_mem>>
      %dma_start3A_268 = arith.constant 0 : i32
      %dma_start3A_269 = tpu.memref_slice %arg4[%arg0, %mul3A_260, %dma_start3A_268] : memref<2x10240x128xf32, #tpu.memory_space<hbm>> -> memref<1x640x128xf32, #tpu.memory_space<hbm>>
      %dma_start3A_270 = tpu.memref_squeeze %dma_start3A_269 : memref<1x640x128xf32, #tpu.memory_space<hbm>> -> memref<640x128xf32, #tpu.memory_space<hbm>>
      %dma_start3A_271 = arith.constant 0 : i32
      %dma_start3A_272 = tpu.memref_slice %arg22[%mul3A_258, %dma_start3A_271] : memref<10240x128xf32, #tpu.memory_space<vmem_shared>> -> memref<640x128xf32, #tpu.memory_space<vmem_shared>>
      tpu.enqueue_dma source(%dma_start3A_272 : memref<640x128xf32, #tpu.memory_space<vmem_shared>>) target(%dma_start3A_270 : memref<640x128xf32, #tpu.memory_space<hbm>>) target_semaphore(%run_scoped3A : memref<!tpu.dma_semaphore, #tpu.memory_space<semaphore_mem>>)
      %dma_wait3A_273 = arith.constant 0 : i32
      %dma_wait3A_274 = tpu.memref_slice %arg4[%arg0, %mul3A_260, %dma_wait3A_273] : memref<2x10240x128xf32, #tpu.memory_space<hbm>> -> memref<1x640x128xf32, #tpu.memory_space<hbm>>
      %dma_wait3A_275 = tpu.memref_squeeze %dma_wait3A_274 : memref<1x640x128xf32, #tpu.memory_space<hbm>> -> memref<640x128xf32, #tpu.memory_space<hbm>>
      %dma_wait3A_276 = arith.constant 0 : i32
      %dma_wait3A_277 = tpu.memref_slice %arg22[%mul3A_258, %dma_wait3A_276] : memref<10240x128xf32, #tpu.memory_space<vmem_shared>> -> memref<640x128xf32, #tpu.memory_space<vmem_shared>>
      tpu.wait_dma2 semaphore(%run_scoped3A : memref<!tpu.dma_semaphore, #tpu.memory_space<semaphore_mem>>) src(%dma_wait3A_277 : memref<640x128xf32, #tpu.memory_space<vmem_shared>>) dst(%dma_wait3A_275 : memref<640x128xf32, #tpu.memory_space<hbm>>)
      tpu.yield
    }) : () -> ()
    %mul3A_261 = arith.constant 640 : i32
    %mul3A_262 = arith.muli %arg1, %mul3A_261 : i32
    %mul3A_263 = arith.constant 10240 : i32
    %mul3A_264 = arith.muli %arg0, %mul3A_263 : i32
    %mul3A_265 = arith.constant 640 : i32
    %mul3A_266 = arith.muli %arg1, %mul3A_265 : i32
    %add3A_267 = arith.addi %mul3A_264, %mul3A_266 : i32
    "tpu.region"() ({
      %run_scoped3A = tpu.sem_alloc : memref<!tpu.dma_semaphore, #tpu.memory_space<semaphore_mem>>
      %dma_start3A_268 = tpu.memref_slice %arg5[%add3A_267] : memref<20480xf32, #tpu.memory_space<hbm>> -> memref<640xf32, #tpu.memory_space<hbm>>
      %dma_start3A_269 = tpu.memref_slice %arg23[%mul3A_262] : memref<10240xf32, #tpu.memory_space<vmem_shared>> -> memref<640xf32, #tpu.memory_space<vmem_shared>>
      tpu.enqueue_dma source(%dma_start3A_269 : memref<640xf32, #tpu.memory_space<vmem_shared>>) target(%dma_start3A_268 : memref<640xf32, #tpu.memory_space<hbm>>) target_semaphore(%run_scoped3A : memref<!tpu.dma_semaphore, #tpu.memory_space<semaphore_mem>>)
      %dma_wait3A_270 = tpu.memref_slice %arg5[%add3A_267] : memref<20480xf32, #tpu.memory_space<hbm>> -> memref<640xf32, #tpu.memory_space<hbm>>
      %dma_wait3A_271 = tpu.memref_slice %arg23[%mul3A_262] : memref<10240xf32, #tpu.memory_space<vmem_shared>> -> memref<640xf32, #tpu.memory_space<vmem_shared>>
      tpu.wait_dma2 semaphore(%run_scoped3A : memref<!tpu.dma_semaphore, #tpu.memory_space<semaphore_mem>>) src(%dma_wait3A_271 : memref<640xf32, #tpu.memory_space<vmem_shared>>) dst(%dma_wait3A_270 : memref<640xf32, #tpu.memory_space<hbm>>)
      tpu.yield
    }) : () -> ()
    return
  }
}

#map = affine_map<(d0, d1) -> (0, 0, 0, 0)>
#map1 = affine_map<(d0, d1) -> (0, 0)>
#map2 = affine_map<(d0, d1) -> (0, 0, 0)>
module attributes {stable_mosaic.version = 14 : i64} {
  func.func @_agg_body(%arg0: i32, %arg1: i32, %arg2: memref<32x20x8x128xi32, #tpu.memory_space<hbm>>, %arg3: memref<10000x128xf32, #tpu.memory_space<hbm>>, %arg4: memref<2x10240x128xf32, #tpu.memory_space<hbm>>, %arg5: memref<8x128xi32, #tpu.memory_space<vmem>>, %arg6: memref<8x128xi32, #tpu.memory_space<vmem>>, %arg7: memref<128x128xf32, #tpu.memory_space<vmem>>, %arg8: memref<128x128xf32, #tpu.memory_space<vmem>>, %arg9: memref<16x128xf32, #tpu.memory_space<vmem>>, %arg10: memref<!tpu.dma_semaphore, #tpu.memory_space<semaphore_mem>>, %arg11: memref<!tpu.dma_semaphore, #tpu.memory_space<semaphore_mem>>, %arg12: memref<!tpu.dma_semaphore, #tpu.memory_space<semaphore_mem>>, %arg13: memref<!tpu.dma_semaphore, #tpu.memory_space<semaphore_mem>>, %arg14: memref<!tpu.dma_semaphore, #tpu.memory_space<semaphore_mem>>, %arg15: memref<!tpu.dma_semaphore, #tpu.memory_space<semaphore_mem>>, %arg16: memref<!tpu.dma_semaphore, #tpu.memory_space<semaphore_mem>>, %arg17: memref<10240x128xf32, #tpu.memory_space<vmem_shared>>) attributes {dimension_semantics = [#tpu.dimension_semantics<core_parallel>, #tpu.dimension_semantics<subcore_parallel>], iteration_bounds = array<i64: 2, 16>, scalar_prefetch = 0 : i64, scratch_operands = 13 : i64, tpu.core_type = #tpu.core_type<sc_vector_subcore>, window_params = [{transform_indices = #map}, {transform_indices = #map1}, {transform_indices = #map2}]} {
    %mul3A = arith.constant 2 : i32
    %mul3A_0 = arith.muli %arg1, %mul3A : i32
    %add3A = arith.addi %mul3A_0, %arg0 : i32
    %dma_start3A = arith.constant 0 : i32
    %dma_start3A_1 = arith.constant 0 : i32
    %dma_start3A_2 = arith.constant 0 : i32
    %dma_start3A_3 = tpu.memref_slice %arg2[%add3A, %dma_start3A, %dma_start3A_1, %dma_start3A_2] : memref<32x20x8x128xi32, #tpu.memory_space<hbm>> -> memref<1x1x8x128xi32, #tpu.memory_space<hbm>>
    %dma_start3A_4 = tpu.memref_squeeze %dma_start3A_3 : memref<1x1x8x128xi32, #tpu.memory_space<hbm>> -> memref<8x128xi32, #tpu.memory_space<hbm>>
    %dma_start3A_5 = arith.constant 0 : i32
    %dma_start3A_6 = arith.constant 0 : i32
    %dma_start3A_7 = tpu.memref_slice %arg2[%add3A, %dma_start3A, %dma_start3A_5, %dma_start3A_6] : memref<32x20x8x128xi32, #tpu.memory_space<hbm>> -> memref<1x1x8x128xi32, #tpu.memory_space<hbm>>
    %dma_start3A_8 = tpu.memref_squeeze %dma_start3A_7 : memref<1x1x8x128xi32, #tpu.memory_space<hbm>> -> memref<8x128xi32, #tpu.memory_space<hbm>>
    tpu.enqueue_dma source(%dma_start3A_8 : memref<8x128xi32, #tpu.memory_space<hbm>>) target(%arg5 : memref<8x128xi32, #tpu.memory_space<vmem>>) target_semaphore(%arg10 : memref<!tpu.dma_semaphore, #tpu.memory_space<semaphore_mem>>)
    %dma_wait3A = arith.constant 0 : i32
    %dma_wait3A_9 = arith.constant 0 : i32
    %dma_wait3A_10 = arith.constant 0 : i32
    %dma_wait3A_11 = tpu.memref_slice %arg2[%add3A, %dma_wait3A, %dma_wait3A_9, %dma_wait3A_10] : memref<32x20x8x128xi32, #tpu.memory_space<hbm>> -> memref<1x1x8x128xi32, #tpu.memory_space<hbm>>
    %dma_wait3A_12 = tpu.memref_squeeze %dma_wait3A_11 : memref<1x1x8x128xi32, #tpu.memory_space<hbm>> -> memref<8x128xi32, #tpu.memory_space<hbm>>
    %dma_wait3A_13 = arith.constant 0 : i32
    %dma_wait3A_14 = arith.constant 0 : i32
    %dma_wait3A_15 = tpu.memref_slice %arg2[%add3A, %dma_wait3A, %dma_wait3A_13, %dma_wait3A_14] : memref<32x20x8x128xi32, #tpu.memory_space<hbm>> -> memref<1x1x8x128xi32, #tpu.memory_space<hbm>>
    %dma_wait3A_16 = tpu.memref_squeeze %dma_wait3A_15 : memref<1x1x8x128xi32, #tpu.memory_space<hbm>> -> memref<8x128xi32, #tpu.memory_space<hbm>>
    tpu.wait_dma2 semaphore(%arg10 : memref<!tpu.dma_semaphore, #tpu.memory_space<semaphore_mem>>) src(%dma_wait3A_16 : memref<8x128xi32, #tpu.memory_space<hbm>>) dst(%arg5 : memref<8x128xi32, #tpu.memory_space<vmem>>)
    %dma_start3A_17 = arith.constant 0 : i32
    %dma_start3A_18 = arith.constant 0 : i32
    %dma_start3A_19 = tpu.memref_slice %arg5[%dma_start3A_17, %dma_start3A_18] : memref<8x128xi32, #tpu.memory_space<vmem>> -> memref<1x128xi32, #tpu.memory_space<vmem>>
    %dma_start3A_20 = tpu.memref_squeeze %dma_start3A_19 : memref<1x128xi32, #tpu.memory_space<vmem>> -> memref<128xi32, #tpu.memory_space<vmem>>
    %dma_start3A_21 = arith.constant 0 : i32
    %dma_start3A_22 = arith.constant 0 : i32
    %dma_start3A_23 = tpu.memref_slice %arg3[%dma_start3A_21, %dma_start3A_22] : memref<10000x128xf32, #tpu.memory_space<hbm>> -> memref<10000x128xf32, #tpu.memory_space<hbm>>
    tpu.enqueue_indirect_dma source(%dma_start3A_23 : memref<10000x128xf32, #tpu.memory_space<hbm>>) target(%arg7 : memref<128x128xf32, #tpu.memory_space<vmem>>) offsets(%dma_start3A_20 : memref<128xi32, #tpu.memory_space<vmem>>) semaphore(%arg12 : memref<!tpu.dma_semaphore, #tpu.memory_space<semaphore_mem>>)
    %broadcast_in_dim3A = arith.constant 0.000000e+00 : f32
    %broadcast_in_dim3A_24 = vector.broadcast %broadcast_in_dim3A : f32 to vector<16xf32>
    %scan3A = arith.constant 0 : i32
    %scan3A_25 = arith.constant 0 : i32
    %scan3A_26 = arith.constant 16 : i32
    %scan3A_27 = arith.addi %scan3A_25, %scan3A_26 : i32
    %scan3A_28 = arith.constant 1 : i32
    scf.for %scan3A_60 = %scan3A_25 to %scan3A_27 step %scan3A_28  : i32 {
      %swap3A = arith.index_cast %scan3A_60 : i32 to index
      %swap3A_61 = arith.constant 0 : index
      %swap3A_62 = tpu.vector_load %arg9[%swap3A, %swap3A_61] {strides = array<i32>} : memref<16x128xf32, #tpu.memory_space<vmem>>, vector<1x16xf32>,
      %swap3A_63 = vector.shape_cast %swap3A_62 : vector<1x16xf32> to vector<16xf32>
      %swap3A_64 = vector.shape_cast %broadcast_in_dim3A_24 : vector<16xf32> to vector<1x16xf32>
      tpu.vector_store %arg9[%swap3A, %swap3A_61], %swap3A_64 {strides = array<i32>} : memref<16x128xf32, #tpu.memory_space<vmem>>, vector<1x16xf32>,
      %swap3A_65 = arith.index_cast %scan3A_60 : i32 to index
      %swap3A_66 = arith.constant 16 : index
      %swap3A_67 = tpu.vector_load %arg9[%swap3A_65, %swap3A_66] {strides = array<i32>} : memref<16x128xf32, #tpu.memory_space<vmem>>, vector<1x16xf32>,
      %swap3A_68 = vector.shape_cast %swap3A_67 : vector<1x16xf32> to vector<16xf32>
      %swap3A_69 = vector.shape_cast %broadcast_in_dim3A_24 : vector<16xf32> to vector<1x16xf32>
      tpu.vector_store %arg9[%swap3A_65, %swap3A_66], %swap3A_69 {strides = array<i32>} : memref<16x128xf32, #tpu.memory_space<vmem>>, vector<1x16xf32>,
      %swap3A_70 = arith.index_cast %scan3A_60 : i32 to index
      %swap3A_71 = arith.constant 32 : index
      %swap3A_72 = tpu.vector_load %arg9[%swap3A_70, %swap3A_71] {strides = array<i32>} : memref<16x128xf32, #tpu.memory_space<vmem>>, vector<1x16xf32>,
      %swap3A_73 = vector.shape_cast %swap3A_72 : vector<1x16xf32> to vector<16xf32>
      %swap3A_74 = vector.shape_cast %broadcast_in_dim3A_24 : vector<16xf32> to vector<1x16xf32>
      tpu.vector_store %arg9[%swap3A_70, %swap3A_71], %swap3A_74 {strides = array<i32>} : memref<16x128xf32, #tpu.memory_space<vmem>>, vector<1x16xf32>,
      %swap3A_75 = arith.index_cast %scan3A_60 : i32 to index
      %swap3A_76 = arith.constant 48 : index
      %swap3A_77 = tpu.vector_load %arg9[%swap3A_75, %swap3A_76] {strides = array<i32>} : memref<16x128xf32, #tpu.memory_space<vmem>>, vector<1x16xf32>,
      %swap3A_78 = vector.shape_cast %swap3A_77 : vector<1x16xf32> to vector<16xf32>
      %swap3A_79 = vector.shape_cast %broadcast_in_dim3A_24 : vector<16xf32> to vector<1x16xf32>
      tpu.vector_store %arg9[%swap3A_75, %swap3A_76], %swap3A_79 {strides = array<i32>} : memref<16x128xf32, #tpu.memory_space<vmem>>, vector<1x16xf32>,
      %swap3A_80 = arith.index_cast %scan3A_60 : i32 to index
      %swap3A_81 = arith.constant 64 : index
      %swap3A_82 = tpu.vector_load %arg9[%swap3A_80, %swap3A_81] {strides = array<i32>} : memref<16x128xf32, #tpu.memory_space<vmem>>, vector<1x16xf32>,
      %swap3A_83 = vector.shape_cast %swap3A_82 : vector<1x16xf32> to vector<16xf32>
      %swap3A_84 = vector.shape_cast %broadcast_in_dim3A_24 : vector<16xf32> to vector<1x16xf32>
      tpu.vector_store %arg9[%swap3A_80, %swap3A_81], %swap3A_84 {strides = array<i32>} : memref<16x128xf32, #tpu.memory_space<vmem>>, vector<1x16xf32>,
      %swap3A_85 = arith.index_cast %scan3A_60 : i32 to index
      %swap3A_86 = arith.constant 80 : index
      %swap3A_87 = tpu.vector_load %arg9[%swap3A_85, %swap3A_86] {strides = array<i32>} : memref<16x128xf32, #tpu.memory_space<vmem>>, vector<1x16xf32>,
      %swap3A_88 = vector.shape_cast %swap3A_87 : vector<1x16xf32> to vector<16xf32>
      %swap3A_89 = vector.shape_cast %broadcast_in_dim3A_24 : vector<16xf32> to vector<1x16xf32>
      tpu.vector_store %arg9[%swap3A_85, %swap3A_86], %swap3A_89 {strides = array<i32>} : memref<16x128xf32, #tpu.memory_space<vmem>>, vector<1x16xf32>,
      %swap3A_90 = arith.index_cast %scan3A_60 : i32 to index
      %swap3A_91 = arith.constant 96 : index
      %swap3A_92 = tpu.vector_load %arg9[%swap3A_90, %swap3A_91] {strides = array<i32>} : memref<16x128xf32, #tpu.memory_space<vmem>>, vector<1x16xf32>,
      %swap3A_93 = vector.shape_cast %swap3A_92 : vector<1x16xf32> to vector<16xf32>
      %swap3A_94 = vector.shape_cast %broadcast_in_dim3A_24 : vector<16xf32> to vector<1x16xf32>
      tpu.vector_store %arg9[%swap3A_90, %swap3A_91], %swap3A_94 {strides = array<i32>} : memref<16x128xf32, #tpu.memory_space<vmem>>, vector<1x16xf32>,
      %swap3A_95 = arith.index_cast %scan3A_60 : i32 to index
      %swap3A_96 = arith.constant 112 : index
      %swap3A_97 = tpu.vector_load %arg9[%swap3A_95, %swap3A_96] {strides = array<i32>} : memref<16x128xf32, #tpu.memory_space<vmem>>, vector<1x16xf32>,
      %swap3A_98 = vector.shape_cast %swap3A_97 : vector<1x16xf32> to vector<16xf32>
      %swap3A_99 = vector.shape_cast %broadcast_in_dim3A_24 : vector<16xf32> to vector<1x16xf32>
      tpu.vector_store %arg9[%swap3A_95, %swap3A_96], %swap3A_99 {strides = array<i32>} : memref<16x128xf32, #tpu.memory_space<vmem>>, vector<1x16xf32>,
    }
    %scan3A_29 = arith.constant 16 : i32
    %scan3A_30 = arith.constant 0 : i32
    %scan3A_31 = arith.constant 0 : i32
    %scan3A_32 = arith.constant 40 : i32
    %scan3A_33 = arith.addi %scan3A_31, %scan3A_32 : i32
    %scan3A_34 = arith.constant 1 : i32
    scf.for %scan3A_60 = %scan3A_31 to %scan3A_33 step %scan3A_34  : i32 {
      %mul3A_61 = arith.constant 640 : i32
      %mul3A_62 = arith.muli %arg1, %mul3A_61 : i32
      %mul3A_63 = arith.constant 16 : i32
      %mul3A_64 = arith.muli %scan3A_60, %mul3A_63 : i32
      %add3A_65 = arith.addi %mul3A_62, %mul3A_64 : i32
      %dma_start3A_66 = arith.constant 0 : i32
      %dma_start3A_67 = tpu.memref_slice %arg17[%add3A_65, %dma_start3A_66] : memref<10240x128xf32, #tpu.memory_space<vmem_shared>> -> memref<16x128xf32, #tpu.memory_space<vmem_shared>>
      %dma_start3A_68 = arith.constant 0 : i32
      %dma_start3A_69 = tpu.memref_slice %arg17[%add3A_65, %dma_start3A_68] : memref<10240x128xf32, #tpu.memory_space<vmem_shared>> -> memref<16x128xf32, #tpu.memory_space<vmem_shared>>
      tpu.enqueue_dma source(%arg9 : memref<16x128xf32, #tpu.memory_space<vmem>>) target(%dma_start3A_69 : memref<16x128xf32, #tpu.memory_space<vmem_shared>>) target_semaphore(%arg16 : memref<!tpu.dma_semaphore, #tpu.memory_space<semaphore_mem>>)
    }
    %scan3A_35 = arith.constant 40 : i32
    %scan3A_36 = arith.constant 0 : i32
    %scan3A_37 = arith.constant 0 : i32
    %scan3A_38 = arith.constant 40 : i32
    %scan3A_39 = arith.addi %scan3A_37, %scan3A_38 : i32
    %scan3A_40 = arith.constant 1 : i32
    scf.for %scan3A_60 = %scan3A_37 to %scan3A_39 step %scan3A_40  : i32 {
      %mul3A_61 = arith.constant 640 : i32
      %mul3A_62 = arith.muli %arg1, %mul3A_61 : i32
      %mul3A_63 = arith.constant 16 : i32
      %mul3A_64 = arith.muli %scan3A_60, %mul3A_63 : i32
      %add3A_65 = arith.addi %mul3A_62, %mul3A_64 : i32
      %dma_wait3A_66 = arith.constant 0 : i32
      %dma_wait3A_67 = tpu.memref_slice %arg17[%add3A_65, %dma_wait3A_66] : memref<10240x128xf32, #tpu.memory_space<vmem_shared>> -> memref<16x128xf32, #tpu.memory_space<vmem_shared>>
      %dma_wait3A_68 = arith.constant 0 : i32
      %dma_wait3A_69 = tpu.memref_slice %arg17[%add3A_65, %dma_wait3A_68] : memref<10240x128xf32, #tpu.memory_space<vmem_shared>> -> memref<16x128xf32, #tpu.memory_space<vmem_shared>>
      tpu.wait_dma2 semaphore(%arg16 : memref<!tpu.dma_semaphore, #tpu.memory_space<semaphore_mem>>) src(%arg9 : memref<16x128xf32, #tpu.memory_space<vmem>>) dst(%dma_wait3A_69 : memref<16x128xf32, #tpu.memory_space<vmem_shared>>)
    }
    %scan3A_41 = arith.constant 40 : i32
    %barrier3A = arith.constant 0 : index
    tpu.barrier barrier_id(%barrier3A)
    %scan3A_42 = arith.constant 0 : i32
    %scan3A_43 = arith.constant 0 : i32
    %scan3A_44 = arith.constant 10 : i32
    %scan3A_45 = arith.addi %scan3A_43, %scan3A_44 : i32
    %scan3A_46 = arith.constant 1 : i32
    scf.for %scan3A_60 = %scan3A_43 to %scan3A_45 step %scan3A_46  : i32 {
      %mul3A_61 = arith.constant 2 : i32
      %mul3A_62 = arith.muli %mul3A_61, %scan3A_60 : i32
      %add3A_63 = arith.constant 0 : i32
      %add3A_64 = arith.addi %mul3A_62, %add3A_63 : i32
      %mul3A_65 = arith.constant 4 : i32
      %mul3A_66 = arith.muli %mul3A_65, %add3A_64 : i32
      %add3A_67 = arith.constant 0 : i32
      %add3A_68 = arith.addi %mul3A_66, %add3A_67 : i32
      %ge3A = arith.constant 1 : i32
      %ge3A_69 = arith.cmpi sge, %add3A_68, %ge3A : i32
      %convert_element_type3A = arith.extui %ge3A_69 : i1 to i32
      %cond3A = arith.constant 0 : i32
      %cond3A_70 = arith.cmpi ne, %convert_element_type3A, %cond3A : i32
      scf.if %cond3A_70 {
        %dma_wait3A_319 = arith.constant 7 : i32
        %dma_wait3A_320 = arith.constant 0 : i32
        %dma_wait3A_321 = tpu.memref_slice %arg6[%dma_wait3A_319, %dma_wait3A_320] : memref<8x128xi32, #tpu.memory_space<vmem>> -> memref<1x128xi32, #tpu.memory_space<vmem>>
        %dma_wait3A_322 = tpu.memref_squeeze %dma_wait3A_321 : memref<1x128xi32, #tpu.memory_space<vmem>> -> memref<128xi32, #tpu.memory_space<vmem>>
        %dma_wait3A_323 = arith.constant 0 : i32
        %dma_wait3A_324 = arith.constant 0 : i32
        %dma_wait3A_325 = tpu.memref_slice %arg17[%dma_wait3A_323, %dma_wait3A_324] : memref<10240x128xf32, #tpu.memory_space<vmem_shared>> -> memref<10240x128xf32, #tpu.memory_space<vmem_shared>>
        tpu.wait_indirect_dma semaphore(%arg15 : memref<!tpu.dma_semaphore, #tpu.memory_space<semaphore_mem>>) src(%arg8 : memref<128x128xf32, #tpu.memory_space<vmem>>) dst(%dma_wait3A_325 : memref<10240x128xf32, #tpu.memory_space<vmem_shared>>)
      } else {
      }
      %add3A_71 = arith.constant 1 : i32
      %add3A_72 = arith.addi %add3A_64, %add3A_71 : i32
      %lt3A = arith.constant 20 : i32
      %lt3A_73 = arith.cmpi slt, %add3A_72, %lt3A : i32
      %convert_element_type3A_74 = arith.extui %lt3A_73 : i1 to i32
      %cond3A_75 = arith.constant 0 : i32
      %cond3A_76 = arith.cmpi ne, %convert_element_type3A_74, %cond3A_75 : i32
      scf.if %cond3A_76 {
        %add3A_319 = arith.constant 1 : i32
        %add3A_320 = arith.addi %add3A_64, %add3A_319 : i32
        %dma_start3A_321 = arith.constant 0 : i32
        %dma_start3A_322 = arith.constant 0 : i32
        %dma_start3A_323 = tpu.memref_slice %arg2[%add3A, %add3A_320, %dma_start3A_321, %dma_start3A_322] : memref<32x20x8x128xi32, #tpu.memory_space<hbm>> -> memref<1x1x8x128xi32, #tpu.memory_space<hbm>>
        %dma_start3A_324 = tpu.memref_squeeze %dma_start3A_323 : memref<1x1x8x128xi32, #tpu.memory_space<hbm>> -> memref<8x128xi32, #tpu.memory_space<hbm>>
        %dma_start3A_325 = arith.constant 0 : i32
        %dma_start3A_326 = arith.constant 0 : i32
        %dma_start3A_327 = tpu.memref_slice %arg2[%add3A, %add3A_320, %dma_start3A_325, %dma_start3A_326] : memref<32x20x8x128xi32, #tpu.memory_space<hbm>> -> memref<1x1x8x128xi32, #tpu.memory_space<hbm>>
        %dma_start3A_328 = tpu.memref_squeeze %dma_start3A_327 : memref<1x1x8x128xi32, #tpu.memory_space<hbm>> -> memref<8x128xi32, #tpu.memory_space<hbm>>
        tpu.enqueue_dma source(%dma_start3A_328 : memref<8x128xi32, #tpu.memory_space<hbm>>) target(%arg6 : memref<8x128xi32, #tpu.memory_space<vmem>>) target_semaphore(%arg11 : memref<!tpu.dma_semaphore, #tpu.memory_space<semaphore_mem>>)
      } else {
      }
      %add3A_77 = arith.constant 1 : i32
      %add3A_78 = arith.addi %add3A_68, %add3A_77 : i32
      %lt3A_79 = arith.constant 80 : i32
      %lt3A_80 = arith.cmpi slt, %add3A_78, %lt3A_79 : i32
      %convert_element_type3A_81 = arith.extui %lt3A_80 : i1 to i32
      %cond3A_82 = arith.constant 0 : i32
      %cond3A_83 = arith.cmpi ne, %convert_element_type3A_81, %cond3A_82 : i32
      scf.if %cond3A_83 {
        %dma_start3A_319 = arith.constant 2 : i32
        %dma_start3A_320 = arith.constant 0 : i32
        %dma_start3A_321 = tpu.memref_slice %arg5[%dma_start3A_319, %dma_start3A_320] : memref<8x128xi32, #tpu.memory_space<vmem>> -> memref<1x128xi32, #tpu.memory_space<vmem>>
        %dma_start3A_322 = tpu.memref_squeeze %dma_start3A_321 : memref<1x128xi32, #tpu.memory_space<vmem>> -> memref<128xi32, #tpu.memory_space<vmem>>
        %dma_start3A_323 = arith.constant 0 : i32
        %dma_start3A_324 = arith.constant 0 : i32
        %dma_start3A_325 = tpu.memref_slice %arg3[%dma_start3A_323, %dma_start3A_324] : memref<10000x128xf32, #tpu.memory_space<hbm>> -> memref<10000x128xf32, #tpu.memory_space<hbm>>
        tpu.enqueue_indirect_dma source(%dma_start3A_325 : memref<10000x128xf32, #tpu.memory_space<hbm>>) target(%arg8 : memref<128x128xf32, #tpu.memory_space<vmem>>) offsets(%dma_start3A_322 : memref<128xi32, #tpu.memory_space<vmem>>) semaphore(%arg13 : memref<!tpu.dma_semaphore, #tpu.memory_space<semaphore_mem>>)
      } else {
      }
      %dma_wait3A_84 = arith.constant 0 : i32
      %dma_wait3A_85 = arith.constant 0 : i32
      %dma_wait3A_86 = tpu.memref_slice %arg5[%dma_wait3A_84, %dma_wait3A_85] : memref<8x128xi32, #tpu.memory_space<vmem>> -> memref<1x128xi32, #tpu.memory_space<vmem>>
      %dma_wait3A_87 = tpu.memref_squeeze %dma_wait3A_86 : memref<1x128xi32, #tpu.memory_space<vmem>> -> memref<128xi32, #tpu.memory_space<vmem>>
      %dma_wait3A_88 = arith.constant 0 : i32
      %dma_wait3A_89 = arith.constant 0 : i32
      %dma_wait3A_90 = tpu.memref_slice %arg3[%dma_wait3A_88, %dma_wait3A_89] : memref<10000x128xf32, #tpu.memory_space<hbm>> -> memref<10000x128xf32, #tpu.memory_space<hbm>>
      tpu.wait_indirect_dma semaphore(%arg12 : memref<!tpu.dma_semaphore, #tpu.memory_space<semaphore_mem>>) src(%dma_wait3A_90 : memref<10000x128xf32, #tpu.memory_space<hbm>>) dst(%arg7 : memref<128x128xf32, #tpu.memory_space<vmem>>)
      %dma_start3A_91 = arith.constant 1 : i32
      %dma_start3A_92 = arith.constant 0 : i32
      %dma_start3A_93 = tpu.memref_slice %arg5[%dma_start3A_91, %dma_start3A_92] : memref<8x128xi32, #tpu.memory_space<vmem>> -> memref<1x128xi32, #tpu.memory_space<vmem>>
      %dma_start3A_94 = tpu.memref_squeeze %dma_start3A_93 : memref<1x128xi32, #tpu.memory_space<vmem>> -> memref<128xi32, #tpu.memory_space<vmem>>
      %dma_start3A_95 = arith.constant 0 : i32
      %dma_start3A_96 = arith.constant 0 : i32
      %dma_start3A_97 = tpu.memref_slice %arg17[%dma_start3A_95, %dma_start3A_96] : memref<10240x128xf32, #tpu.memory_space<vmem_shared>> -> memref<10240x128xf32, #tpu.memory_space<vmem_shared>>
      tpu.enqueue_indirect_dma source(%arg7 : memref<128x128xf32, #tpu.memory_space<vmem>>) target(%dma_start3A_97 : memref<10240x128xf32, #tpu.memory_space<vmem_shared>>) offsets(%dma_start3A_94 : memref<128xi32, #tpu.memory_space<vmem>>) semaphore(%arg14 : memref<!tpu.dma_semaphore, #tpu.memory_space<semaphore_mem>>) {add = true}
      %mul3A_98 = arith.constant 4 : i32
      %mul3A_99 = arith.muli %mul3A_98, %add3A_64 : i32
      %add3A_100 = arith.constant 1 : i32
      %add3A_101 = arith.addi %mul3A_99, %add3A_100 : i32
      %ge3A_102 = arith.constant 1 : i32
      %ge3A_103 = arith.cmpi sge, %add3A_101, %ge3A_102 : i32
      %convert_element_type3A_104 = arith.extui %ge3A_103 : i1 to i32
      %cond3A_105 = arith.constant 0 : i32
      %cond3A_106 = arith.cmpi ne, %convert_element_type3A_104, %cond3A_105 : i32
      scf.if %cond3A_106 {
        %dma_wait3A_319 = arith.constant 1 : i32
        %dma_wait3A_320 = arith.constant 0 : i32
        %dma_wait3A_321 = tpu.memref_slice %arg5[%dma_wait3A_319, %dma_wait3A_320] : memref<8x128xi32, #tpu.memory_space<vmem>> -> memref<1x128xi32, #tpu.memory_space<vmem>>
        %dma_wait3A_322 = tpu.memref_squeeze %dma_wait3A_321 : memref<1x128xi32, #tpu.memory_space<vmem>> -> memref<128xi32, #tpu.memory_space<vmem>>
        %dma_wait3A_323 = arith.constant 0 : i32
        %dma_wait3A_324 = arith.constant 0 : i32
        %dma_wait3A_325 = tpu.memref_slice %arg17[%dma_wait3A_323, %dma_wait3A_324] : memref<10240x128xf32, #tpu.memory_space<vmem_shared>> -> memref<10240x128xf32, #tpu.memory_space<vmem_shared>>
        tpu.wait_indirect_dma semaphore(%arg14 : memref<!tpu.dma_semaphore, #tpu.memory_space<semaphore_mem>>) src(%arg7 : memref<128x128xf32, #tpu.memory_space<vmem>>) dst(%dma_wait3A_325 : memref<10240x128xf32, #tpu.memory_space<vmem_shared>>)
      } else {
      }
      %add3A_107 = arith.constant 1 : i32
      %add3A_108 = arith.addi %add3A_101, %add3A_107 : i32
      %lt3A_109 = arith.constant 80 : i32
      %lt3A_110 = arith.cmpi slt, %add3A_108, %lt3A_109 : i32
      %convert_element_type3A_111 = arith.extui %lt3A_110 : i1 to i32
      %cond3A_112 = arith.constant 0 : i32
      %cond3A_113 = arith.cmpi ne, %convert_element_type3A_111, %cond3A_112 : i32
      scf.if %cond3A_113 {
        %dma_start3A_319 = arith.constant 4 : i32
        %dma_start3A_320 = arith.constant 0 : i32
        %dma_start3A_321 = tpu.memref_slice %arg5[%dma_start3A_319, %dma_start3A_320] : memref<8x128xi32, #tpu.memory_space<vmem>> -> memref<1x128xi32, #tpu.memory_space<vmem>>
        %dma_start3A_322 = tpu.memref_squeeze %dma_start3A_321 : memref<1x128xi32, #tpu.memory_space<vmem>> -> memref<128xi32, #tpu.memory_space<vmem>>
        %dma_start3A_323 = arith.constant 0 : i32
        %dma_start3A_324 = arith.constant 0 : i32
        %dma_start3A_325 = tpu.memref_slice %arg3[%dma_start3A_323, %dma_start3A_324] : memref<10000x128xf32, #tpu.memory_space<hbm>> -> memref<10000x128xf32, #tpu.memory_space<hbm>>
        tpu.enqueue_indirect_dma source(%dma_start3A_325 : memref<10000x128xf32, #tpu.memory_space<hbm>>) target(%arg7 : memref<128x128xf32, #tpu.memory_space<vmem>>) offsets(%dma_start3A_322 : memref<128xi32, #tpu.memory_space<vmem>>) semaphore(%arg12 : memref<!tpu.dma_semaphore, #tpu.memory_space<semaphore_mem>>)
      } else {
      }
      %dma_wait3A_114 = arith.constant 2 : i32
      %dma_wait3A_115 = arith.constant 0 : i32
      %dma_wait3A_116 = tpu.memref_slice %arg5[%dma_wait3A_114, %dma_wait3A_115] : memref<8x128xi32, #tpu.memory_space<vmem>> -> memref<1x128xi32, #tpu.memory_space<vmem>>
      %dma_wait3A_117 = tpu.memref_squeeze %dma_wait3A_116 : memref<1x128xi32, #tpu.memory_space<vmem>> -> memref<128xi32, #tpu.memory_space<vmem>>
      %dma_wait3A_118 = arith.constant 0 : i32
      %dma_wait3A_119 = arith.constant 0 : i32
      %dma_wait3A_120 = tpu.memref_slice %arg3[%dma_wait3A_118, %dma_wait3A_119] : memref<10000x128xf32, #tpu.memory_space<hbm>> -> memref<10000x128xf32, #tpu.memory_space<hbm>>
      tpu.wait_indirect_dma semaphore(%arg13 : memref<!tpu.dma_semaphore, #tpu.memory_space<semaphore_mem>>) src(%dma_wait3A_120 : memref<10000x128xf32, #tpu.memory_space<hbm>>) dst(%arg8 : memref<128x128xf32, #tpu.memory_space<vmem>>)
      %dma_start3A_121 = arith.constant 3 : i32
      %dma_start3A_122 = arith.constant 0 : i32
      %dma_start3A_123 = tpu.memref_slice %arg5[%dma_start3A_121, %dma_start3A_122] : memref<8x128xi32, #tpu.memory_space<vmem>> -> memref<1x128xi32, #tpu.memory_space<vmem>>
      %dma_start3A_124 = tpu.memref_squeeze %dma_start3A_123 : memref<1x128xi32, #tpu.memory_space<vmem>> -> memref<128xi32, #tpu.memory_space<vmem>>
      %dma_start3A_125 = arith.constant 0 : i32
      %dma_start3A_126 = arith.constant 0 : i32
      %dma_start3A_127 = tpu.memref_slice %arg17[%dma_start3A_125, %dma_start3A_126] : memref<10240x128xf32, #tpu.memory_space<vmem_shared>> -> memref<10240x128xf32, #tpu.memory_space<vmem_shared>>
      tpu.enqueue_indirect_dma source(%arg8 : memref<128x128xf32, #tpu.memory_space<vmem>>) target(%dma_start3A_127 : memref<10240x128xf32, #tpu.memory_space<vmem_shared>>) offsets(%dma_start3A_124 : memref<128xi32, #tpu.memory_space<vmem>>) semaphore(%arg15 : memref<!tpu.dma_semaphore, #tpu.memory_space<semaphore_mem>>) {add = true}
      %mul3A_128 = arith.constant 4 : i32
      %mul3A_129 = arith.muli %mul3A_128, %add3A_64 : i32
      %add3A_130 = arith.constant 2 : i32
      %add3A_131 = arith.addi %mul3A_129, %add3A_130 : i32
      %ge3A_132 = arith.constant 1 : i32
      %ge3A_133 = arith.cmpi sge, %add3A_131, %ge3A_132 : i32
      %convert_element_type3A_134 = arith.extui %ge3A_133 : i1 to i32
      %cond3A_135 = arith.constant 0 : i32
      %cond3A_136 = arith.cmpi ne, %convert_element_type3A_134, %cond3A_135 : i32
      scf.if %cond3A_136 {
        %dma_wait3A_319 = arith.constant 3 : i32
        %dma_wait3A_320 = arith.constant 0 : i32
        %dma_wait3A_321 = tpu.memref_slice %arg5[%dma_wait3A_319, %dma_wait3A_320] : memref<8x128xi32, #tpu.memory_space<vmem>> -> memref<1x128xi32, #tpu.memory_space<vmem>>
        %dma_wait3A_322 = tpu.memref_squeeze %dma_wait3A_321 : memref<1x128xi32, #tpu.memory_space<vmem>> -> memref<128xi32, #tpu.memory_space<vmem>>
        %dma_wait3A_323 = arith.constant 0 : i32
        %dma_wait3A_324 = arith.constant 0 : i32
        %dma_wait3A_325 = tpu.memref_slice %arg17[%dma_wait3A_323, %dma_wait3A_324] : memref<10240x128xf32, #tpu.memory_space<vmem_shared>> -> memref<10240x128xf32, #tpu.memory_space<vmem_shared>>
        tpu.wait_indirect_dma semaphore(%arg15 : memref<!tpu.dma_semaphore, #tpu.memory_space<semaphore_mem>>) src(%arg8 : memref<128x128xf32, #tpu.memory_space<vmem>>) dst(%dma_wait3A_325 : memref<10240x128xf32, #tpu.memory_space<vmem_shared>>)
      } else {
      }
      %add3A_137 = arith.constant 1 : i32
      %add3A_138 = arith.addi %add3A_131, %add3A_137 : i32
      %lt3A_139 = arith.constant 80 : i32
      %lt3A_140 = arith.cmpi slt, %add3A_138, %lt3A_139 : i32
      %convert_element_type3A_141 = arith.extui %lt3A_140 : i1 to i32
      %cond3A_142 = arith.constant 0 : i32
      %cond3A_143 = arith.cmpi ne, %convert_element_type3A_141, %cond3A_142 : i32
      scf.if %cond3A_143 {
        %dma_start3A_319 = arith.constant 6 : i32
        %dma_start3A_320 = arith.constant 0 : i32
        %dma_start3A_321 = tpu.memref_slice %arg5[%dma_start3A_319, %dma_start3A_320] : memref<8x128xi32, #tpu.memory_space<vmem>> -> memref<1x128xi32, #tpu.memory_space<vmem>>
        %dma_start3A_322 = tpu.memref_squeeze %dma_start3A_321 : memref<1x128xi32, #tpu.memory_space<vmem>> -> memref<128xi32, #tpu.memory_space<vmem>>
        %dma_start3A_323 = arith.constant 0 : i32
        %dma_start3A_324 = arith.constant 0 : i32
        %dma_start3A_325 = tpu.memref_slice %arg3[%dma_start3A_323, %dma_start3A_324] : memref<10000x128xf32, #tpu.memory_space<hbm>> -> memref<10000x128xf32, #tpu.memory_space<hbm>>
        tpu.enqueue_indirect_dma source(%dma_start3A_325 : memref<10000x128xf32, #tpu.memory_space<hbm>>) target(%arg8 : memref<128x128xf32, #tpu.memory_space<vmem>>) offsets(%dma_start3A_322 : memref<128xi32, #tpu.memory_space<vmem>>) semaphore(%arg13 : memref<!tpu.dma_semaphore, #tpu.memory_space<semaphore_mem>>)
      } else {
      }
      %dma_wait3A_144 = arith.constant 4 : i32
      %dma_wait3A_145 = arith.constant 0 : i32
      %dma_wait3A_146 = tpu.memref_slice %arg5[%dma_wait3A_144, %dma_wait3A_145] : memref<8x128xi32, #tpu.memory_space<vmem>> -> memref<1x128xi32, #tpu.memory_space<vmem>>
      %dma_wait3A_147 = tpu.memref_squeeze %dma_wait3A_146 : memref<1x128xi32, #tpu.memory_space<vmem>> -> memref<128xi32, #tpu.memory_space<vmem>>
      %dma_wait3A_148 = arith.constant 0 : i32
      %dma_wait3A_149 = arith.constant 0 : i32
      %dma_wait3A_150 = tpu.memref_slice %arg3[%dma_wait3A_148, %dma_wait3A_149] : memref<10000x128xf32, #tpu.memory_space<hbm>> -> memref<10000x128xf32, #tpu.memory_space<hbm>>
      tpu.wait_indirect_dma semaphore(%arg12 : memref<!tpu.dma_semaphore, #tpu.memory_space<semaphore_mem>>) src(%dma_wait3A_150 : memref<10000x128xf32, #tpu.memory_space<hbm>>) dst(%arg7 : memref<128x128xf32, #tpu.memory_space<vmem>>)
      %dma_start3A_151 = arith.constant 5 : i32
      %dma_start3A_152 = arith.constant 0 : i32
      %dma_start3A_153 = tpu.memref_slice %arg5[%dma_start3A_151, %dma_start3A_152] : memref<8x128xi32, #tpu.memory_space<vmem>> -> memref<1x128xi32, #tpu.memory_space<vmem>>
      %dma_start3A_154 = tpu.memref_squeeze %dma_start3A_153 : memref<1x128xi32, #tpu.memory_space<vmem>> -> memref<128xi32, #tpu.memory_space<vmem>>
      %dma_start3A_155 = arith.constant 0 : i32
      %dma_start3A_156 = arith.constant 0 : i32
      %dma_start3A_157 = tpu.memref_slice %arg17[%dma_start3A_155, %dma_start3A_156] : memref<10240x128xf32, #tpu.memory_space<vmem_shared>> -> memref<10240x128xf32, #tpu.memory_space<vmem_shared>>
      tpu.enqueue_indirect_dma source(%arg7 : memref<128x128xf32, #tpu.memory_space<vmem>>) target(%dma_start3A_157 : memref<10240x128xf32, #tpu.memory_space<vmem_shared>>) offsets(%dma_start3A_154 : memref<128xi32, #tpu.memory_space<vmem>>) semaphore(%arg14 : memref<!tpu.dma_semaphore, #tpu.memory_space<semaphore_mem>>) {add = true}
      %mul3A_158 = arith.constant 4 : i32
      %mul3A_159 = arith.muli %mul3A_158, %add3A_64 : i32
      %add3A_160 = arith.constant 3 : i32
      %add3A_161 = arith.addi %mul3A_159, %add3A_160 : i32
      %ge3A_162 = arith.constant 1 : i32
      %ge3A_163 = arith.cmpi sge, %add3A_161, %ge3A_162 : i32
      %convert_element_type3A_164 = arith.extui %ge3A_163 : i1 to i32
      %cond3A_165 = arith.constant 0 : i32
      %cond3A_166 = arith.cmpi ne, %convert_element_type3A_164, %cond3A_165 : i32
      scf.if %cond3A_166 {
        %dma_wait3A_319 = arith.constant 5 : i32
        %dma_wait3A_320 = arith.constant 0 : i32
        %dma_wait3A_321 = tpu.memref_slice %arg5[%dma_wait3A_319, %dma_wait3A_320] : memref<8x128xi32, #tpu.memory_space<vmem>> -> memref<1x128xi32, #tpu.memory_space<vmem>>
        %dma_wait3A_322 = tpu.memref_squeeze %dma_wait3A_321 : memref<1x128xi32, #tpu.memory_space<vmem>> -> memref<128xi32, #tpu.memory_space<vmem>>
        %dma_wait3A_323 = arith.constant 0 : i32
        %dma_wait3A_324 = arith.constant 0 : i32
        %dma_wait3A_325 = tpu.memref_slice %arg17[%dma_wait3A_323, %dma_wait3A_324] : memref<10240x128xf32, #tpu.memory_space<vmem_shared>> -> memref<10240x128xf32, #tpu.memory_space<vmem_shared>>
        tpu.wait_indirect_dma semaphore(%arg14 : memref<!tpu.dma_semaphore, #tpu.memory_space<semaphore_mem>>) src(%arg7 : memref<128x128xf32, #tpu.memory_space<vmem>>) dst(%dma_wait3A_325 : memref<10240x128xf32, #tpu.memory_space<vmem_shared>>)
      } else {
      }
      %add3A_167 = arith.constant 1 : i32
      %add3A_168 = arith.addi %add3A_161, %add3A_167 : i32
      %lt3A_169 = arith.constant 80 : i32
      %lt3A_170 = arith.cmpi slt, %add3A_168, %lt3A_169 : i32
      %convert_element_type3A_171 = arith.extui %lt3A_170 : i1 to i32
      %cond3A_172 = arith.constant 0 : i32
      %cond3A_173 = arith.cmpi ne, %convert_element_type3A_171, %cond3A_172 : i32
      scf.if %cond3A_173 {
        %add3A_319 = arith.constant 1 : i32
        %add3A_320 = arith.addi %add3A_64, %add3A_319 : i32
        %dma_wait3A_321 = arith.constant 0 : i32
        %dma_wait3A_322 = arith.constant 0 : i32
        %dma_wait3A_323 = tpu.memref_slice %arg2[%add3A, %add3A_320, %dma_wait3A_321, %dma_wait3A_322] : memref<32x20x8x128xi32, #tpu.memory_space<hbm>> -> memref<1x1x8x128xi32, #tpu.memory_space<hbm>>
        %dma_wait3A_324 = tpu.memref_squeeze %dma_wait3A_323 : memref<1x1x8x128xi32, #tpu.memory_space<hbm>> -> memref<8x128xi32, #tpu.memory_space<hbm>>
        %dma_wait3A_325 = arith.constant 0 : i32
        %dma_wait3A_326 = arith.constant 0 : i32
        %dma_wait3A_327 = tpu.memref_slice %arg2[%add3A, %add3A_320, %dma_wait3A_325, %dma_wait3A_326] : memref<32x20x8x128xi32, #tpu.memory_space<hbm>> -> memref<1x1x8x128xi32, #tpu.memory_space<hbm>>
        %dma_wait3A_328 = tpu.memref_squeeze %dma_wait3A_327 : memref<1x1x8x128xi32, #tpu.memory_space<hbm>> -> memref<8x128xi32, #tpu.memory_space<hbm>>
        tpu.wait_dma2 semaphore(%arg11 : memref<!tpu.dma_semaphore, #tpu.memory_space<semaphore_mem>>) src(%dma_wait3A_328 : memref<8x128xi32, #tpu.memory_space<hbm>>) dst(%arg6 : memref<8x128xi32, #tpu.memory_space<vmem>>)
        %dma_start3A_329 = arith.constant 0 : i32
        %dma_start3A_330 = arith.constant 0 : i32
        %dma_start3A_331 = tpu.memref_slice %arg6[%dma_start3A_329, %dma_start3A_330] : memref<8x128xi32, #tpu.memory_space<vmem>> -> memref<1x128xi32, #tpu.memory_space<vmem>>
        %dma_start3A_332 = tpu.memref_squeeze %dma_start3A_331 : memref<1x128xi32, #tpu.memory_space<vmem>> -> memref<128xi32, #tpu.memory_space<vmem>>
        %dma_start3A_333 = arith.constant 0 : i32
        %dma_start3A_334 = arith.constant 0 : i32
        %dma_start3A_335 = tpu.memref_slice %arg3[%dma_start3A_333, %dma_start3A_334] : memref<10000x128xf32, #tpu.memory_space<hbm>> -> memref<10000x128xf32, #tpu.memory_space<hbm>>
        tpu.enqueue_indirect_dma source(%dma_start3A_335 : memref<10000x128xf32, #tpu.memory_space<hbm>>) target(%arg7 : memref<128x128xf32, #tpu.memory_space<vmem>>) offsets(%dma_start3A_332 : memref<128xi32, #tpu.memory_space<vmem>>) semaphore(%arg12 : memref<!tpu.dma_semaphore, #tpu.memory_space<semaphore_mem>>)
      } else {
      }
      %dma_wait3A_174 = arith.constant 6 : i32
      %dma_wait3A_175 = arith.constant 0 : i32
      %dma_wait3A_176 = tpu.memref_slice %arg5[%dma_wait3A_174, %dma_wait3A_175] : memref<8x128xi32, #tpu.memory_space<vmem>> -> memref<1x128xi32, #tpu.memory_space<vmem>>
      %dma_wait3A_177 = tpu.memref_squeeze %dma_wait3A_176 : memref<1x128xi32, #tpu.memory_space<vmem>> -> memref<128xi32, #tpu.memory_space<vmem>>
      %dma_wait3A_178 = arith.constant 0 : i32
      %dma_wait3A_179 = arith.constant 0 : i32
      %dma_wait3A_180 = tpu.memref_slice %arg3[%dma_wait3A_178, %dma_wait3A_179] : memref<10000x128xf32, #tpu.memory_space<hbm>> -> memref<10000x128xf32, #tpu.memory_space<hbm>>
      tpu.wait_indirect_dma semaphore(%arg13 : memref<!tpu.dma_semaphore, #tpu.memory_space<semaphore_mem>>) src(%dma_wait3A_180 : memref<10000x128xf32, #tpu.memory_space<hbm>>) dst(%arg8 : memref<128x128xf32, #tpu.memory_space<vmem>>)
      %dma_start3A_181 = arith.constant 7 : i32
      %dma_start3A_182 = arith.constant 0 : i32
      %dma_start3A_183 = tpu.memref_slice %arg5[%dma_start3A_181, %dma_start3A_182] : memref<8x128xi32, #tpu.memory_space<vmem>> -> memref<1x128xi32, #tpu.memory_space<vmem>>
      %dma_start3A_184 = tpu.memref_squeeze %dma_start3A_183 : memref<1x128xi32, #tpu.memory_space<vmem>> -> memref<128xi32, #tpu.memory_space<vmem>>
      %dma_start3A_185 = arith.constant 0 : i32
      %dma_start3A_186 = arith.constant 0 : i32
      %dma_start3A_187 = tpu.memref_slice %arg17[%dma_start3A_185, %dma_start3A_186] : memref<10240x128xf32, #tpu.memory_space<vmem_shared>> -> memref<10240x128xf32, #tpu.memory_space<vmem_shared>>
      tpu.enqueue_indirect_dma source(%arg8 : memref<128x128xf32, #tpu.memory_space<vmem>>) target(%dma_start3A_187 : memref<10240x128xf32, #tpu.memory_space<vmem_shared>>) offsets(%dma_start3A_184 : memref<128xi32, #tpu.memory_space<vmem>>) semaphore(%arg15 : memref<!tpu.dma_semaphore, #tpu.memory_space<semaphore_mem>>) {add = true}
      %mul3A_188 = arith.constant 2 : i32
      %mul3A_189 = arith.muli %mul3A_188, %scan3A_60 : i32
      %add3A_190 = arith.constant 1 : i32
      %add3A_191 = arith.addi %mul3A_189, %add3A_190 : i32
      %mul3A_192 = arith.constant 4 : i32
      %mul3A_193 = arith.muli %mul3A_192, %add3A_191 : i32
      %add3A_194 = arith.constant 0 : i32
      %add3A_195 = arith.addi %mul3A_193, %add3A_194 : i32
      %ge3A_196 = arith.constant 1 : i32
      %ge3A_197 = arith.cmpi sge, %add3A_195, %ge3A_196 : i32
      %convert_element_type3A_198 = arith.extui %ge3A_197 : i1 to i32
      %cond3A_199 = arith.constant 0 : i32
      %cond3A_200 = arith.cmpi ne, %convert_element_type3A_198, %cond3A_199 : i32
      scf.if %cond3A_200 {
        %dma_wait3A_319 = arith.constant 7 : i32
        %dma_wait3A_320 = arith.constant 0 : i32
        %dma_wait3A_321 = tpu.memref_slice %arg5[%dma_wait3A_319, %dma_wait3A_320] : memref<8x128xi32, #tpu.memory_space<vmem>> -> memref<1x128xi32, #tpu.memory_space<vmem>>
        %dma_wait3A_322 = tpu.memref_squeeze %dma_wait3A_321 : memref<1x128xi32, #tpu.memory_space<vmem>> -> memref<128xi32, #tpu.memory_space<vmem>>
        %dma_wait3A_323 = arith.constant 0 : i32
        %dma_wait3A_324 = arith.constant 0 : i32
        %dma_wait3A_325 = tpu.memref_slice %arg17[%dma_wait3A_323, %dma_wait3A_324] : memref<10240x128xf32, #tpu.memory_space<vmem_shared>> -> memref<10240x128xf32, #tpu.memory_space<vmem_shared>>
        tpu.wait_indirect_dma semaphore(%arg15 : memref<!tpu.dma_semaphore, #tpu.memory_space<semaphore_mem>>) src(%arg8 : memref<128x128xf32, #tpu.memory_space<vmem>>) dst(%dma_wait3A_325 : memref<10240x128xf32, #tpu.memory_space<vmem_shared>>)
      } else {
      }
      %add3A_201 = arith.constant 1 : i32
      %add3A_202 = arith.addi %add3A_191, %add3A_201 : i32
      %lt3A_203 = arith.constant 20 : i32
      %lt3A_204 = arith.cmpi slt, %add3A_202, %lt3A_203 : i32
      %convert_element_type3A_205 = arith.extui %lt3A_204 : i1 to i32
      %cond3A_206 = arith.constant 0 : i32
      %cond3A_207 = arith.cmpi ne, %convert_element_type3A_205, %cond3A_206 : i32
      scf.if %cond3A_207 {
        %add3A_319 = arith.constant 1 : i32
        %add3A_320 = arith.addi %add3A_191, %add3A_319 : i32
        %dma_start3A_321 = arith.constant 0 : i32
        %dma_start3A_322 = arith.constant 0 : i32
        %dma_start3A_323 = tpu.memref_slice %arg2[%add3A, %add3A_320, %dma_start3A_321, %dma_start3A_322] : memref<32x20x8x128xi32, #tpu.memory_space<hbm>> -> memref<1x1x8x128xi32, #tpu.memory_space<hbm>>
        %dma_start3A_324 = tpu.memref_squeeze %dma_start3A_323 : memref<1x1x8x128xi32, #tpu.memory_space<hbm>> -> memref<8x128xi32, #tpu.memory_space<hbm>>
        %dma_start3A_325 = arith.constant 0 : i32
        %dma_start3A_326 = arith.constant 0 : i32
        %dma_start3A_327 = tpu.memref_slice %arg2[%add3A, %add3A_320, %dma_start3A_325, %dma_start3A_326] : memref<32x20x8x128xi32, #tpu.memory_space<hbm>> -> memref<1x1x8x128xi32, #tpu.memory_space<hbm>>
        %dma_start3A_328 = tpu.memref_squeeze %dma_start3A_327 : memref<1x1x8x128xi32, #tpu.memory_space<hbm>> -> memref<8x128xi32, #tpu.memory_space<hbm>>
        tpu.enqueue_dma source(%dma_start3A_328 : memref<8x128xi32, #tpu.memory_space<hbm>>) target(%arg5 : memref<8x128xi32, #tpu.memory_space<vmem>>) target_semaphore(%arg10 : memref<!tpu.dma_semaphore, #tpu.memory_space<semaphore_mem>>)
      } else {
      }
      %add3A_208 = arith.constant 1 : i32
      %add3A_209 = arith.addi %add3A_195, %add3A_208 : i32
      %lt3A_210 = arith.constant 80 : i32
      %lt3A_211 = arith.cmpi slt, %add3A_209, %lt3A_210 : i32
      %convert_element_type3A_212 = arith.extui %lt3A_211 : i1 to i32
      %cond3A_213 = arith.constant 0 : i32
      %cond3A_214 = arith.cmpi ne, %convert_element_type3A_212, %cond3A_213 : i32
      scf.if %cond3A_214 {
        %dma_start3A_319 = arith.constant 2 : i32
        %dma_start3A_320 = arith.constant 0 : i32
        %dma_start3A_321 = tpu.memref_slice %arg6[%dma_start3A_319, %dma_start3A_320] : memref<8x128xi32, #tpu.memory_space<vmem>> -> memref<1x128xi32, #tpu.memory_space<vmem>>
        %dma_start3A_322 = tpu.memref_squeeze %dma_start3A_321 : memref<1x128xi32, #tpu.memory_space<vmem>> -> memref<128xi32, #tpu.memory_space<vmem>>
        %dma_start3A_323 = arith.constant 0 : i32
        %dma_start3A_324 = arith.constant 0 : i32
        %dma_start3A_325 = tpu.memref_slice %arg3[%dma_start3A_323, %dma_start3A_324] : memref<10000x128xf32, #tpu.memory_space<hbm>> -> memref<10000x128xf32, #tpu.memory_space<hbm>>
        tpu.enqueue_indirect_dma source(%dma_start3A_325 : memref<10000x128xf32, #tpu.memory_space<hbm>>) target(%arg8 : memref<128x128xf32, #tpu.memory_space<vmem>>) offsets(%dma_start3A_322 : memref<128xi32, #tpu.memory_space<vmem>>) semaphore(%arg13 : memref<!tpu.dma_semaphore, #tpu.memory_space<semaphore_mem>>)
      } else {
      }
      %dma_wait3A_215 = arith.constant 0 : i32
      %dma_wait3A_216 = arith.constant 0 : i32
      %dma_wait3A_217 = tpu.memref_slice %arg6[%dma_wait3A_215, %dma_wait3A_216] : memref<8x128xi32, #tpu.memory_space<vmem>> -> memref<1x128xi32, #tpu.memory_space<vmem>>
      %dma_wait3A_218 = tpu.memref_squeeze %dma_wait3A_217 : memref<1x128xi32, #tpu.memory_space<vmem>> -> memref<128xi32, #tpu.memory_space<vmem>>
      %dma_wait3A_219 = arith.constant 0 : i32
      %dma_wait3A_220 = arith.constant 0 : i32
      %dma_wait3A_221 = tpu.memref_slice %arg3[%dma_wait3A_219, %dma_wait3A_220] : memref<10000x128xf32, #tpu.memory_space<hbm>> -> memref<10000x128xf32, #tpu.memory_space<hbm>>
      tpu.wait_indirect_dma semaphore(%arg12 : memref<!tpu.dma_semaphore, #tpu.memory_space<semaphore_mem>>) src(%dma_wait3A_221 : memref<10000x128xf32, #tpu.memory_space<hbm>>) dst(%arg7 : memref<128x128xf32, #tpu.memory_space<vmem>>)
      %dma_start3A_222 = arith.constant 1 : i32
      %dma_start3A_223 = arith.constant 0 : i32
      %dma_start3A_224 = tpu.memref_slice %arg6[%dma_start3A_222, %dma_start3A_223] : memref<8x128xi32, #tpu.memory_space<vmem>> -> memref<1x128xi32, #tpu.memory_space<vmem>>
      %dma_start3A_225 = tpu.memref_squeeze %dma_start3A_224 : memref<1x128xi32, #tpu.memory_space<vmem>> -> memref<128xi32, #tpu.memory_space<vmem>>
      %dma_start3A_226 = arith.constant 0 : i32
      %dma_start3A_227 = arith.constant 0 : i32
      %dma_start3A_228 = tpu.memref_slice %arg17[%dma_start3A_226, %dma_start3A_227] : memref<10240x128xf32, #tpu.memory_space<vmem_shared>> -> memref<10240x128xf32, #tpu.memory_space<vmem_shared>>
      tpu.enqueue_indirect_dma source(%arg7 : memref<128x128xf32, #tpu.memory_space<vmem>>) target(%dma_start3A_228 : memref<10240x128xf32, #tpu.memory_space<vmem_shared>>) offsets(%dma_start3A_225 : memref<128xi32, #tpu.memory_space<vmem>>) semaphore(%arg14 : memref<!tpu.dma_semaphore, #tpu.memory_space<semaphore_mem>>) {add = true}
      %mul3A_229 = arith.constant 4 : i32
      %mul3A_230 = arith.muli %mul3A_229, %add3A_191 : i32
      %add3A_231 = arith.constant 1 : i32
      %add3A_232 = arith.addi %mul3A_230, %add3A_231 : i32
      %ge3A_233 = arith.constant 1 : i32
      %ge3A_234 = arith.cmpi sge, %add3A_232, %ge3A_233 : i32
      %convert_element_type3A_235 = arith.extui %ge3A_234 : i1 to i32
      %cond3A_236 = arith.constant 0 : i32
      %cond3A_237 = arith.cmpi ne, %convert_element_type3A_235, %cond3A_236 : i32
      scf.if %cond3A_237 {
        %dma_wait3A_319 = arith.constant 1 : i32
        %dma_wait3A_320 = arith.constant 0 : i32
        %dma_wait3A_321 = tpu.memref_slice %arg6[%dma_wait3A_319, %dma_wait3A_320] : memref<8x128xi32, #tpu.memory_space<vmem>> -> memref<1x128xi32, #tpu.memory_space<vmem>>
        %dma_wait3A_322 = tpu.memref_squeeze %dma_wait3A_321 : memref<1x128xi32, #tpu.memory_space<vmem>> -> memref<128xi32, #tpu.memory_space<vmem>>
        %dma_wait3A_323 = arith.constant 0 : i32
        %dma_wait3A_324 = arith.constant 0 : i32
        %dma_wait3A_325 = tpu.memref_slice %arg17[%dma_wait3A_323, %dma_wait3A_324] : memref<10240x128xf32, #tpu.memory_space<vmem_shared>> -> memref<10240x128xf32, #tpu.memory_space<vmem_shared>>
        tpu.wait_indirect_dma semaphore(%arg14 : memref<!tpu.dma_semaphore, #tpu.memory_space<semaphore_mem>>) src(%arg7 : memref<128x128xf32, #tpu.memory_space<vmem>>) dst(%dma_wait3A_325 : memref<10240x128xf32, #tpu.memory_space<vmem_shared>>)
      } else {
      }
      %add3A_238 = arith.constant 1 : i32
      %add3A_239 = arith.addi %add3A_232, %add3A_238 : i32
      %lt3A_240 = arith.constant 80 : i32
      %lt3A_241 = arith.cmpi slt, %add3A_239, %lt3A_240 : i32
      %convert_element_type3A_242 = arith.extui %lt3A_241 : i1 to i32
      %cond3A_243 = arith.constant 0 : i32
      %cond3A_244 = arith.cmpi ne, %convert_element_type3A_242, %cond3A_243 : i32
      scf.if %cond3A_244 {
        %dma_start3A_319 = arith.constant 4 : i32
        %dma_start3A_320 = arith.constant 0 : i32
        %dma_start3A_321 = tpu.memref_slice %arg6[%dma_start3A_319, %dma_start3A_320] : memref<8x128xi32, #tpu.memory_space<vmem>> -> memref<1x128xi32, #tpu.memory_space<vmem>>
        %dma_start3A_322 = tpu.memref_squeeze %dma_start3A_321 : memref<1x128xi32, #tpu.memory_space<vmem>> -> memref<128xi32, #tpu.memory_space<vmem>>
        %dma_start3A_323 = arith.constant 0 : i32
        %dma_start3A_324 = arith.constant 0 : i32
        %dma_start3A_325 = tpu.memref_slice %arg3[%dma_start3A_323, %dma_start3A_324] : memref<10000x128xf32, #tpu.memory_space<hbm>> -> memref<10000x128xf32, #tpu.memory_space<hbm>>
        tpu.enqueue_indirect_dma source(%dma_start3A_325 : memref<10000x128xf32, #tpu.memory_space<hbm>>) target(%arg7 : memref<128x128xf32, #tpu.memory_space<vmem>>) offsets(%dma_start3A_322 : memref<128xi32, #tpu.memory_space<vmem>>) semaphore(%arg12 : memref<!tpu.dma_semaphore, #tpu.memory_space<semaphore_mem>>)
      } else {
      }
      %dma_wait3A_245 = arith.constant 2 : i32
      %dma_wait3A_246 = arith.constant 0 : i32
      %dma_wait3A_247 = tpu.memref_slice %arg6[%dma_wait3A_245, %dma_wait3A_246] : memref<8x128xi32, #tpu.memory_space<vmem>> -> memref<1x128xi32, #tpu.memory_space<vmem>>
      %dma_wait3A_248 = tpu.memref_squeeze %dma_wait3A_247 : memref<1x128xi32, #tpu.memory_space<vmem>> -> memref<128xi32, #tpu.memory_space<vmem>>
      %dma_wait3A_249 = arith.constant 0 : i32
      %dma_wait3A_250 = arith.constant 0 : i32
      %dma_wait3A_251 = tpu.memref_slice %arg3[%dma_wait3A_249, %dma_wait3A_250] : memref<10000x128xf32, #tpu.memory_space<hbm>> -> memref<10000x128xf32, #tpu.memory_space<hbm>>
      tpu.wait_indirect_dma semaphore(%arg13 : memref<!tpu.dma_semaphore, #tpu.memory_space<semaphore_mem>>) src(%dma_wait3A_251 : memref<10000x128xf32, #tpu.memory_space<hbm>>) dst(%arg8 : memref<128x128xf32, #tpu.memory_space<vmem>>)
      %dma_start3A_252 = arith.constant 3 : i32
      %dma_start3A_253 = arith.constant 0 : i32
      %dma_start3A_254 = tpu.memref_slice %arg6[%dma_start3A_252, %dma_start3A_253] : memref<8x128xi32, #tpu.memory_space<vmem>> -> memref<1x128xi32, #tpu.memory_space<vmem>>
      %dma_start3A_255 = tpu.memref_squeeze %dma_start3A_254 : memref<1x128xi32, #tpu.memory_space<vmem>> -> memref<128xi32, #tpu.memory_space<vmem>>
      %dma_start3A_256 = arith.constant 0 : i32
      %dma_start3A_257 = arith.constant 0 : i32
      %dma_start3A_258 = tpu.memref_slice %arg17[%dma_start3A_256, %dma_start3A_257] : memref<10240x128xf32, #tpu.memory_space<vmem_shared>> -> memref<10240x128xf32, #tpu.memory_space<vmem_shared>>
      tpu.enqueue_indirect_dma source(%arg8 : memref<128x128xf32, #tpu.memory_space<vmem>>) target(%dma_start3A_258 : memref<10240x128xf32, #tpu.memory_space<vmem_shared>>) offsets(%dma_start3A_255 : memref<128xi32, #tpu.memory_space<vmem>>) semaphore(%arg15 : memref<!tpu.dma_semaphore, #tpu.memory_space<semaphore_mem>>) {add = true}
      %mul3A_259 = arith.constant 4 : i32
      %mul3A_260 = arith.muli %mul3A_259, %add3A_191 : i32
      %add3A_261 = arith.constant 2 : i32
      %add3A_262 = arith.addi %mul3A_260, %add3A_261 : i32
      %ge3A_263 = arith.constant 1 : i32
      %ge3A_264 = arith.cmpi sge, %add3A_262, %ge3A_263 : i32
      %convert_element_type3A_265 = arith.extui %ge3A_264 : i1 to i32
      %cond3A_266 = arith.constant 0 : i32
      %cond3A_267 = arith.cmpi ne, %convert_element_type3A_265, %cond3A_266 : i32
      scf.if %cond3A_267 {
        %dma_wait3A_319 = arith.constant 3 : i32
        %dma_wait3A_320 = arith.constant 0 : i32
        %dma_wait3A_321 = tpu.memref_slice %arg6[%dma_wait3A_319, %dma_wait3A_320] : memref<8x128xi32, #tpu.memory_space<vmem>> -> memref<1x128xi32, #tpu.memory_space<vmem>>
        %dma_wait3A_322 = tpu.memref_squeeze %dma_wait3A_321 : memref<1x128xi32, #tpu.memory_space<vmem>> -> memref<128xi32, #tpu.memory_space<vmem>>
        %dma_wait3A_323 = arith.constant 0 : i32
        %dma_wait3A_324 = arith.constant 0 : i32
        %dma_wait3A_325 = tpu.memref_slice %arg17[%dma_wait3A_323, %dma_wait3A_324] : memref<10240x128xf32, #tpu.memory_space<vmem_shared>> -> memref<10240x128xf32, #tpu.memory_space<vmem_shared>>
        tpu.wait_indirect_dma semaphore(%arg15 : memref<!tpu.dma_semaphore, #tpu.memory_space<semaphore_mem>>) src(%arg8 : memref<128x128xf32, #tpu.memory_space<vmem>>) dst(%dma_wait3A_325 : memref<10240x128xf32, #tpu.memory_space<vmem_shared>>)
      } else {
      }
      %add3A_268 = arith.constant 1 : i32
      %add3A_269 = arith.addi %add3A_262, %add3A_268 : i32
      %lt3A_270 = arith.constant 80 : i32
      %lt3A_271 = arith.cmpi slt, %add3A_269, %lt3A_270 : i32
      %convert_element_type3A_272 = arith.extui %lt3A_271 : i1 to i32
      %cond3A_273 = arith.constant 0 : i32
      %cond3A_274 = arith.cmpi ne, %convert_element_type3A_272, %cond3A_273 : i32
      scf.if %cond3A_274 {
        %dma_start3A_319 = arith.constant 6 : i32
        %dma_start3A_320 = arith.constant 0 : i32
        %dma_start3A_321 = tpu.memref_slice %arg6[%dma_start3A_319, %dma_start3A_320] : memref<8x128xi32, #tpu.memory_space<vmem>> -> memref<1x128xi32, #tpu.memory_space<vmem>>
        %dma_start3A_322 = tpu.memref_squeeze %dma_start3A_321 : memref<1x128xi32, #tpu.memory_space<vmem>> -> memref<128xi32, #tpu.memory_space<vmem>>
        %dma_start3A_323 = arith.constant 0 : i32
        %dma_start3A_324 = arith.constant 0 : i32
        %dma_start3A_325 = tpu.memref_slice %arg3[%dma_start3A_323, %dma_start3A_324] : memref<10000x128xf32, #tpu.memory_space<hbm>> -> memref<10000x128xf32, #tpu.memory_space<hbm>>
        tpu.enqueue_indirect_dma source(%dma_start3A_325 : memref<10000x128xf32, #tpu.memory_space<hbm>>) target(%arg8 : memref<128x128xf32, #tpu.memory_space<vmem>>) offsets(%dma_start3A_322 : memref<128xi32, #tpu.memory_space<vmem>>) semaphore(%arg13 : memref<!tpu.dma_semaphore, #tpu.memory_space<semaphore_mem>>)
      } else {
      }
      %dma_wait3A_275 = arith.constant 4 : i32
      %dma_wait3A_276 = arith.constant 0 : i32
      %dma_wait3A_277 = tpu.memref_slice %arg6[%dma_wait3A_275, %dma_wait3A_276] : memref<8x128xi32, #tpu.memory_space<vmem>> -> memref<1x128xi32, #tpu.memory_space<vmem>>
      %dma_wait3A_278 = tpu.memref_squeeze %dma_wait3A_277 : memref<1x128xi32, #tpu.memory_space<vmem>> -> memref<128xi32, #tpu.memory_space<vmem>>
      %dma_wait3A_279 = arith.constant 0 : i32
      %dma_wait3A_280 = arith.constant 0 : i32
      %dma_wait3A_281 = tpu.memref_slice %arg3[%dma_wait3A_279, %dma_wait3A_280] : memref<10000x128xf32, #tpu.memory_space<hbm>> -> memref<10000x128xf32, #tpu.memory_space<hbm>>
      tpu.wait_indirect_dma semaphore(%arg12 : memref<!tpu.dma_semaphore, #tpu.memory_space<semaphore_mem>>) src(%dma_wait3A_281 : memref<10000x128xf32, #tpu.memory_space<hbm>>) dst(%arg7 : memref<128x128xf32, #tpu.memory_space<vmem>>)
      %dma_start3A_282 = arith.constant 5 : i32
      %dma_start3A_283 = arith.constant 0 : i32
      %dma_start3A_284 = tpu.memref_slice %arg6[%dma_start3A_282, %dma_start3A_283] : memref<8x128xi32, #tpu.memory_space<vmem>> -> memref<1x128xi32, #tpu.memory_space<vmem>>
      %dma_start3A_285 = tpu.memref_squeeze %dma_start3A_284 : memref<1x128xi32, #tpu.memory_space<vmem>> -> memref<128xi32, #tpu.memory_space<vmem>>
      %dma_start3A_286 = arith.constant 0 : i32
      %dma_start3A_287 = arith.constant 0 : i32
      %dma_start3A_288 = tpu.memref_slice %arg17[%dma_start3A_286, %dma_start3A_287] : memref<10240x128xf32, #tpu.memory_space<vmem_shared>> -> memref<10240x128xf32, #tpu.memory_space<vmem_shared>>
      tpu.enqueue_indirect_dma source(%arg7 : memref<128x128xf32, #tpu.memory_space<vmem>>) target(%dma_start3A_288 : memref<10240x128xf32, #tpu.memory_space<vmem_shared>>) offsets(%dma_start3A_285 : memref<128xi32, #tpu.memory_space<vmem>>) semaphore(%arg14 : memref<!tpu.dma_semaphore, #tpu.memory_space<semaphore_mem>>) {add = true}
      %mul3A_289 = arith.constant 4 : i32
      %mul3A_290 = arith.muli %mul3A_289, %add3A_191 : i32
      %add3A_291 = arith.constant 3 : i32
      %add3A_292 = arith.addi %mul3A_290, %add3A_291 : i32
      %ge3A_293 = arith.constant 1 : i32
      %ge3A_294 = arith.cmpi sge, %add3A_292, %ge3A_293 : i32
      %convert_element_type3A_295 = arith.extui %ge3A_294 : i1 to i32
      %cond3A_296 = arith.constant 0 : i32
      %cond3A_297 = arith.cmpi ne, %convert_element_type3A_295, %cond3A_296 : i32
      scf.if %cond3A_297 {
        %dma_wait3A_319 = arith.constant 5 : i32
        %dma_wait3A_320 = arith.constant 0 : i32
        %dma_wait3A_321 = tpu.memref_slice %arg6[%dma_wait3A_319, %dma_wait3A_320] : memref<8x128xi32, #tpu.memory_space<vmem>> -> memref<1x128xi32, #tpu.memory_space<vmem>>
        %dma_wait3A_322 = tpu.memref_squeeze %dma_wait3A_321 : memref<1x128xi32, #tpu.memory_space<vmem>> -> memref<128xi32, #tpu.memory_space<vmem>>
        %dma_wait3A_323 = arith.constant 0 : i32
        %dma_wait3A_324 = arith.constant 0 : i32
        %dma_wait3A_325 = tpu.memref_slice %arg17[%dma_wait3A_323, %dma_wait3A_324] : memref<10240x128xf32, #tpu.memory_space<vmem_shared>> -> memref<10240x128xf32, #tpu.memory_space<vmem_shared>>
        tpu.wait_indirect_dma semaphore(%arg14 : memref<!tpu.dma_semaphore, #tpu.memory_space<semaphore_mem>>) src(%arg7 : memref<128x128xf32, #tpu.memory_space<vmem>>) dst(%dma_wait3A_325 : memref<10240x128xf32, #tpu.memory_space<vmem_shared>>)
      } else {
      }
      %add3A_298 = arith.constant 1 : i32
      %add3A_299 = arith.addi %add3A_292, %add3A_298 : i32
      %lt3A_300 = arith.constant 80 : i32
      %lt3A_301 = arith.cmpi slt, %add3A_299, %lt3A_300 : i32
      %convert_element_type3A_302 = arith.extui %lt3A_301 : i1 to i32
      %cond3A_303 = arith.constant 0 : i32
      %cond3A_304 = arith.cmpi ne, %convert_element_type3A_302, %cond3A_303 : i32
      scf.if %cond3A_304 {
        %add3A_319 = arith.constant 1 : i32
        %add3A_320 = arith.addi %add3A_191, %add3A_319 : i32
        %dma_wait3A_321 = arith.constant 0 : i32
        %dma_wait3A_322 = arith.constant 0 : i32
        %dma_wait3A_323 = tpu.memref_slice %arg2[%add3A, %add3A_320, %dma_wait3A_321, %dma_wait3A_322] : memref<32x20x8x128xi32, #tpu.memory_space<hbm>> -> memref<1x1x8x128xi32, #tpu.memory_space<hbm>>
        %dma_wait3A_324 = tpu.memref_squeeze %dma_wait3A_323 : memref<1x1x8x128xi32, #tpu.memory_space<hbm>> -> memref<8x128xi32, #tpu.memory_space<hbm>>
        %dma_wait3A_325 = arith.constant 0 : i32
        %dma_wait3A_326 = arith.constant 0 : i32
        %dma_wait3A_327 = tpu.memref_slice %arg2[%add3A, %add3A_320, %dma_wait3A_325, %dma_wait3A_326] : memref<32x20x8x128xi32, #tpu.memory_space<hbm>> -> memref<1x1x8x128xi32, #tpu.memory_space<hbm>>
        %dma_wait3A_328 = tpu.memref_squeeze %dma_wait3A_327 : memref<1x1x8x128xi32, #tpu.memory_space<hbm>> -> memref<8x128xi32, #tpu.memory_space<hbm>>
        tpu.wait_dma2 semaphore(%arg10 : memref<!tpu.dma_semaphore, #tpu.memory_space<semaphore_mem>>) src(%dma_wait3A_328 : memref<8x128xi32, #tpu.memory_space<hbm>>) dst(%arg5 : memref<8x128xi32, #tpu.memory_space<vmem>>)
        %dma_start3A_329 = arith.constant 0 : i32
        %dma_start3A_330 = arith.constant 0 : i32
        %dma_start3A_331 = tpu.memref_slice %arg5[%dma_start3A_329, %dma_start3A_330] : memref<8x128xi32, #tpu.memory_space<vmem>> -> memref<1x128xi32, #tpu.memory_space<vmem>>
        %dma_start3A_332 = tpu.memref_squeeze %dma_start3A_331 : memref<1x128xi32, #tpu.memory_space<vmem>> -> memref<128xi32, #tpu.memory_space<vmem>>
        %dma_start3A_333 = arith.constant 0 : i32
        %dma_start3A_334 = arith.constant 0 : i32
        %dma_start3A_335 = tpu.memref_slice %arg3[%dma_start3A_333, %dma_start3A_334] : memref<10000x128xf32, #tpu.memory_space<hbm>> -> memref<10000x128xf32, #tpu.memory_space<hbm>>
        tpu.enqueue_indirect_dma source(%dma_start3A_335 : memref<10000x128xf32, #tpu.memory_space<hbm>>) target(%arg7 : memref<128x128xf32, #tpu.memory_space<vmem>>) offsets(%dma_start3A_332 : memref<128xi32, #tpu.memory_space<vmem>>) semaphore(%arg12 : memref<!tpu.dma_semaphore, #tpu.memory_space<semaphore_mem>>)
      } else {
      }
      %dma_wait3A_305 = arith.constant 6 : i32
      %dma_wait3A_306 = arith.constant 0 : i32
      %dma_wait3A_307 = tpu.memref_slice %arg6[%dma_wait3A_305, %dma_wait3A_306] : memref<8x128xi32, #tpu.memory_space<vmem>> -> memref<1x128xi32, #tpu.memory_space<vmem>>
      %dma_wait3A_308 = tpu.memref_squeeze %dma_wait3A_307 : memref<1x128xi32, #tpu.memory_space<vmem>> -> memref<128xi32, #tpu.memory_space<vmem>>
      %dma_wait3A_309 = arith.constant 0 : i32
      %dma_wait3A_310 = arith.constant 0 : i32
      %dma_wait3A_311 = tpu.memref_slice %arg3[%dma_wait3A_309, %dma_wait3A_310] : memref<10000x128xf32, #tpu.memory_space<hbm>> -> memref<10000x128xf32, #tpu.memory_space<hbm>>
      tpu.wait_indirect_dma semaphore(%arg13 : memref<!tpu.dma_semaphore, #tpu.memory_space<semaphore_mem>>) src(%dma_wait3A_311 : memref<10000x128xf32, #tpu.memory_space<hbm>>) dst(%arg8 : memref<128x128xf32, #tpu.memory_space<vmem>>)
      %dma_start3A_312 = arith.constant 7 : i32
      %dma_start3A_313 = arith.constant 0 : i32
      %dma_start3A_314 = tpu.memref_slice %arg6[%dma_start3A_312, %dma_start3A_313] : memref<8x128xi32, #tpu.memory_space<vmem>> -> memref<1x128xi32, #tpu.memory_space<vmem>>
      %dma_start3A_315 = tpu.memref_squeeze %dma_start3A_314 : memref<1x128xi32, #tpu.memory_space<vmem>> -> memref<128xi32, #tpu.memory_space<vmem>>
      %dma_start3A_316 = arith.constant 0 : i32
      %dma_start3A_317 = arith.constant 0 : i32
      %dma_start3A_318 = tpu.memref_slice %arg17[%dma_start3A_316, %dma_start3A_317] : memref<10240x128xf32, #tpu.memory_space<vmem_shared>> -> memref<10240x128xf32, #tpu.memory_space<vmem_shared>>
      tpu.enqueue_indirect_dma source(%arg8 : memref<128x128xf32, #tpu.memory_space<vmem>>) target(%dma_start3A_318 : memref<10240x128xf32, #tpu.memory_space<vmem_shared>>) offsets(%dma_start3A_315 : memref<128xi32, #tpu.memory_space<vmem>>) semaphore(%arg15 : memref<!tpu.dma_semaphore, #tpu.memory_space<semaphore_mem>>) {add = true}
    }
    %scan3A_47 = arith.constant 10 : i32
    %dma_wait3A_48 = arith.constant 7 : i32
    %dma_wait3A_49 = arith.constant 0 : i32
    %dma_wait3A_50 = tpu.memref_slice %arg6[%dma_wait3A_48, %dma_wait3A_49] : memref<8x128xi32, #tpu.memory_space<vmem>> -> memref<1x128xi32, #tpu.memory_space<vmem>>
    %dma_wait3A_51 = tpu.memref_squeeze %dma_wait3A_50 : memref<1x128xi32, #tpu.memory_space<vmem>> -> memref<128xi32, #tpu.memory_space<vmem>>
    %dma_wait3A_52 = arith.constant 0 : i32
    %dma_wait3A_53 = arith.constant 0 : i32
    %dma_wait3A_54 = tpu.memref_slice %arg17[%dma_wait3A_52, %dma_wait3A_53] : memref<10240x128xf32, #tpu.memory_space<vmem_shared>> -> memref<10240x128xf32, #tpu.memory_space<vmem_shared>>
    tpu.wait_indirect_dma semaphore(%arg15 : memref<!tpu.dma_semaphore, #tpu.memory_space<semaphore_mem>>) src(%arg8 : memref<128x128xf32, #tpu.memory_space<vmem>>) dst(%dma_wait3A_54 : memref<10240x128xf32, #tpu.memory_space<vmem_shared>>)
    %barrier3A_55 = arith.constant 0 : index
    tpu.barrier barrier_id(%barrier3A_55)
    %mul3A_56 = arith.constant 640 : i32
    %mul3A_57 = arith.muli %arg1, %mul3A_56 : i32
    %mul3A_58 = arith.constant 640 : i32
    %mul3A_59 = arith.muli %arg1, %mul3A_58 : i32
    "tpu.region"() ({
      %run_scoped3A = tpu.sem_alloc : memref<!tpu.dma_semaphore, #tpu.memory_space<semaphore_mem>>
      %dma_start3A_60 = arith.constant 0 : i32
      %dma_start3A_61 = tpu.memref_slice %arg4[%arg0, %mul3A_59, %dma_start3A_60] : memref<2x10240x128xf32, #tpu.memory_space<hbm>> -> memref<1x640x128xf32, #tpu.memory_space<hbm>>
      %dma_start3A_62 = tpu.memref_squeeze %dma_start3A_61 : memref<1x640x128xf32, #tpu.memory_space<hbm>> -> memref<640x128xf32, #tpu.memory_space<hbm>>
      %dma_start3A_63 = arith.constant 0 : i32
      %dma_start3A_64 = tpu.memref_slice %arg17[%mul3A_57, %dma_start3A_63] : memref<10240x128xf32, #tpu.memory_space<vmem_shared>> -> memref<640x128xf32, #tpu.memory_space<vmem_shared>>
      tpu.enqueue_dma source(%dma_start3A_64 : memref<640x128xf32, #tpu.memory_space<vmem_shared>>) target(%dma_start3A_62 : memref<640x128xf32, #tpu.memory_space<hbm>>) target_semaphore(%run_scoped3A : memref<!tpu.dma_semaphore, #tpu.memory_space<semaphore_mem>>)
      %dma_wait3A_65 = arith.constant 0 : i32
      %dma_wait3A_66 = tpu.memref_slice %arg4[%arg0, %mul3A_59, %dma_wait3A_65] : memref<2x10240x128xf32, #tpu.memory_space<hbm>> -> memref<1x640x128xf32, #tpu.memory_space<hbm>>
      %dma_wait3A_67 = tpu.memref_squeeze %dma_wait3A_66 : memref<1x640x128xf32, #tpu.memory_space<hbm>> -> memref<640x128xf32, #tpu.memory_space<hbm>>
      %dma_wait3A_68 = arith.constant 0 : i32
      %dma_wait3A_69 = tpu.memref_slice %arg17[%mul3A_57, %dma_wait3A_68] : memref<10240x128xf32, #tpu.memory_space<vmem_shared>> -> memref<640x128xf32, #tpu.memory_space<vmem_shared>>
      tpu.wait_dma2 semaphore(%run_scoped3A : memref<!tpu.dma_semaphore, #tpu.memory_space<semaphore_mem>>) src(%dma_wait3A_69 : memref<640x128xf32, #tpu.memory_space<vmem_shared>>) dst(%dma_wait3A_67 : memref<640x128xf32, #tpu.memory_space<hbm>>)
      tpu.yield
    }) : () -> ()
    return
  }
}

module attributes {stable_mosaic.version = 14 : i64} {
  func.func @_self_body(%arg0: i32, %arg1: memref<2000x128xf32, #tpu.memory_space<vmem>>, %arg2: memref<128x128xf32, #tpu.memory_space<vmem>>, %arg3: memref<1x128xf32, #tpu.memory_space<vmem>>, %arg4: memref<2000x128xf32, #tpu.memory_space<vmem>>) attributes {dimension_semantics = [#tpu.dimension_semantics<arbitrary>], iteration_bounds = array<i64: 5>, scalar_prefetch = 0 : i64, scratch_operands = 0 : i64, tpu.core_type = #tpu.core_type<tc>, window_params = [{transform_indices = @transform_0, window_bounds = array<i64: 2000, 128>}, {pipeline_mode = #tpu.pipeline_mode<synchronous>, transform_indices = @transform_1, window_bounds = array<i64: 128, 128>}, {pipeline_mode = #tpu.pipeline_mode<synchronous>, transform_indices = @transform_2, window_bounds = array<i64: 1, 128>}, {transform_indices = @transform_3, window_bounds = array<i64: 2000, 128>}]} {
    %get3A = arith.constant 0 : index
    %get3A_0 = arith.constant 0 : index
    %get3A_1 = vector.load %arg1[%get3A, %get3A_0] : memref<2000x128xf32, #tpu.memory_space<vmem>>, vector<2000x128xf32>
    %get3A_2 = arith.constant 0 : index
    %get3A_3 = arith.constant 0 : index
    %get3A_4 = vector.load %arg2[%get3A_2, %get3A_3] : memref<128x128xf32, #tpu.memory_space<vmem>>, vector<128x128xf32>
    %dot_general3A = arith.constant dense<0.000000e+00> : vector<2000x128xf32>
    %dot_general3A_5 = tpu.matmul %get3A_1, %get3A_4, %dot_general3A {dimension_numbers = #tpu.dot_dimension_numbers<[1], [1], [0], [0], [0, 0, 1, 0], [], []>, transpose_lhs_hint = false} : vector<2000x128xf32>, vector<128x128xf32>, vector<2000x128xf32> -> vector<2000x128xf32>
    %get3A_6 = arith.constant 0 : index
    %get3A_7 = arith.constant 0 : index
    %get3A_8 = vector.load %arg3[%get3A_6, %get3A_7] : memref<1x128xf32, #tpu.memory_space<vmem>>, vector<1x128xf32>
    %add3A = vector.broadcast %get3A_8 : vector<1x128xf32> to vector<2000x128xf32>
    %add3A_9 = arith.addf %dot_general3A_5, %add3A : vector<2000x128xf32>
    %swap3A = arith.constant 0 : index
    %swap3A_10 = arith.constant 0 : index
    %swap3A_11 = vector.load %arg4[%swap3A, %swap3A_10] : memref<2000x128xf32, #tpu.memory_space<vmem>>, vector<2000x128xf32>
    tpu.vector_store %arg4[%swap3A, %swap3A_10], %add3A_9 {strides = array<i32>} : memref<2000x128xf32, #tpu.memory_space<vmem>>, vector<2000x128xf32>,
    return
  }
  func.func @transform_0(%arg0: i32) -> (i32, i32) {
    %c0_i32 = arith.constant 0 : i32
    %c0_i32_0 = arith.constant 0 : i32
    return %arg0, %c0_i32 : i32, i32
  }
  func.func @transform_1(%arg0: i32) -> (i32, i32) {
    %c0_i32 = arith.constant 0 : i32
    %c0_i32_0 = arith.constant 0 : i32
    %c0_i32_1 = arith.constant 0 : i32
    return %c0_i32, %c0_i32_0 : i32, i32
  }
  func.func @transform_2(%arg0: i32) -> (i32, i32) {
    %c0_i32 = arith.constant 0 : i32
    %c0_i32_0 = arith.constant 0 : i32
    %c0_i32_1 = arith.constant 0 : i32
    return %c0_i32, %c0_i32_0 : i32, i32
  }
  func.func @transform_3(%arg0: i32) -> (i32, i32) {
    %c0_i32 = arith.constant 0 : i32
    %c0_i32_0 = arith.constant 0 : i32
    return %arg0, %c0_i32 : i32, i32
  }
}

module attributes {stable_mosaic.version = 14 : i64} {
  func.func @_layer_body(%arg0: i32, %arg1: memref<2x2000x128xf32, #tpu.memory_space<vmem>>, %arg2: memref<2x2000x1xf32, #tpu.memory_space<vmem>>, %arg3: memref<2000x128xf32, #tpu.memory_space<vmem>>, %arg4: memref<128x128xf32, #tpu.memory_space<vmem>>, %arg5: memref<2000x128xf32, #tpu.memory_space<vmem>>) attributes {dimension_semantics = [#tpu.dimension_semantics<arbitrary>], iteration_bounds = array<i64: 5>, scalar_prefetch = 0 : i64, scratch_operands = 0 : i64, tpu.core_type = #tpu.core_type<tc>, window_params = [{transform_indices = @transform_0, window_bounds = array<i64: 2, 2000, 128>}, {transform_indices = @transform_1, window_bounds = array<i64: 2, 2000, 1>}, {transform_indices = @transform_2, window_bounds = array<i64: 2000, 128>}, {pipeline_mode = #tpu.pipeline_mode<synchronous>, transform_indices = @transform_3, window_bounds = array<i64: 128, 128>}, {transform_indices = @transform_4, window_bounds = array<i64: 2000, 128>}]} {
    %get3A = arith.constant 0 : index
    %get3A_0 = arith.constant 0 : index
    %get3A_1 = arith.constant 0 : index
    %get3A_2 = vector.load %arg2[%get3A, %get3A_0, %get3A_1] : memref<2x2000x1xf32, #tpu.memory_space<vmem>>, vector<1x2000x1xf32>
    %get3A_3 = vector.shape_cast %get3A_2 : vector<1x2000x1xf32> to vector<2000x1xf32>
    %get3A_4 = arith.constant 1 : index
    %get3A_5 = arith.constant 0 : index
    %get3A_6 = arith.constant 0 : index
    %get3A_7 = vector.load %arg2[%get3A_4, %get3A_5, %get3A_6] : memref<2x2000x1xf32, #tpu.memory_space<vmem>>, vector<1x2000x1xf32>
    %get3A_8 = vector.shape_cast %get3A_7 : vector<1x2000x1xf32> to vector<2000x1xf32>
    %add3A = arith.addf %get3A_3, %get3A_8 : vector<2000x1xf32>
    %max3A = arith.constant 1.000000e+00 : f32
    %max3A_9 = vector.broadcast %max3A : f32 to vector<2000x1xf32>
    %max3A_10 = arith.maximumf %add3A, %max3A_9 : vector<2000x1xf32>
    %div3A = arith.constant 1.000000e+00 : f32
    %div3A_11 = vector.broadcast %div3A : f32 to vector<2000x1xf32>
    %div3A_12 = arith.divf %div3A_11, %max3A_10 : vector<2000x1xf32>
    %get3A_13 = arith.constant 0 : index
    %get3A_14 = arith.constant 0 : index
    %get3A_15 = arith.constant 0 : index
    %get3A_16 = vector.load %arg1[%get3A_13, %get3A_14, %get3A_15] : memref<2x2000x128xf32, #tpu.memory_space<vmem>>, vector<1x2000x128xf32>
    %get3A_17 = vector.shape_cast %get3A_16 : vector<1x2000x128xf32> to vector<2000x128xf32>
    %get3A_18 = arith.constant 1 : index
    %get3A_19 = arith.constant 0 : index
    %get3A_20 = arith.constant 0 : index
    %get3A_21 = vector.load %arg1[%get3A_18, %get3A_19, %get3A_20] : memref<2x2000x128xf32, #tpu.memory_space<vmem>>, vector<1x2000x128xf32>
    %get3A_22 = vector.shape_cast %get3A_21 : vector<1x2000x128xf32> to vector<2000x128xf32>
    %add3A_23 = arith.addf %get3A_17, %get3A_22 : vector<2000x128xf32>
    %mul3A = vector.broadcast %div3A_12 : vector<2000x1xf32> to vector<2000x128xf32>
    %mul3A_24 = arith.mulf %add3A_23, %mul3A : vector<2000x128xf32>
    %get3A_25 = arith.constant 0 : index
    %get3A_26 = arith.constant 0 : index
    %get3A_27 = vector.load %arg4[%get3A_25, %get3A_26] : memref<128x128xf32, #tpu.memory_space<vmem>>, vector<128x128xf32>
    %dot_general3A = arith.constant dense<0.000000e+00> : vector<2000x128xf32>
    %dot_general3A_28 = tpu.matmul %mul3A_24, %get3A_27, %dot_general3A {dimension_numbers = #tpu.dot_dimension_numbers<[1], [1], [0], [0], [0, 0, 1, 0], [], []>, transpose_lhs_hint = false} : vector<2000x128xf32>, vector<128x128xf32>, vector<2000x128xf32> -> vector<2000x128xf32>
    %get3A_29 = arith.constant 0 : index
    %get3A_30 = arith.constant 0 : index
    %get3A_31 = vector.load %arg3[%get3A_29, %get3A_30] : memref<2000x128xf32, #tpu.memory_space<vmem>>, vector<2000x128xf32>
    %add3A_32 = arith.addf %dot_general3A_28, %get3A_31 : vector<2000x128xf32>
    %max3A_33 = arith.constant 0.000000e+00 : f32
    %max3A_34 = vector.broadcast %max3A_33 : f32 to vector<2000x128xf32>
    %max3A_35 = arith.maximumf %add3A_32, %max3A_34 : vector<2000x128xf32>
    %swap3A = arith.constant 0 : index
    %swap3A_36 = arith.constant 0 : index
    %swap3A_37 = vector.load %arg5[%swap3A, %swap3A_36] : memref<2000x128xf32, #tpu.memory_space<vmem>>, vector<2000x128xf32>
    tpu.vector_store %arg5[%swap3A, %swap3A_36], %max3A_35 {strides = array<i32>} : memref<2000x128xf32, #tpu.memory_space<vmem>>, vector<2000x128xf32>,
    return
  }
  func.func @transform_0(%arg0: i32) -> (i32, i32, i32) {
    %c0_i32 = arith.constant 0 : i32
    %c0_i32_0 = arith.constant 0 : i32
    %c0_i32_1 = arith.constant 0 : i32
    return %c0_i32, %arg0, %c0_i32_0 : i32, i32, i32
  }
  func.func @transform_1(%arg0: i32) -> (i32, i32, i32) {
    %c0_i32 = arith.constant 0 : i32
    %c0_i32_0 = arith.constant 0 : i32
    %c0_i32_1 = arith.constant 0 : i32
    return %c0_i32, %arg0, %c0_i32_0 : i32, i32, i32
  }
  func.func @transform_2(%arg0: i32) -> (i32, i32) {
    %c0_i32 = arith.constant 0 : i32
    %c0_i32_0 = arith.constant 0 : i32
    return %arg0, %c0_i32 : i32, i32
  }
  func.func @transform_3(%arg0: i32) -> (i32, i32) {
    %c0_i32 = arith.constant 0 : i32
    %c0_i32_0 = arith.constant 0 : i32
    %c0_i32_1 = arith.constant 0 : i32
    return %c0_i32, %c0_i32_0 : i32, i32
  }
  func.func @transform_4(%arg0: i32) -> (i32, i32) {
    %c0_i32 = arith.constant 0 : i32
    %c0_i32_0 = arith.constant 0 : i32
    return %arg0, %c0_i32 : i32, i32
  }
}

module attributes {stable_mosaic.version = 14 : i64} {
  func.func @_layer_body(%arg0: i32, %arg1: memref<2x2000x128xf32, #tpu.memory_space<vmem>>, %arg2: memref<2x2000x1xf32, #tpu.memory_space<vmem>>, %arg3: memref<2000x128xf32, #tpu.memory_space<vmem>>, %arg4: memref<128x128xf32, #tpu.memory_space<vmem>>, %arg5: memref<2000x128xf32, #tpu.memory_space<vmem>>) attributes {dimension_semantics = [#tpu.dimension_semantics<arbitrary>], iteration_bounds = array<i64: 5>, scalar_prefetch = 0 : i64, scratch_operands = 0 : i64, tpu.core_type = #tpu.core_type<tc>, window_params = [{transform_indices = @transform_0, window_bounds = array<i64: 2, 2000, 128>}, {transform_indices = @transform_1, window_bounds = array<i64: 2, 2000, 1>}, {transform_indices = @transform_2, window_bounds = array<i64: 2000, 128>}, {pipeline_mode = #tpu.pipeline_mode<synchronous>, transform_indices = @transform_3, window_bounds = array<i64: 128, 128>}, {transform_indices = @transform_4, window_bounds = array<i64: 2000, 128>}]} {
    %get3A = arith.constant 0 : index
    %get3A_0 = arith.constant 0 : index
    %get3A_1 = arith.constant 0 : index
    %get3A_2 = vector.load %arg2[%get3A, %get3A_0, %get3A_1] : memref<2x2000x1xf32, #tpu.memory_space<vmem>>, vector<1x2000x1xf32>
    %get3A_3 = vector.shape_cast %get3A_2 : vector<1x2000x1xf32> to vector<2000x1xf32>
    %get3A_4 = arith.constant 1 : index
    %get3A_5 = arith.constant 0 : index
    %get3A_6 = arith.constant 0 : index
    %get3A_7 = vector.load %arg2[%get3A_4, %get3A_5, %get3A_6] : memref<2x2000x1xf32, #tpu.memory_space<vmem>>, vector<1x2000x1xf32>
    %get3A_8 = vector.shape_cast %get3A_7 : vector<1x2000x1xf32> to vector<2000x1xf32>
    %add3A = arith.addf %get3A_3, %get3A_8 : vector<2000x1xf32>
    %max3A = arith.constant 1.000000e+00 : f32
    %max3A_9 = vector.broadcast %max3A : f32 to vector<2000x1xf32>
    %max3A_10 = arith.maximumf %add3A, %max3A_9 : vector<2000x1xf32>
    %div3A = arith.constant 1.000000e+00 : f32
    %div3A_11 = vector.broadcast %div3A : f32 to vector<2000x1xf32>
    %div3A_12 = arith.divf %div3A_11, %max3A_10 : vector<2000x1xf32>
    %get3A_13 = arith.constant 0 : index
    %get3A_14 = arith.constant 0 : index
    %get3A_15 = arith.constant 0 : index
    %get3A_16 = vector.load %arg1[%get3A_13, %get3A_14, %get3A_15] : memref<2x2000x128xf32, #tpu.memory_space<vmem>>, vector<1x2000x128xf32>
    %get3A_17 = vector.shape_cast %get3A_16 : vector<1x2000x128xf32> to vector<2000x128xf32>
    %get3A_18 = arith.constant 1 : index
    %get3A_19 = arith.constant 0 : index
    %get3A_20 = arith.constant 0 : index
    %get3A_21 = vector.load %arg1[%get3A_18, %get3A_19, %get3A_20] : memref<2x2000x128xf32, #tpu.memory_space<vmem>>, vector<1x2000x128xf32>
    %get3A_22 = vector.shape_cast %get3A_21 : vector<1x2000x128xf32> to vector<2000x128xf32>
    %add3A_23 = arith.addf %get3A_17, %get3A_22 : vector<2000x128xf32>
    %mul3A = vector.broadcast %div3A_12 : vector<2000x1xf32> to vector<2000x128xf32>
    %mul3A_24 = arith.mulf %add3A_23, %mul3A : vector<2000x128xf32>
    %get3A_25 = arith.constant 0 : index
    %get3A_26 = arith.constant 0 : index
    %get3A_27 = vector.load %arg4[%get3A_25, %get3A_26] : memref<128x128xf32, #tpu.memory_space<vmem>>, vector<128x128xf32>
    %dot_general3A = arith.constant dense<0.000000e+00> : vector<2000x128xf32>
    %dot_general3A_28 = tpu.matmul %mul3A_24, %get3A_27, %dot_general3A {dimension_numbers = #tpu.dot_dimension_numbers<[1], [1], [0], [0], [0, 0, 1, 0], [], []>, transpose_lhs_hint = false} : vector<2000x128xf32>, vector<128x128xf32>, vector<2000x128xf32> -> vector<2000x128xf32>
    %get3A_29 = arith.constant 0 : index
    %get3A_30 = arith.constant 0 : index
    %get3A_31 = vector.load %arg3[%get3A_29, %get3A_30] : memref<2000x128xf32, #tpu.memory_space<vmem>>, vector<2000x128xf32>
    %add3A_32 = arith.addf %dot_general3A_28, %get3A_31 : vector<2000x128xf32>
    %swap3A = arith.constant 0 : index
    %swap3A_33 = arith.constant 0 : index
    %swap3A_34 = vector.load %arg5[%swap3A, %swap3A_33] : memref<2000x128xf32, #tpu.memory_space<vmem>>, vector<2000x128xf32>
    tpu.vector_store %arg5[%swap3A, %swap3A_33], %add3A_32 {strides = array<i32>} : memref<2000x128xf32, #tpu.memory_space<vmem>>, vector<2000x128xf32>,
    return
  }
  func.func @transform_0(%arg0: i32) -> (i32, i32, i32) {
    %c0_i32 = arith.constant 0 : i32
    %c0_i32_0 = arith.constant 0 : i32
    %c0_i32_1 = arith.constant 0 : i32
    return %c0_i32, %arg0, %c0_i32_0 : i32, i32, i32
  }
  func.func @transform_1(%arg0: i32) -> (i32, i32, i32) {
    %c0_i32 = arith.constant 0 : i32
    %c0_i32_0 = arith.constant 0 : i32
    %c0_i32_1 = arith.constant 0 : i32
    return %c0_i32, %arg0, %c0_i32_0 : i32, i32, i32
  }
  func.func @transform_2(%arg0: i32) -> (i32, i32) {
    %c0_i32 = arith.constant 0 : i32
    %c0_i32_0 = arith.constant 0 : i32
    return %arg0, %c0_i32 : i32, i32
  }
  func.func @transform_3(%arg0: i32) -> (i32, i32) {
    %c0_i32 = arith.constant 0 : i32
    %c0_i32_0 = arith.constant 0 : i32
    %c0_i32_1 = arith.constant 0 : i32
    return %c0_i32, %c0_i32_0 : i32, i32
  }
  func.func @transform_4(%arg0: i32) -> (i32, i32) {
    %c0_i32 = arith.constant 0 : i32
    %c0_i32_0 = arith.constant 0 : i32
    return %arg0, %c0_i32 : i32, i32
  }
}

</mosaic_0001>

<sc_bundles>
// kernel: kernel.11.cloned.1.call-start
scs
__scs_entry_jumppad:
0x0: {  	(pc) =	sbr.rel $0x88, $3  }
0x1: {  	(tag) =	ssettag $0x0;
	lr =	simm.s32 $0x1  }
0x2: {  	[smem:$0x3F99] =	sst lr;
	_ =	strace $0xD0000000  }
0x3: {  	_ = 	snop  }
0x4: {  	_ = 	snop  }
0x5: {  	_ = 	snop  }
0x6: {  	_ = 	snop  }
0x7: {  	_ = 	snop  }
__scs_overlays_trampoline_lowered:
0x8: {  	[smem:$0x3FA8] =	sst s0  }
0x9: {  	[smem:$0x3FA9] =	sst s1  }
0xa: {  	[smem:$0x3FAA] =	sst s2  }
0xb: {  	[smem:$0x3FAB] =	sst s3  }
0xc: {  	[smem:$0x3FAC] =	sst s4  }
0xd: {  	[smem:$0x3FAD] =	sst s5  }
0xe: {  	[smem:$0x3FAE] =	sst s6  }
0xf: {  	[smem:$0x3FAF] =	sst s7  }
0x10: {  	[smem:$0x3FB0] =	sst s8  }
0x11: {  	[smem:$0x3FB1] =	sst s9;
	s0 =	simm.s32 @!p0 $0x0  }
0x12: {  	s1 =	sld [smem:$0x3F97];
	s0 =	simm.s32 @p0 $0x1  }
0x13: {  	[smem:$0x3FB2] =	sst s0;
	s0 =	simm.s32 @!p1 $0x0  }
0x14: {  	s2 =	sld [smem:$0x3F96];
	s0 =	simm.s32 @p1 $0x1  }
0x15: {  	[smem:$0x3FB3] =	sst s0;
	s0 =	simm.s32 @!p2 $0x0  }
0x16: {  	s3 =	sld [smem:$0x3FDB];
	s0 =	simm.s32 @p2 $0x1  }
0x17: {  	s4 =	simm.s32 $0x1BF5;
	[smem:$0x3FB5] =	sst s0  }
0x18: {  	s0 =	sld [smem:$0x3F98];
	_ =	swait.ge [sflag:s4], $0x0  }
0x19: {  	s7 =	sld [smem:$0x3F99]  }
0x1a: {  	s8 =	sadd.s32 $0xFFFFE003, lr  }
0x1b: {  	s9 =	sadd.s32 $0xFFFFFEF7, lr;
	s5 =	simm.s32 $0xFFFFFFFF;
	p2 =	slt.u32 s8, $0xFFFFF086  }
0x1c: {  	p1 =	slt.u32 s9, $0xF7A;
	s5 =	simm.s32 @!p2 $0x0  }
0x1d: {  	s5 =	simm.s32 @p1 $0x1;
	p0 =	seq.s32 s7, s2  }
0x1e: {  	s7 =	smul.u32 @!p0 $0xF7A, s2;
	p2 =	seq.s32 @!p0 s5, $0x0  }
0x1f: {  	s9 =	smul.u32 $0xF7A, s1;
	s8 =	simm.s32 @!p0 $0x1BF5;
	p2 =	por !p2, p0  }
0x20: {  	[sflag:s8] =	ssyncset.s32 @!p0 $0xFFFFF086;
	s6 =	sadd.s32 @!p0 s3, s7;
	s7 =	simm.s32 @!p0 $0x108  }
0x21: {  	s3 =	sadd.s32 s3, s9;
	s6 =	sadd.s32 @!p0 $0x88, s6;
	s7 =	simm.s32 @p2 $0x1082  }
0x22: {  	[simem:s7], [sflag:s8] =	dma.local @!p0 [hbm:s6], $0xF7A  }
0x23: {  	s9 =	sor.u32 $0xD0000000, s2;
	s6 =	simm.s32 $0x108;
	_ =	swait.ge @!p0 [sflag:s8], $0x0  }
0x24: {  	s3 =	sadd.s32 $0x88, s3;
	s6 =	simm.s32 @!p1 $0x1082;
	[sflag:s4] =	ssyncset.s32 $0xFFFFF086  }
0x25: {  	[simem:s6], [sflag:s4] =	dma.local [hbm:s3], $0xF7A  }
0x26: {  	[smem:$0x3F99] =	sst s1;
	(tag) =	ssettag s2;
	_ =	strace s9  }
0x27: {  	s1 =	sld [smem:$0x3FA9]  }
0x28: {  	s2 =	sld [smem:$0x3FAA]  }
0x29: {  	s4 =	sld [smem:$0x3FAC]  }
0x2a: {  	p0 =	seq.s32 s5, $0x0;
	s5 =	sld [smem:$0x3FAD]  }
0x2b: {  	s6 =	sld [smem:$0x3FAE]  }
0x2c: {  	s7 =	sld [smem:$0x3FAF]  }
0x2d: {  	s3 =	simm.s32 $0x108;
	s8 =	sld [smem:$0x3FB0]  }
0x2e: {  	s3 =	simm.s32 @!p0 $0x1082;
	s9 =	sld [smem:$0x3FB1]  }
0x2f: {  	lr =	sadd.s32 s0, s3;
	s0 =	sld [smem:$0x3FA8]  }
0x30: {  	s3 =	sld [smem:$0x3FAB]  }
0x31: {  	[smem:$0x3FB4] =	sst s10  }
0x32: {  	s10 =	sld [smem:$0x3FB2];
	_ =	sdelay $0x3  }
0x33: {  	p0 =	seq.s32 s10, $0x1;
	s10 =	sld [smem:$0x3FB4];
	_ =	sdelay $0x3  }
0x34: {  	[smem:$0x3FB4] =	sst s10  }
0x35: {  	s10 =	sld [smem:$0x3FB3];
	_ =	sdelay $0x3  }
0x36: {  	p1 =	seq.s32 s10, $0x1;
	s10 =	sld [smem:$0x3FB4];
	_ =	sdelay $0x3  }
0x37: {  	[smem:$0x3FB4] =	sst s10  }
0x38: {  	s10 =	sld [smem:$0x3FB5]  }
0x39: {  	_ = 	snop;
	(pc) =	sbr.ind lr, $3  }
0x3a: {  	_ = 	snop  }
0x3b: {  	_ = 	snop  }
0x3c: {  	p2 =	seq.s32 s10, $0x1;
	s10 =	sld [smem:$0x3FB4]  }
0x3d: {  	_ =	shalt  }
0x3e: {  	_ =	shalt  }
0x3f: {  	_ =	shalt  }
0x40: {  	_ =	shalt  }
0x41: {  	_ =	shalt  }
0x42: {  	_ =	shalt  }
0x43: {  	_ =	shalt  }
0x44: {  	_ =	shalt  }
0x45: {  	_ =	shalt  }
0x46: {  	_ =	shalt  }
0x47: {  	_ =	shalt  }
0x48: {  	_ =	shalt  }
0x49: {  	_ =	shalt  }
0x4a: {  	_ =	shalt  }
0x4b: {  	_ =	shalt  }
0x4c: {  	_ =	shalt  }
0x4d: {  	_ =	shalt  }
0x4e: {  	_ =	shalt  }
0x4f: {  	_ =	shalt  }
0x50: {  	_ =	shalt  }
0x51: {  	_ =	shalt  }
0x52: {  	_ =	shalt  }
0x53: {  	_ =	shalt  }
0x54: {  	_ =	shalt  }
0x55: {  	_ =	shalt  }
0x56: {  	_ =	shalt  }
0x57: {  	_ =	shalt  }
0x58: {  	_ =	shalt  }
0x59: {  	_ =	shalt  }
0x5a: {  	_ =	shalt  }
0x5b: {  	_ =	shalt  }
0x5c: {  	_ =	shalt  }
0x5d: {  	_ =	shalt  }
0x5e: {  	_ =	shalt  }
0x5f: {  	_ =	shalt  }
0x60: {  	_ =	shalt  }
0x61: {  	_ =	shalt  }
0x62: {  	_ =	shalt  }
0x63: {  	_ =	shalt  }
0x64: {  	_ =	shalt  }
0x65: {  	_ =	shalt  }
0x66: {  	_ =	shalt  }
0x67: {  	_ =	shalt  }
0x68: {  	_ =	shalt  }
0x69: {  	_ =	shalt  }
0x6a: {  	_ =	shalt  }
0x6b: {  	_ =	shalt  }
0x6c: {  	_ =	shalt  }
0x6d: {  	_ =	shalt  }
0x6e: {  	_ =	shalt  }
0x6f: {  	_ =	shalt  }
0x70: {  	_ =	shalt  }
0x71: {  	_ =	shalt  }
0x72: {  	_ =	shalt  }
0x73: {  	_ =	shalt  }
0x74: {  	_ =	shalt  }
0x75: {  	_ =	shalt  }
0x76: {  	_ =	shalt  }
0x77: {  	_ =	shalt  }
0x78: {  	_ =	shalt  }
0x79: {  	_ =	shalt  }
0x7a: {  	_ =	shalt  }
0x7b: {  	_ =	shalt  }
0x7c: {  	_ =	shalt  }
0x7d: {  	_ =	shalt  }
0x7e: {  	_ =	shalt  }
0x7f: {  	_ =	shalt  }
0x80: {  	_ =	shalt  }
0x81: {  	_ =	shalt  }
0x82: {  	_ =	shalt  }
0x83: {  	_ =	shalt  }
0x84: {  	_ =	shalt  }
0x85: {  	_ =	shalt  }
0x86: {  	_ =	shalt  }
0x87: {  	_ =	shalt  }
.Lfunc_end0:
.L_simem_size_0:
called_computation.1_lowered:
.L_overlay_start_0:
0x88: {  	s2 =	sld [smem:$0x3FD9]  }
0x89: {  	s3 =	sld [smem:$0x3FFE];
	_ =	sdelay $0x1  }
0x8a: {  	s1 =	srdreg.scid  }
0x8b: {  	s0 =	sand.u32 $0x1, s1  }
0x8c: {  	s17 =	sshll.u32 s0, $0xA;
	s2 =	sadd.s32 s3, s2  }
0x8d: {  	s2 =	sadd.s32 s2, s17  }
0x8e: {  	[smem:$0x3FC0] =	sst s2  }
0x8f: {  	_ = 	snop  }
0x90: {  	s2 =	sld [smem:$0x3FD0];
	(tm) =	ssettm $0x1  }
0x91: {  	s18 =	sld [smem:$0x3FFB];
	_ =	sdelay $0x3  }
0x92: {  	_ =	strace s18  }
0x93: {  	s3 =	sld [smem:$0x3FFC];
	_ =	sdelay $0x3  }
0x94: {  	_ =	strace s3  }
0x95: {  	s3 =	sld [smem:$0x3FFD];
	_ =	sdelay $0x3  }
0x96: {  	_ =	strace s3  }
0x97: {  	_ =	strace $0x8FFFFFFF  }
0x98: {  	s19 =	sld [smem:$0x3FDB];
	_ =	sdelay $0x1  }
0x99: {  	s4 =	simm.s32 $_scs_section_size  }
0x9a: {  	s5 =	simm.s32 $_size__tile_overlayer_lowered;
	s6 =	simm.s32 $_tile_overlayer_lowered  }
0x9b: {  	s22 =	simm.s32 $0x1BFF;
	s21 =	sshll.u32 s6, $0x1;
	s3 =	sadd.s32 s4, s19  }
0x9c: {  	s7 =	simm.s32 $0x0;
	s20 =	sshll.u32 s5, $0x1;
	s5 =	sadd.s32 s21, s3  }
0x9d: {  	[timem:s7], [sflag:s22] =	dma.local [hbm:s5], s20  }
0x9e: {  	_ =	swait.ge [sflag:s22], s20  }
0x9f: {  	s4 =	ssub.s32 $0x0, s20;
	[sflag:s22] =	ssyncset.done $0x0  }
0xa0: {  	[sflag:s22] =	ssyncadd.s32 s4;
	_ =	sdelay $0x1  }
0xa1: {  	s23 =	simm.s32 $0x1B8B  }
0xa2: {  	_ =	swait.ge [sflag:s23], $0x1  }
0xa3: {  	[sflag:s23] =	ssyncset.done $0x0  }
0xa4: {  	s25 =	simm.s32 $0x1B8E;
	s24 =	sld [smem:$0x3FFE];
	[sflag:s23] =	ssyncadd.s32 $0xFFFFFFFF  }
0xa5: {  	s26 =	simm.s32 $execute0_lowered;
	[smem:$0x3FD2] =	sst s25  }
0xa6: {  	s5 =	sshll.u32 s26, $0x1;
	_ =	strace $0x80000049;
	[dreg:$0x1] =	wrdreg $0xFFFFFFFF  }
0xa7: {  	s28 =	simm.s32 $_size_execute0_lowered;
	s3 =	sadd.s32 s3, s5;
	[dreg:$0x0] =	wrdreg $0x0  }
0xa8: {  	s5 =	sshll.u32 s28, $0x1;
	[dreg:$0x2] =	wrdreg s3  }
0xa9: {  	[dreg:$0x3] =	wrdreg s5  }
0xaa: {  	[dreg:$0x4] =	wrdreg $0xC0  }
0xab: {  	_ =	task [dreg:s7], $0x5FFFF  }
0xac: {  	[dreg:$0x1] =	wrdreg $0xFFFFFFFF  }
0xad: {  	[dreg:$0x0] =	wrdreg $0x60  }
0xae: {  	[dreg:$0x2] =	wrdreg s24  }
0xaf: {  	[dreg:$0x3] =	wrdreg s2  }
0xb0: {  	[dreg:$0x4] =	wrdreg $0x90000  }
0xb1: {  	[dreg:$0x5] =	wrdreg $0x9  }
0xb2: {  	_ =	task.clear_ibuf [dreg:s7], $0x6FFFF;
	_ =	strace $0x90000049  }
0xb3: {  	s29 =	simm.s32 $0x9;
	_ =	strace $0x8000004B  }
0xb4: {  	_ =	swait.ge [sflag:s29], $0x1  }
0xb5: {  	[sflag:s29] =	ssyncadd.s32 $0xFFFFFFFF  }
0xb6: {  	_ =	strace $0x9000004B  }
0xb7: {  	_ =	sfence  }
0xb8: {  	s30 =	sld [smem:$0x0];
	_ =	sdelay $0x2  }
0xb9: {  	s31 =	sshll.u32 s1, $0xD;
	s1 =	sshrl.u32 s1, $0x2  }
0xba: {  	s3 =	sand.u32 $0x4000, s31;
	s1 =	sadd.s32 s1, s30  }
0xbb: {  	s0 =	sor.u32 s3, s0;
	s1 =	sshll.u32 s1, $0x11  }
0xbc: {  	s0 =	sor.u32 s1, s0  }
0xbd: {  	s0 =	sadd.s32 $0x8F2B, s0  }
0xbe: {  	[sflag:s0] =	ssyncadd.remote.s32 $0x1  }
0xbf: {  	_ =	sfence.sel $0xFFFF  }
0xc0: {  	[dreg:$0x0] =	wrdreg $0xFFFFFFFF;
	(pc) =	sbr.abs _section_cstart, $3  }
0xc1: {  	[dreg:$0x1] =	wrdreg $0xFFFFFFFF  }
0xc2: {  	_ =	task.clear_ibuf [dreg:s7], $0x2FFFF;
	_ =	strace $0x9FFFFFFF  }
0xc3: {  	(tm) =	ssettm $0x7FFFFFFF  }
tec
execute0_lowered:
.L_overlay_start_1:
0x0: {  	(tag) =	ssettag $0x1  }
0x1: {  	s0 =	rddreg [dreg:$0x0]  }
0x2: {  	s1 =	rddreg [dreg:$0x1]  }
0x3: {  	s2 =	rddreg [dreg:$0x2]  }
0x4: {  	s3 =	srdreg.scid;
	s11 =	stileid.u32  }
0x5: {  	s4 =	simm.s32 $0x0;
	s15 =	simm.s32 $0x100;
	s6 =	smul.u32 $0x14000, s11  }
0x6: {  	s3 =	sand.u32 $0x1, s3;
	[smem:$0x7FF] =	sst s4;
	s10 =	smul.u32 $0x50000, s11  }
0x7: {  	s7 =	sshll.u32 s11, $0x1;
	s8 =	sadd.s32 $0x2200, s0;
	s5 =	smul.u32 $0x140000, s3  }
0x8: {  	_ =	strace $0x8000004A;
	s7 =	sor.u32 s3, s7;
	s17 =	ssub.s32 $0x2, s3  }
0x9: {  	[dreg:$0x6] =	wrdreg s15;
	s7 =	smul.u32 $0x5000, s7;
	s9 =	sshrl.u32 s17, $0x1  }
0xa: {  	s20 =	sshrl.u32 s10, $0x2;
	s18 =	ssub.s32 s17, s9;
	s17 =	simm.s32 $0x200  }
0xb: {  	s19 =	sshrl.u32 s7, $0x3;
	s23 =	smax.u32 s18, $0x1;
	[dreg:$0x7] =	wrdreg s17  }
0xc: {  	s5 =	sadd.s32 s6, s5;
	s6 =	sadd.s32 s8, s19;
	[dreg:$0xd] =	wrdreg s23  }
0xd: {  	s5 =	sshrl.u32 s5, $0x3;
	s19 =	simm.s32 $0x180;
	[dreg:$0xb] =	wrdreg s6  }
0xe: {  	s0 =	sadd.s32 s5, s0;
	s23 =	simm.s32 $0x280;
	[dreg:$0x8] =	wrdreg s19  }
0xf: {  	s6 =	sadd.s32 s20, s2;
	s0 =	sadd.s32 $0x16200, s0;
	[dreg:$0xa] =	wrdreg s23  }
0x10: {  	[dreg:$0xc] =	wrdreg s0;
	s24 =	sadd.s32 $0x800, s6  }
0x11: {  	s25 =	sadd.s32 $0x1000, s6;
	[dreg:$0xe] =	wrdreg s24  }
0x12: {  	s26 =	sadd.s32 $0x1800, s6;
	[dreg:$0xf] =	wrdreg s25  }
0x13: {  	s5 =	sadd.s32 $0x2000, s6;
	[dreg:$0x10] =	wrdreg s26  }
0x14: {  	s7 =	sadd.s32 $0x2800, s6;
	[dreg:$0x11] =	wrdreg s5  }
0x15: {  	s9 =	sadd.s32 $0x3000, s6;
	[dreg:$0x12] =	wrdreg s7  }
0x16: {  	s21 =	smul.u32 $0xA000, s11;
	s11 =	sadd.s32 $0x3800, s6;
	[dreg:$0x13] =	wrdreg s9  }
0x17: {  	s12 =	sadd.s32 $0x4000, s6;
	[dreg:$0x14] =	wrdreg s11  }
0x18: {  	s13 =	sadd.s32 $0x4800, s6;
	[dreg:$0x15] =	wrdreg s12  }
0x19: {  	s14 =	sadd.s32 $0x5000, s6;
	[dreg:$0x16] =	wrdreg s13  }
0x1a: {  	s16 =	sadd.s32 $0x5800, s6;
	[dreg:$0x17] =	wrdreg s14  }
0x1b: {  	s22 =	smul.u32 $0x5000, s3;
	s18 =	sadd.s32 $0x6000, s6;
	[dreg:$0x18] =	wrdreg s16  }
0x1c: {  	s20 =	sadd.s32 $0x6800, s6;
	[dreg:$0x19] =	wrdreg s18  }
0x1d: {  	s0 =	sadd.s32 s22, s21;
	s22 =	sadd.s32 $0x7000, s6;
	[dreg:$0x1a] =	wrdreg s20  }
0x1e: {  	s21 =	simm.s32 $0x300;
	[dreg:$0x1b] =	wrdreg s22  }
0x1f: {  	s15 =	sadd.s32 $0xE000, s6;
	[dreg:$0x9] =	wrdreg s21  }
0x20: {  	s17 =	sadd.s32 $0xF000, s6;
	[smem:$0x7F2] =	sst s15  }
0x21: {  	s19 =	sadd.s32 $0x10000, s6;
	[smem:$0x7F4] =	sst s17  }
0x22: {  	s23 =	sadd.s32 $0x12000, s6;
	[smem:$0x7F6] =	sst s19  }
0x23: {  	s24 =	sadd.s32 $0x7800, s6;
	[smem:$0x7FA] =	sst s23  }
0x24: {  	s25 =	sadd.s32 $0x8000, s6;
	[dreg:$0x1c] =	wrdreg s24  }
0x25: {  	s26 =	sadd.s32 $0x8800, s6;
	[dreg:$0x1d] =	wrdreg s25  }
0x26: {  	s5 =	sadd.s32 $0x9800, s6;
	[dreg:$0x1e] =	wrdreg s26  }
0x27: {  	s7 =	sadd.s32 $0xA000, s6;
	[smem:$0x7E9] =	sst s5  }
0x28: {  	s9 =	sadd.s32 $0xB000, s6;
	[smem:$0x7EA] =	sst s7  }
0x29: {  	s28 =	simm.s32 $0x4800;
	s11 =	sadd.s32 $0xC000, s6;
	[smem:$0x7EC] =	sst s9  }
0x2a: {  	s29 =	simm.s32 $0x3;
	s12 =	sadd.s32 $0xC800, s6;
	[smem:$0x7EE] =	sst s11  }
0x2b: {  	s30 =	simm.s32 $0x5;
	s13 =	sadd.s32 $0xD000, s6;
	[smem:$0x7EF] =	sst s12  }
0x2c: {  	s31 =	simm.s32 $0x4;
	s14 =	sadd.s32 $0xD800, s6;
	[smem:$0x7F0] =	sst s13  }
0x2d: {  	s10 =	sor.u32 $0x800, s0;
	s16 =	sadd.s32 $0xE800, s6;
	[smem:$0x7F1] =	sst s14  }
0x2e: {  	s0 =	sor.u32 $0x400, s0;
	s18 =	sadd.s32 $0xF800, s6;
	[smem:$0x7F3] =	sst s16  }
0x2f: {  	s20 =	sadd.s32 $0x10800, s6;
	s21 =	sadd.s32 $0x11000, s6;
	[smem:$0x7F5] =	sst s18  }
0x30: {  	s22 =	sadd.s32 $0x11800, s6;
	s23 =	simm.s32 $0x800;
	[smem:$0x7F7] =	sst s20  }
0x31: {  	s15 =	simm.s32 $0x0;
	s3 =	sshrl.u32 s10, $0x3;
	[smem:$0x7F8] =	sst s21  }
0x32: {  	s0 =	sshrl.u32 s0, $0x3;
	s10 =	sadd.s32 $0xB800, s6;
	[smem:$0x7F9] =	sst s22  }
0x33: {  	s24 =	sadd.s32 $0x12800, s6;
	s25 =	sadd.s32 $0x13000, s6;
	s26 =	sadd.s32 $0x13800, s6  }
0x34: {  	s22 =	simm.s32 $0x80;
	s5 =	simm.s32 $0x380;
	s7 =	simm.s32 $0x500  }
0x35: {  	s9 =	simm.s32 $0x600;
	s11 =	simm.s32 $0x700;
	[smem:$0x7ED] =	sst s10  }
0x36: {  	s12 =	simm.s32 $0x680;
	s13 =	simm.s32 $0x780;
	[smem:$0x7FB] =	sst s24  }
0x37: {  	s14 =	simm.s32 $0x8;
	s3 =	sadd.s32 s3, s8;
	[smem:$0x7FC] =	sst s25  }
0x38: {  	s0 =	sadd.s32 s0, s8;
	s8 =	sadd.s32 $0xA800, s6;
	[smem:$0x7FD] =	sst s26  }
0x39: {  	s24 =	simm.s32 $0x8800;
	s25 =	simm.s32 $0x7;
	[dreg:$0x4] =	wrdreg s3  }
0x3a: {  	s26 =	simm.s32 $0x400;
	s10 =	simm.s32 $0x580;
	[dreg:$0x5] =	wrdreg s0  }
0x3b: {  	s3 =	sadd.s32 $0x9000, s6;
	[smem:$0x7EB] =	sst s8;
	s0 =	simm.s32 $0x6  }
0x3c: {  	v0 =	vimm.f32 $0.0e+00;
	s8 =	simm.s32 $0x480;
	[dreg:$0x1f] =	wrdreg s3;
	s3 =	simm.s32 $0x2  }
.LBB2_1:
0x3d: {  	s16 =	rddreg [dreg:$0xb];
	s21 =	simm.s32 $0x1  }
0x3e: {  	[tilespmem:s4], [sflag:$0x1] =	stream.linear.gather [hbm4b:s16+s4], $0x400, $0x38;
	[tilespmem:$0x1D000] =	vst v63  }
0x3f: {  	_ =	swait.ge [sflag:s21], $0x400  }
0x40: {  	[sflag:s21] =	ssyncset.done $0x0  }
0x41: {  	s17 =	simm.s32 $0x200;
	s16 =	simm.s32 $0x0;
	[sflag:s21] =	ssyncadd.s32 $0xFFFFFC00  }
0x42: {  	[tilespmem:s23], [sflag:$0x3] =	stream.indirect.gather [hbm4b:s1+s22], $0x80, s4, s22, $0xb8;
	[tilespmem:$0x1D000] =	vst v63  }
.LBB2_2:
0x43: {  	p0 =	sne.s32 s17, $0x1E00;
	[tilespmem:s16+$0x8870] =	vst v0  }
0x44: {  	[tilespmem:s16+$0x8800] =	vst v0  }
0x45: {  	[tilespmem:s16+$0x8810] =	vst v0  }
.Ltmp0:
0x46: {  	[tilespmem:s16+$0x8820] =	vst v0;
	(pc) =	sbr.rel @p0 .LBB2_2-.Ltmp0, $4  }
0x47: {  	[tilespmem:s16+$0x8830] =	vst v0  }
0x48: {  	[tilespmem:s16+$0x8840] =	vst v0  }
0x49: {  	[tilespmem:s16+$0x8850] =	vst v0  }
0x4a: {  	[tilespmem:s16+$0x8860] =	vst v0;
	s16 =	sshra.s32 s17, $0x2;
	s17 =	sadd.s32 $0x200, s17  }
0x4b: {  	[tilespmem:s16+$0x8870] =	vst v0  }
0x4c: {  	[tilespmem:s16+$0x8800] =	vst v0  }
0x4d: {  	[tilespmem:s16+$0x8810] =	vst v0  }
0x4e: {  	[tilespmem:s16+$0x8820] =	vst v0  }
0x4f: {  	[tilespmem:s16+$0x8830] =	vst v0  }
0x50: {  	[tilespmem:s16+$0x8840] =	vst v0  }
0x51: {  	[tilespmem:s16+$0x8850] =	vst v0  }
0x52: {  	[tilespmem:s16+$0x8860] =	vst v0;
	s18 =	rddreg [dreg:$0xe]  }
0x53: {  	[spmem:s6] =	stream.linear.scatter [tilespmem:s24], [sflag:$0x7], $0x800, $0x38;
	[tilespmem:$0x1D000] =	vst v63  }
0x54: {  	s19 =	rddreg [dreg:$0xf]  }
0x55: {  	[spmem:s18] =	stream.linear.scatter [tilespmem:s24], [sflag:$0x7], $0x800, $0x38;
	[tilespmem:$0x1D000] =	vst v63  }
0x56: {  	s20 =	rddreg [dreg:$0x10]  }
0x57: {  	[spmem:s19] =	stream.linear.scatter [tilespmem:s24], [sflag:$0x7], $0x800, $0x38;
	[tilespmem:$0x1D000] =	vst v63  }
0x58: {  	s21 =	rddreg [dreg:$0x11]  }
0x59: {  	[spmem:s20] =	stream.linear.scatter [tilespmem:s24], [sflag:$0x7], $0x800, $0x38;
	[tilespmem:$0x1D000] =	vst v63  }
0x5a: {  	s17 =	rddreg [dreg:$0x12]  }
0x5b: {  	[spmem:s21] =	stream.linear.scatter [tilespmem:s24], [sflag:$0x7], $0x800, $0x38;
	[tilespmem:$0x1D000] =	vst v63  }
0x5c: {  	s18 =	rddreg [dreg:$0x13]  }
0x5d: {  	[spmem:s17] =	stream.linear.scatter [tilespmem:s24], [sflag:$0x7], $0x800, $0x38;
	[tilespmem:$0x1D000] =	vst v63  }
0x5e: {  	s19 =	rddreg [dreg:$0x14]  }
0x5f: {  	[spmem:s18] =	stream.linear.scatter [tilespmem:s24], [sflag:$0x7], $0x800, $0x38;
	[tilespmem:$0x1D000] =	vst v63  }
0x60: {  	s20 =	rddreg [dreg:$0x15]  }
0x61: {  	[spmem:s19] =	stream.linear.scatter [tilespmem:s24], [sflag:$0x7], $0x800, $0x38;
	[tilespmem:$0x1D000] =	vst v63  }
0x62: {  	s21 =	rddreg [dreg:$0x16]  }
0x63: {  	[spmem:s20] =	stream.linear.scatter [tilespmem:s24], [sflag:$0x7], $0x800, $0x38;
	[tilespmem:$0x1D000] =	vst v63  }
0x64: {  	s17 =	rddreg [dreg:$0x17]  }
0x65: {  	[spmem:s21] =	stream.linear.scatter [tilespmem:s24], [sflag:$0x7], $0x800, $0x38;
	[tilespmem:$0x1D000] =	vst v63  }
0x66: {  	s18 =	rddreg [dreg:$0x18]  }
0x67: {  	[spmem:s17] =	stream.linear.scatter [tilespmem:s24], [sflag:$0x7], $0x800, $0x38;
	[tilespmem:$0x1D000] =	vst v63  }
0x68: {  	s19 =	rddreg [dreg:$0x19]  }
0x69: {  	[spmem:s18] =	stream.linear.scatter [tilespmem:s24], [sflag:$0x7], $0x800, $0x38;
	[tilespmem:$0x1D000] =	vst v63  }
0x6a: {  	s20 =	rddreg [dreg:$0x1a]  }
0x6b: {  	[spmem:s19] =	stream.linear.scatter [tilespmem:s24], [sflag:$0x7], $0x800, $0x38;
	[tilespmem:$0x1D000] =	vst v63  }
0x6c: {  	s21 =	rddreg [dreg:$0x1b]  }
0x6d: {  	[spmem:s20] =	stream.linear.scatter [tilespmem:s24], [sflag:$0x7], $0x800, $0x38;
	[tilespmem:$0x1D000] =	vst v63  }
0x6e: {  	s17 =	rddreg [dreg:$0x1c]  }
0x6f: {  	[spmem:s21] =	stream.linear.scatter [tilespmem:s24], [sflag:$0x7], $0x800, $0x38;
	[tilespmem:$0x1D000] =	vst v63  }
0x70: {  	s18 =	rddreg [dreg:$0x1d]  }
0x71: {  	[spmem:s17] =	stream.linear.scatter [tilespmem:s24], [sflag:$0x7], $0x800, $0x38;
	[tilespmem:$0x1D000] =	vst v63  }
0x72: {  	s19 =	rddreg [dreg:$0x1e]  }
0x73: {  	[spmem:s18] =	stream.linear.scatter [tilespmem:s24], [sflag:$0x7], $0x800, $0x38;
	[tilespmem:$0x1D000] =	vst v63  }
0x74: {  	s20 =	rddreg [dreg:$0x1f]  }
0x75: {  	[spmem:s19] =	stream.linear.scatter [tilespmem:s24], [sflag:$0x7], $0x800, $0x38;
	[tilespmem:$0x1D000] =	vst v63  }
0x76: {  	s21 =	sld [smem:$0x7E9]  }
0x77: {  	[spmem:s20] =	stream.linear.scatter [tilespmem:s24], [sflag:$0x7], $0x800, $0x38;
	[tilespmem:$0x1D000] =	vst v63  }
0x78: {  	s17 =	sld [smem:$0x7EA]  }
0x79: {  	[spmem:s21] =	stream.linear.scatter [tilespmem:s24], [sflag:$0x7], $0x800, $0x38;
	[tilespmem:$0x1D000] =	vst v63  }
0x7a: {  	s18 =	sld [smem:$0x7EB]  }
0x7b: {  	[spmem:s17] =	stream.linear.scatter [tilespmem:s24], [sflag:$0x7], $0x800, $0x38;
	[tilespmem:$0x1D000] =	vst v63  }
0x7c: {  	s19 =	sld [smem:$0x7EC]  }
0x7d: {  	[spmem:s18] =	stream.linear.scatter [tilespmem:s24], [sflag:$0x7], $0x800, $0x38;
	[tilespmem:$0x1D000] =	vst v63  }
0x7e: {  	s20 =	sld [smem:$0x7ED]  }
0x7f: {  	[spmem:s19] =	stream.linear.scatter [tilespmem:s24], [sflag:$0x7], $0x800, $0x38;
	[tilespmem:$0x1D000] =	vst v63  }
0x80: {  	s21 =	sld [smem:$0x7EE]  }
0x81: {  	[spmem:s20] =	stream.linear.scatter [tilespmem:s24], [sflag:$0x7], $0x800, $0x38;
	[tilespmem:$0x1D000] =	vst v63  }
0x82: {  	s17 =	sld [smem:$0x7EF]  }
0x83: {  	[spmem:s21] =	stream.linear.scatter [tilespmem:s24], [sflag:$0x7], $0x800, $0x38;
	[tilespmem:$0x1D000] =	vst v63  }
0x84: {  	s18 =	sld [smem:$0x7F0]  }
0x85: {  	[spmem:s17] =	stream.linear.scatter [tilespmem:s24], [sflag:$0x7], $0x800, $0x38;
	[tilespmem:$0x1D000] =	vst v63  }
0x86: {  	s19 =	sld [smem:$0x7F1]  }
0x87: {  	[spmem:s18] =	stream.linear.scatter [tilespmem:s24], [sflag:$0x7], $0x800, $0x38;
	[tilespmem:$0x1D000] =	vst v63  }
0x88: {  	s20 =	sld [smem:$0x7F2]  }
0x89: {  	[spmem:s19] =	stream.linear.scatter [tilespmem:s24], [sflag:$0x7], $0x800, $0x38;
	[tilespmem:$0x1D000] =	vst v63  }
0x8a: {  	s21 =	sld [smem:$0x7F3]  }
0x8b: {  	[spmem:s20] =	stream.linear.scatter [tilespmem:s24], [sflag:$0x7], $0x800, $0x38;
	[tilespmem:$0x1D000] =	vst v63  }
0x8c: {  	s17 =	sld [smem:$0x7F4]  }
0x8d: {  	[spmem:s21] =	stream.linear.scatter [tilespmem:s24], [sflag:$0x7], $0x800, $0x38;
	[tilespmem:$0x1D000] =	vst v63  }
0x8e: {  	s18 =	sld [smem:$0x7F5]  }
0x8f: {  	[spmem:s17] =	stream.linear.scatter [tilespmem:s24], [sflag:$0x7], $0x800, $0x38;
	[tilespmem:$0x1D000] =	vst v63  }
0x90: {  	s19 =	sld [smem:$0x7F6]  }
0x91: {  	[spmem:s18] =	stream.linear.scatter [tilespmem:s24], [sflag:$0x7], $0x800, $0x38;
	[tilespmem:$0x1D000] =	vst v63  }
0x92: {  	s20 =	sld [smem:$0x7F7]  }
0x93: {  	[spmem:s19] =	stream.linear.scatter [tilespmem:s24], [sflag:$0x7], $0x800, $0x38;
	[tilespmem:$0x1D000] =	vst v63  }
0x94: {  	s21 =	sld [smem:$0x7F8]  }
0x95: {  	[spmem:s20] =	stream.linear.scatter [tilespmem:s24], [sflag:$0x7], $0x800, $0x38;
	[tilespmem:$0x1D000] =	vst v63  }
0x96: {  	s17 =	sld [smem:$0x7F9]  }
0x97: {  	[spmem:s21] =	stream.linear.scatter [tilespmem:s24], [sflag:$0x7], $0x800, $0x38;
	[tilespmem:$0x1D000] =	vst v63  }
0x98: {  	s18 =	sld [smem:$0x7FA]  }
0x99: {  	[spmem:s17] =	stream.linear.scatter [tilespmem:s24], [sflag:$0x7], $0x800, $0x38;
	[tilespmem:$0x1D000] =	vst v63  }
0x9a: {  	s19 =	sld [smem:$0x7FB]  }
0x9b: {  	[spmem:s18] =	stream.linear.scatter [tilespmem:s24], [sflag:$0x7], $0x800, $0x38;
	[tilespmem:$0x1D000] =	vst v63  }
0x9c: {  	s20 =	sld [smem:$0x7FC]  }
0x9d: {  	[spmem:s19] =	stream.linear.scatter [tilespmem:s24], [sflag:$0x7], $0x800, $0x38;
	[tilespmem:$0x1D000] =	vst v63  }
0x9e: {  	s21 =	sld [smem:$0x7FD]  }
0x9f: {  	[spmem:s20] =	stream.linear.scatter [tilespmem:s24], [sflag:$0x7], $0x800, $0x38;
	[tilespmem:$0x1D000] =	vst v63  }
0xa0: {  	_ = 	snop  }
0xa1: {  	[spmem:s21] =	stream.linear.scatter [tilespmem:s24], [sflag:$0x7], $0x800, $0x38;
	[tilespmem:$0x1D000] =	vst v63  }
0xa2: {  	_ =	swait.ge [sflag:s25], $0x800  }
0xa3: {  	s16 =	simm.s32 $0x27;
	[sflag:s25] =	ssyncset.done $0x0  }
.LBB2_4:
0xa4: {  	p0 =	sne.s32 s16, $0x1;
	s16 =	sadd.s32 $0xFFFFFFFF, s16;
	[sflag:s25] =	ssyncadd.s32 $0xFFFFF800  }
.Ltmp1:
0xa5: {  	(pc) =	sbr.rel @p0 .LBB2_4-.Ltmp1, $3  }
0xa6: {  	_ =	sdelay $0x1  }
0xa7: {  	_ =	swait.ge [sflag:s25], $0x800  }
0xa8: {  	[sflag:s25] =	ssyncset.done $0x0  }
0xa9: {  	[sflag:s25] =	ssyncadd.s32 $0xFFFFF800;
	p0 =	por $0x1, $0x1  }
0xaa: {  	[bflag:$0x0] =	sbarrier.arrive $0xFFFF;
	s16 =	simm.s32 @!p0 $0x6  }
0xab: {  	_ =	swait.ge @!p0 [sflag:s16], $0x4000  }
0xac: {  	s17 =	rddreg [dreg:$0x5];
	[sflag:s16] =	ssyncset.done @!p0 $0x0  }
0xad: {  	[sflag:s16] =	ssyncadd.s32 @!p0 $0xFFFFC000;
	s20 =	sadd.s32 $0x0, s17  }
0xae: {  	[tilespmem:s26], [sflag:$0x2] =	stream.linear.gather [hbm4b:s20+s4], $0x400, $0x38;
	[tilespmem:$0x1D000] =	vst v63  }
0xaf: {  	s21 =	rddreg [dreg:$0x6]  }
0xb0: {  	[tilespmem:s28], [sflag:$0x4] =	stream.indirect.gather [hbm4b:s1+s22], $0x80, s21, s22, $0xb8;
	[tilespmem:$0x1D000] =	vst v63  }
0xb1: {  	_ =	swait.ge [sflag:s29], $0x4000  }
0xb2: {  	[sflag:s29] =	ssyncset.done $0x0  }
0xb3: {  	[sflag:s29] =	ssyncadd.s32 $0xFFFFC000  }
0xb4: {  	[spmem:s2] =	stream.indirect.scatter.add.f32 [tilespmem:s23], [sflag:$0x5], $0x80, s22, s22, $0xb8;
	[tilespmem:$0x1D000] =	vst v63  }
0xb5: {  	_ =	swait.ge [sflag:s30], $0x4000  }
0xb6: {  	[sflag:s30] =	ssyncset.done $0x0  }
0xb7: {  	s18 =	rddreg [dreg:$0x7];
	[sflag:s30] =	ssyncadd.s32 $0xFFFFC000  }
0xb8: {  	[tilespmem:s23], [sflag:$0x3] =	stream.indirect.gather [hbm4b:s1+s22], $0x80, s18, s22, $0xb8;
	[tilespmem:$0x1D000] =	vst v63  }
0xb9: {  	_ =	swait.ge [sflag:s31], $0x4000  }
0xba: {  	[sflag:s31] =	ssyncset.done $0x0  }
0xbb: {  	s19 =	rddreg [dreg:$0x8];
	[sflag:s31] =	ssyncadd.s32 $0xFFFFC000  }
0xbc: {  	[spmem:s2] =	stream.indirect.scatter.add.f32 [tilespmem:s28], [sflag:$0x6], $0x80, s19, s22, $0xb8;
	[tilespmem:$0x1D000] =	vst v63  }
0xbd: {  	_ =	swait.ge [sflag:s0], $0x4000  }
0xbe: {  	[sflag:s0] =	ssyncset.done $0x0  }
0xbf: {  	s20 =	rddreg [dreg:$0x9];
	[sflag:s0] =	ssyncadd.s32 $0xFFFFC000  }
0xc0: {  	[tilespmem:s28], [sflag:$0x4] =	stream.indirect.gather [hbm4b:s1+s22], $0x80, s20, s22, $0xb8;
	[tilespmem:$0x1D000] =	vst v63  }
0xc1: {  	_ =	swait.ge [sflag:s29], $0x4000  }
0xc2: {  	[sflag:s29] =	ssyncset.done $0x0  }
0xc3: {  	s21 =	rddreg [dreg:$0xa];
	[sflag:s29] =	ssyncadd.s32 $0xFFFFC000  }
0xc4: {  	[spmem:s2] =	stream.indirect.scatter.add.f32 [tilespmem:s23], [sflag:$0x5], $0x80, s21, s22, $0xb8;
	[tilespmem:$0x1D000] =	vst v63  }
0xc5: {  	_ =	swait.ge [sflag:s30], $0x4000  }
0xc6: {  	[sflag:s30] =	ssyncset.done $0x0  }
0xc7: {  	[sflag:s30] =	ssyncadd.s32 $0xFFFFC000  }
0xc8: {  	_ =	swait.ge [sflag:s3], $0x400  }
0xc9: {  	[sflag:s3] =	ssyncset.done $0x0  }
0xca: {  	[sflag:s3] =	ssyncadd.s32 $0xFFFFFC00  }
0xcb: {  	[tilespmem:s23], [sflag:$0x3] =	stream.indirect.gather [hbm4b:s1+s22], $0x80, s26, s22, $0xb8;
	[tilespmem:$0x1D000] =	vst v63  }
0xcc: {  	_ =	swait.ge [sflag:s31], $0x4000  }
0xcd: {  	[sflag:s31] =	ssyncset.done $0x0  }
0xce: {  	[sflag:s31] =	ssyncadd.s32 $0xFFFFC000  }
0xcf: {  	[spmem:s2] =	stream.indirect.scatter.add.f32 [tilespmem:s28], [sflag:$0x6], $0x80, s5, s22, $0xb8;
	[tilespmem:$0x1D000] =	vst v63  }
0xd0: {  	_ =	swait.ge [sflag:s0], $0x4000  }
0xd1: {  	p0 =	por $0x0, $0x0;
	s16 =	rddreg [dreg:$0x4];
	[sflag:s0] =	ssyncset.done $0x0  }
0xd2: {  	s17 =	simm.s32 @!p0 $0x0;
	[sflag:s0] =	ssyncadd.s32 $0xFFFFC000;
	s16 =	sadd.s32 @!p0 $0x0, s16  }
0xd3: {  	[tilespmem:s17], [sflag:$0x1] =	stream.linear.gather @!p0 [hbm4b:s16+s17], $0x400, $0x38;
	[tilespmem:$0x1D000] =	vst v63  }
0xd4: {  	_ = 	snop  }
0xd5: {  	[tilespmem:s28], [sflag:$0x4] =	stream.indirect.gather [hbm4b:s1+s22], $0x80, s7, s22, $0xb8;
	[tilespmem:$0x1D000] =	vst v63  }
0xd6: {  	_ =	swait.ge [sflag:s29], $0x4000  }
0xd7: {  	[sflag:s29] =	ssyncset.done $0x0  }
0xd8: {  	[sflag:s29] =	ssyncadd.s32 $0xFFFFC000  }
0xd9: {  	[spmem:s2] =	stream.indirect.scatter.add.f32 [tilespmem:s23], [sflag:$0x5], $0x80, s8, s22, $0xb8;
	[tilespmem:$0x1D000] =	vst v63  }
0xda: {  	_ =	swait.ge [sflag:s30], $0x4000  }
0xdb: {  	[sflag:s30] =	ssyncset.done $0x0  }
0xdc: {  	[sflag:s30] =	ssyncadd.s32 $0xFFFFC000  }
0xdd: {  	[tilespmem:s23], [sflag:$0x3] =	stream.indirect.gather [hbm4b:s1+s22], $0x80, s9, s22, $0xb8;
	[tilespmem:$0x1D000] =	vst v63  }
0xde: {  	_ =	swait.ge [sflag:s31], $0x4000  }
0xdf: {  	[sflag:s31] =	ssyncset.done $0x0  }
0xe0: {  	[sflag:s31] =	ssyncadd.s32 $0xFFFFC000  }
0xe1: {  	[spmem:s2] =	stream.indirect.scatter.add.f32 [tilespmem:s28], [sflag:$0x6], $0x80, s10, s22, $0xb8;
	[tilespmem:$0x1D000] =	vst v63  }
0xe2: {  	_ =	swait.ge [sflag:s0], $0x4000  }
0xe3: {  	[sflag:s0] =	ssyncset.done $0x0  }
0xe4: {  	[sflag:s0] =	ssyncadd.s32 $0xFFFFC000  }
0xe5: {  	[tilespmem:s28], [sflag:$0x4] =	stream.indirect.gather [hbm4b:s1+s22], $0x80, s11, s22, $0xb8;
	[tilespmem:$0x1D000] =	vst v63  }
0xe6: {  	_ =	swait.ge [sflag:s29], $0x4000  }
0xe7: {  	[sflag:s29] =	ssyncset.done $0x0  }
0xe8: {  	[sflag:s29] =	ssyncadd.s32 $0xFFFFC000  }
0xe9: {  	[spmem:s2] =	stream.indirect.scatter.add.f32 [tilespmem:s23], [sflag:$0x5], $0x80, s12, s22, $0xb8;
	[tilespmem:$0x1D000] =	vst v63  }
0xea: {  	_ =	swait.ge [sflag:s30], $0x4000  }
0xeb: {  	p0 =	por $0x0, $0x0;
	[sflag:s30] =	ssyncset.done $0x0  }
0xec: {  	s16 =	simm.s32 @!p0 $0x1;
	[sflag:s30] =	ssyncadd.s32 $0xFFFFC000  }
0xed: {  	_ =	swait.ge @!p0 [sflag:s16], $0x400  }
0xee: {  	s17 =	simm.s32 @!p0 $0x800;
	[sflag:s16] =	ssyncset.done @!p0 $0x0  }
0xef: {  	s18 =	simm.s32 @!p0 $0x0;
	[sflag:s16] =	ssyncadd.s32 @!p0 $0xFFFFFC00;
	s16 =	simm.s32 @!p0 $0x80  }
0xf0: {  	[tilespmem:s17], [sflag:$0x3] =	stream.indirect.gather @!p0 [hbm4b:s1+s16], $0x80, s18, s16, $0xb8;
	[tilespmem:$0x1D000] =	vst v63  }
0xf1: {  	p1 =	por $0x0, $0x0;
	s17 =	simm.s32 $0x100;
	_ =	swait.ge [sflag:s31], $0x4000  }
0xf2: {  	s18 =	simm.s32 $0x200;
	s16 =	simm.s32 $0x3;
	[sflag:s31] =	ssyncset.done $0x0  }
.LBB2_6:
0xf3: {  	s20 =	simm.s32 @!p1 $0x6;
	[sflag:s31] =	ssyncadd.s32 $0xFFFFC000  }
0xf4: {  	[spmem:s2] =	stream.indirect.scatter.add.f32 [tilespmem:s28], [sflag:$0x6], $0x80, s13, s22, $0xb8;
	[tilespmem:$0x1D000] =	vst v63  }
0xf5: {  	_ =	swait.ge @!p1 [sflag:s20], $0x4000  }
0xf6: {  	[sflag:s20] =	ssyncset.done @!p1 $0x0;
	s21 =	rddreg [dreg:$0x5]  }
0xf7: {  	[sflag:s20] =	ssyncadd.s32 @!p1 $0xFFFFC000;
	s20 =	sadd.s32 s17, s21  }
0xf8: {  	[tilespmem:s26], [sflag:$0x2] =	stream.linear.gather [hbm4b:s20+s4], $0x400, $0x38;
	[tilespmem:$0x1D000] =	vst v63  }
0xf9: {  	s21 =	rddreg [dreg:$0x6]  }
0xfa: {  	[tilespmem:s28], [sflag:$0x4] =	stream.indirect.gather [hbm4b:s1+s22], $0x80, s21, s22, $0xb8;
	[tilespmem:$0x1D000] =	vst v63  }
0xfb: {  	_ =	swait.ge [sflag:s29], $0x4000  }
0xfc: {  	[sflag:s29] =	ssyncset.done $0x0  }
0xfd: {  	[sflag:s29] =	ssyncadd.s32 $0xFFFFC000  }
0xfe: {  	[spmem:s2] =	stream.indirect.scatter.add.f32 [tilespmem:s23], [sflag:$0x5], $0x80, s22, s22, $0xb8;
	[tilespmem:$0x1D000] =	vst v63  }
0xff: {  	_ =	swait.ge [sflag:s30], $0x4000  }
0x100: {  	[sflag:s30] =	ssyncset.done $0x0  }
0x101: {  	s21 =	rddreg [dreg:$0x7];
	[sflag:s30] =	ssyncadd.s32 $0xFFFFC000  }
0x102: {  	[tilespmem:s23], [sflag:$0x3] =	stream.indirect.gather [hbm4b:s1+s22], $0x80, s21, s22, $0xb8;
	[tilespmem:$0x1D000] =	vst v63  }
0x103: {  	_ =	swait.ge [sflag:s31], $0x4000  }
0x104: {  	[sflag:s31] =	ssyncset.done $0x0  }
0x105: {  	s21 =	rddreg [dreg:$0x8];
	[sflag:s31] =	ssyncadd.s32 $0xFFFFC000  }
0x106: {  	[spmem:s2] =	stream.indirect.scatter.add.f32 [tilespmem:s28], [sflag:$0x6], $0x80, s21, s22, $0xb8;
	[tilespmem:$0x1D000] =	vst v63  }
0x107: {  	_ =	swait.ge [sflag:s0], $0x4000  }
0x108: {  	[sflag:s0] =	ssyncset.done $0x0  }
0x109: {  	s21 =	rddreg [dreg:$0x9];
	[sflag:s0] =	ssyncadd.s32 $0xFFFFC000  }
0x10a: {  	[tilespmem:s28], [sflag:$0x4] =	stream.indirect.gather [hbm4b:s1+s22], $0x80, s21, s22, $0xb8;
	[tilespmem:$0x1D000] =	vst v63  }
0x10b: {  	_ =	swait.ge [sflag:s29], $0x4000  }
0x10c: {  	[sflag:s29] =	ssyncset.done $0x0  }
0x10d: {  	s21 =	rddreg [dreg:$0xa];
	[sflag:s29] =	ssyncadd.s32 $0xFFFFC000  }
0x10e: {  	[spmem:s2] =	stream.indirect.scatter.add.f32 [tilespmem:s23], [sflag:$0x5], $0x80, s21, s22, $0xb8;
	[tilespmem:$0x1D000] =	vst v63  }
0x10f: {  	_ =	swait.ge [sflag:s30], $0x4000  }
0x110: {  	[sflag:s30] =	ssyncset.done $0x0  }
0x111: {  	[sflag:s30] =	ssyncadd.s32 $0xFFFFC000  }
0x112: {  	_ =	swait.ge [sflag:s3], $0x400  }
0x113: {  	[sflag:s3] =	ssyncset.done $0x0  }
0x114: {  	[sflag:s3] =	ssyncadd.s32 $0xFFFFFC00  }
0x115: {  	[tilespmem:s23], [sflag:$0x3] =	stream.indirect.gather [hbm4b:s1+s22], $0x80, s26, s22, $0xb8;
	[tilespmem:$0x1D000] =	vst v63  }
0x116: {  	_ =	swait.ge [sflag:s31], $0x4000  }
0x117: {  	[sflag:s31] =	ssyncset.done $0x0  }
0x118: {  	[sflag:s31] =	ssyncadd.s32 $0xFFFFC000  }
0x119: {  	[spmem:s2] =	stream.indirect.scatter.add.f32 [tilespmem:s28], [sflag:$0x6], $0x80, s5, s22, $0xb8;
	[tilespmem:$0x1D000] =	vst v63  }
0x11a: {  	_ =	swait.ge [sflag:s0], $0x4000  }
0x11b: {  	p1 =	seq.s32 s17, $0x900;
	s20 =	rddreg [dreg:$0x4];
	[sflag:s0] =	ssyncset.done $0x0  }
0x11c: {  	[sflag:s0] =	ssyncadd.s32 $0xFFFFC000;
	s17 =	sadd.s32 @!p1 s17, s20;
	s20 =	simm.s32 @!p1 $0x0  }
0x11d: {  	[tilespmem:s20], [sflag:$0x1] =	stream.linear.gather @!p1 [hbm4b:s17+s20], $0x400, $0x38;
	[tilespmem:$0x1D000] =	vst v63  }
0x11e: {  	_ = 	snop  }
0x11f: {  	[tilespmem:s28], [sflag:$0x4] =	stream.indirect.gather [hbm4b:s1+s22], $0x80, s7, s22, $0xb8;
	[tilespmem:$0x1D000] =	vst v63  }
0x120: {  	_ =	swait.ge [sflag:s29], $0x4000  }
0x121: {  	[sflag:s29] =	ssyncset.done $0x0  }
0x122: {  	[sflag:s29] =	ssyncadd.s32 $0xFFFFC000  }
0x123: {  	[spmem:s2] =	stream.indirect.scatter.add.f32 [tilespmem:s23], [sflag:$0x5], $0x80, s8, s22, $0xb8;
	[tilespmem:$0x1D000] =	vst v63  }
0x124: {  	_ =	swait.ge [sflag:s30], $0x4000  }
0x125: {  	[sflag:s30] =	ssyncset.done $0x0  }
0x126: {  	[sflag:s30] =	ssyncadd.s32 $0xFFFFC000  }
0x127: {  	[tilespmem:s23], [sflag:$0x3] =	stream.indirect.gather [hbm4b:s1+s22], $0x80, s9, s22, $0xb8;
	[tilespmem:$0x1D000] =	vst v63  }
0x128: {  	_ =	swait.ge [sflag:s31], $0x4000  }
0x129: {  	[sflag:s31] =	ssyncset.done $0x0  }
0x12a: {  	[sflag:s31] =	ssyncadd.s32 $0xFFFFC000  }
0x12b: {  	[spmem:s2] =	stream.indirect.scatter.add.f32 [tilespmem:s28], [sflag:$0x6], $0x80, s10, s22, $0xb8;
	[tilespmem:$0x1D000] =	vst v63  }
0x12c: {  	_ =	swait.ge [sflag:s0], $0x4000  }
0x12d: {  	[sflag:s0] =	ssyncset.done $0x0  }
0x12e: {  	[sflag:s0] =	ssyncadd.s32 $0xFFFFC000  }
0x12f: {  	[tilespmem:s28], [sflag:$0x4] =	stream.indirect.gather [hbm4b:s1+s22], $0x80, s11, s22, $0xb8;
	[tilespmem:$0x1D000] =	vst v63  }
0x130: {  	_ =	swait.ge [sflag:s29], $0x4000  }
0x131: {  	[sflag:s29] =	ssyncset.done $0x0  }
0x132: {  	[sflag:s29] =	ssyncadd.s32 $0xFFFFC000  }
0x133: {  	[spmem:s2] =	stream.indirect.scatter.add.f32 [tilespmem:s23], [sflag:$0x5], $0x80, s12, s22, $0xb8;
	[tilespmem:$0x1D000] =	vst v63  }
0x134: {  	s19 =	smov.u32 s18;
	_ =	swait.ge [sflag:s30], $0x4000  }
0x135: {  	s18 =	sadd.s32 $0x100, s18;
	p1 =	sgt.u32 s16, $0x12;
	[sflag:s30] =	ssyncset.done $0x0  }
0x136: {  	s17 =	smov.u32 s19;
	s19 =	simm.s32 @!p1 $0x1;
	[sflag:s30] =	ssyncadd.s32 $0xFFFFC000  }
0x137: {  	p0 =	sne.s32 s18, $0xA00;
	_ =	swait.ge @!p1 [sflag:s19], $0x400  }
.Ltmp2:
0x138: {  	s20 =	simm.s32 @!p1 $0x800;
	[sflag:s19] =	ssyncset.done @!p1 $0x0;
	(pc) =	sbr.rel @p0 .LBB2_6-.Ltmp2, $4  }
0x139: {  	s21 =	simm.s32 @!p1 $0x0;
	[sflag:s19] =	ssyncadd.s32 @!p1 $0xFFFFFC00;
	s19 =	simm.s32 @!p1 $0x80  }
0x13a: {  	[tilespmem:s20], [sflag:$0x3] =	stream.indirect.gather @!p1 [hbm4b:s1+s19], $0x80, s21, s19, $0xb8;
	[tilespmem:$0x1D000] =	vst v63  }
0x13b: {  	_ =	swait.ge [sflag:s31], $0x4000  }
0x13c: {  	s16 =	sadd.s32 $0x2, s16;
	p1 =	seq.s32 s17, $0x0;
	[sflag:s31] =	ssyncset.done $0x0  }
0x13d: {  	s18 =	simm.s32 @!p1 $0x6;
	[sflag:s31] =	ssyncadd.s32 $0xFFFFC000  }
0x13e: {  	[spmem:s2] =	stream.indirect.scatter.add.f32 [tilespmem:s28], [sflag:$0x6], $0x80, s13, s22, $0xb8;
	[tilespmem:$0x1D000] =	vst v63  }
0x13f: {  	_ =	swait.ge @!p1 [sflag:s18], $0x4000  }
0x140: {  	s19 =	rddreg [dreg:$0x5];
	[sflag:s18] =	ssyncset.done @!p1 $0x0  }
0x141: {  	[sflag:s18] =	ssyncadd.s32 @!p1 $0xFFFFC000;
	s19 =	sadd.s32 s17, s19  }
0x142: {  	[tilespmem:s26], [sflag:$0x2] =	stream.linear.gather [hbm4b:s19+s4], $0x400, $0x38;
	[tilespmem:$0x1D000] =	vst v63  }
0x143: {  	s20 =	rddreg [dreg:$0x6]  }
0x144: {  	[tilespmem:s28], [sflag:$0x4] =	stream.indirect.gather [hbm4b:s1+s22], $0x80, s20, s22, $0xb8;
	[tilespmem:$0x1D000] =	vst v63  }
0x145: {  	_ =	swait.ge [sflag:s29], $0x4000  }
0x146: {  	[sflag:s29] =	ssyncset.done $0x0  }
0x147: {  	[sflag:s29] =	ssyncadd.s32 $0xFFFFC000  }
0x148: {  	[spmem:s2] =	stream.indirect.scatter.add.f32 [tilespmem:s23], [sflag:$0x5], $0x80, s22, s22, $0xb8;
	[tilespmem:$0x1D000] =	vst v63  }
0x149: {  	_ =	swait.ge [sflag:s30], $0x4000  }
0x14a: {  	[sflag:s30] =	ssyncset.done $0x0  }
0x14b: {  	s21 =	rddreg [dreg:$0x7];
	[sflag:s30] =	ssyncadd.s32 $0xFFFFC000  }
0x14c: {  	[tilespmem:s23], [sflag:$0x3] =	stream.indirect.gather [hbm4b:s1+s22], $0x80, s21, s22, $0xb8;
	[tilespmem:$0x1D000] =	vst v63  }
0x14d: {  	_ =	swait.ge [sflag:s31], $0x4000  }
0x14e: {  	[sflag:s31] =	ssyncset.done $0x0  }
0x14f: {  	s19 =	rddreg [dreg:$0x8];
	[sflag:s31] =	ssyncadd.s32 $0xFFFFC000  }
0x150: {  	[spmem:s2] =	stream.indirect.scatter.add.f32 [tilespmem:s28], [sflag:$0x6], $0x80, s19, s22, $0xb8;
	[tilespmem:$0x1D000] =	vst v63  }
0x151: {  	_ =	swait.ge [sflag:s0], $0x4000  }
0x152: {  	[sflag:s0] =	ssyncset.done $0x0  }
0x153: {  	s20 =	rddreg [dreg:$0x9];
	[sflag:s0] =	ssyncadd.s32 $0xFFFFC000  }
0x154: {  	[tilespmem:s28], [sflag:$0x4] =	stream.indirect.gather [hbm4b:s1+s22], $0x80, s20, s22, $0xb8;
	[tilespmem:$0x1D000] =	vst v63  }
0x155: {  	_ =	swait.ge [sflag:s29], $0x4000  }
0x156: {  	[sflag:s29] =	ssyncset.done $0x0  }
0x157: {  	s21 =	rddreg [dreg:$0xa];
	[sflag:s29] =	ssyncadd.s32 $0xFFFFC000  }
0x158: {  	[spmem:s2] =	stream.indirect.scatter.add.f32 [tilespmem:s23], [sflag:$0x5], $0x80, s21, s22, $0xb8;
	[tilespmem:$0x1D000] =	vst v63  }
0x159: {  	_ =	swait.ge [sflag:s30], $0x4000  }
0x15a: {  	[sflag:s30] =	ssyncset.done $0x0  }
0x15b: {  	[sflag:s30] =	ssyncadd.s32 $0xFFFFC000  }
0x15c: {  	_ =	swait.ge [sflag:s3], $0x400  }
0x15d: {  	[sflag:s3] =	ssyncset.done $0x0  }
0x15e: {  	[sflag:s3] =	ssyncadd.s32 $0xFFFFFC00  }
0x15f: {  	[tilespmem:s23], [sflag:$0x3] =	stream.indirect.gather [hbm4b:s1+s22], $0x80, s26, s22, $0xb8;
	[tilespmem:$0x1D000] =	vst v63  }
0x160: {  	_ =	swait.ge [sflag:s31], $0x4000  }
0x161: {  	[sflag:s31] =	ssyncset.done $0x0  }
0x162: {  	[sflag:s31] =	ssyncadd.s32 $0xFFFFC000  }
0x163: {  	[spmem:s2] =	stream.indirect.scatter.add.f32 [tilespmem:s28], [sflag:$0x6], $0x80, s5, s22, $0xb8;
	[tilespmem:$0x1D000] =	vst v63  }
0x164: {  	_ =	swait.ge [sflag:s0], $0x4000  }
0x165: {  	p0 =	seq.s32 s17, $0x900;
	s18 =	rddreg [dreg:$0x4];
	[sflag:s0] =	ssyncset.done $0x0  }
0x166: {  	[sflag:s0] =	ssyncadd.s32 $0xFFFFC000;
	s17 =	sadd.s32 @!p0 s17, s18;
	s18 =	simm.s32 @!p0 $0x0  }
0x167: {  	[tilespmem:s18], [sflag:$0x1] =	stream.linear.gather @!p0 [hbm4b:s17+s18], $0x400, $0x38;
	[tilespmem:$0x1D000] =	vst v63  }
0x168: {  	_ = 	snop  }
0x169: {  	[tilespmem:s28], [sflag:$0x4] =	stream.indirect.gather [hbm4b:s1+s22], $0x80, s7, s22, $0xb8;
	[tilespmem:$0x1D000] =	vst v63  }
0x16a: {  	_ =	swait.ge [sflag:s29], $0x4000  }
0x16b: {  	[sflag:s29] =	ssyncset.done $0x0  }
0x16c: {  	[sflag:s29] =	ssyncadd.s32 $0xFFFFC000  }
0x16d: {  	[spmem:s2] =	stream.indirect.scatter.add.f32 [tilespmem:s23], [sflag:$0x5], $0x80, s8, s22, $0xb8;
	[tilespmem:$0x1D000] =	vst v63  }
0x16e: {  	_ =	swait.ge [sflag:s30], $0x4000  }
0x16f: {  	[sflag:s30] =	ssyncset.done $0x0  }
0x170: {  	[sflag:s30] =	ssyncadd.s32 $0xFFFFC000  }
0x171: {  	[tilespmem:s23], [sflag:$0x3] =	stream.indirect.gather [hbm4b:s1+s22], $0x80, s9, s22, $0xb8;
	[tilespmem:$0x1D000] =	vst v63  }
0x172: {  	_ =	swait.ge [sflag:s31], $0x4000  }
0x173: {  	[sflag:s31] =	ssyncset.done $0x0  }
0x174: {  	[sflag:s31] =	ssyncadd.s32 $0xFFFFC000  }
0x175: {  	[spmem:s2] =	stream.indirect.scatter.add.f32 [tilespmem:s28], [sflag:$0x6], $0x80, s10, s22, $0xb8;
	[tilespmem:$0x1D000] =	vst v63  }
0x176: {  	_ =	swait.ge [sflag:s0], $0x4000  }
0x177: {  	[sflag:s0] =	ssyncset.done $0x0  }
0x178: {  	[sflag:s0] =	ssyncadd.s32 $0xFFFFC000  }
0x179: {  	[tilespmem:s28], [sflag:$0x4] =	stream.indirect.gather [hbm4b:s1+s22], $0x80, s11, s22, $0xb8;
	[tilespmem:$0x1D000] =	vst v63  }
0x17a: {  	_ =	swait.ge [sflag:s29], $0x4000  }
0x17b: {  	[sflag:s29] =	ssyncset.done $0x0  }
0x17c: {  	[sflag:s29] =	ssyncadd.s32 $0xFFFFC000  }
0x17d: {  	[spmem:s2] =	stream.indirect.scatter.add.f32 [tilespmem:s23], [sflag:$0x5], $0x80, s12, s22, $0xb8;
	[tilespmem:$0x1D000] =	vst v63  }
0x17e: {  	_ =	swait.ge [sflag:s30], $0x4000  }
0x17f: {  	p0 =	sgt.u32 s16, $0x12;
	[sflag:s30] =	ssyncset.done $0x0  }
0x180: {  	s16 =	simm.s32 @!p0 $0x1;
	[sflag:s30] =	ssyncadd.s32 $0xFFFFC000  }
0x181: {  	_ =	swait.ge @!p0 [sflag:s16], $0x400  }
0x182: {  	s17 =	simm.s32 @!p0 $0x800;
	[sflag:s16] =	ssyncset.done @!p0 $0x0  }
0x183: {  	s18 =	simm.s32 @!p0 $0x0;
	[sflag:s16] =	ssyncadd.s32 @!p0 $0xFFFFFC00;
	s16 =	simm.s32 @!p0 $0x80  }
0x184: {  	[tilespmem:s17], [sflag:$0x3] =	stream.indirect.gather @!p0 [hbm4b:s1+s16], $0x80, s18, s16, $0xb8;
	[tilespmem:$0x1D000] =	vst v63  }
0x185: {  	_ =	swait.ge [sflag:s31], $0x4000  }
0x186: {  	[sflag:s31] =	ssyncset.done $0x0  }
0x187: {  	[sflag:s31] =	ssyncadd.s32 $0xFFFFC000  }
0x188: {  	[spmem:s2] =	stream.indirect.scatter.add.f32 [tilespmem:s28], [sflag:$0x6], $0x80, s13, s22, $0xb8;
	[tilespmem:$0x1D000] =	vst v63  }
0x189: {  	_ =	swait.ge [sflag:s0], $0x4000  }
0x18a: {  	[sflag:s0] =	ssyncset.done $0x0  }
0x18b: {  	s18 =	stileid.u32;
	[sflag:s0] =	ssyncadd.s32 $0xFFFFC000  }
0x18c: {  	s16 =	sshll.u32 s18, $0x6;
	[bflag:$0x0] =	sbarrier.arrive $0xFFFF  }
0x18d: {  	s19 =	sshrl.u32 s6, $0x3;
	s16 =	sor.u32 $0x1C08, s16;
	s20 =	rddreg [dreg:$0xc]  }
0x18e: {  	[hbm:s20], [sflag:s16] =	dma.local [spmem:s19], $0x2800  }
0x18f: {  	_ =	swait.ge [sflag:s14], $0x2800  }
0x190: {  	s15 =	sadd.s32 $0x1, s15;
	s21 =	rddreg [dreg:$0xd]  }
0x191: {  	p0 =	sne.s32 s15, s21  }
.Ltmp3:
0x192: {  	_ = 	snop;
	(pc) =	sbr.rel @p0 .LBB2_1-.Ltmp3, $3  }
0x193: {  	_ =	sdelay $0x1  }
0x194: {  	[sflag:s14] =	ssyncset.done $0x0  }
0x195: {  	[sflag:s14] =	ssyncadd.s32 $0xFFFFD800  }
0x196: {  	_ =	sfence.sel $0x180000  }
0x197: {  	[bflag:$0x0] =	sbarrier.arrive $0xFFFF  }
0x198: {  	_ =	strace $0x9000004A  }
0x199: {  	s0 =	stileid.u32;
	[bflag:$0x2] =	sbarrier.arrive $0xFFFF  }
0x19a: {  	p0 =	sne.s32 s0, $0x0;
	s0 =	rddreg [dreg:$0x3]  }
0x19b: {  	s0 =	sadd.s32 @!p0 $0x100000, s0  }
0x19c: {  	[sflag:s0] =	ssyncadd.tile.s32 @!p0 $0x1;
	_ =	shalt  }
.Lfunc_end2:
_tile_overlayer_lowered:
.L_overlay_start_2:
0x19d: {  	(tag) =	ssettag $0x2  }
0x19e: {  	s0 =	rddreg [dreg:$0x0];
	s2 =	stileid.u32  }
0x19f: {  	s1 =	rddreg [dreg:$0x1];
	p0 =	sne.s32 s2, $0x0  }
0x1a0: {  	s3 =	rddreg [dreg:$0x2];
	[bflag:$0x3] =	sbarrier.arrive $0xFFFF;
	s2 =	simm.s32 @!p0 $0x1C08  }
0x1a1: {  	[timem:s3], [sflag:s2] =	dma.local @!p0 [hbm:s0], s1  }
0x1a2: {  	s0 =	simm.s32 @!p0 $0x8  }
0x1a3: {  	_ =	swait.ge @!p0 [sflag:s0], s1  }
0x1a4: {  	s1 =	ssub.s32 @!p0 $0x0, s1;
	[sflag:s0] =	ssyncset.done @!p0 $0x0  }
0x1a5: {  	[sflag:s0] =	ssyncadd.s32 @!p0 s1  }
0x1a6: {  	[bflag:$0x3] =	sbarrier.arrive $0xFFFF  }
0x1a7: {  	_ =	shalt  }

// kernel: kernel.8.cloned.1.call-start
scs
__scs_entry_jumppad:
0x0: {  	(pc) =	sbr.rel $0x88, $3  }
0x1: {  	(tag) =	ssettag $0x0;
	lr =	simm.s32 $0x1  }
0x2: {  	[smem:$0x3F99] =	sst lr;
	_ =	strace $0xD0000000  }
0x3: {  	_ = 	snop  }
0x4: {  	_ = 	snop  }
0x5: {  	_ = 	snop  }
0x6: {  	_ = 	snop  }
0x7: {  	_ = 	snop  }
__scs_overlays_trampoline_lowered:
0x8: {  	[smem:$0x3FA8] =	sst s0  }
0x9: {  	[smem:$0x3FA9] =	sst s1  }
0xa: {  	[smem:$0x3FAA] =	sst s2  }
0xb: {  	[smem:$0x3FAB] =	sst s3  }
0xc: {  	[smem:$0x3FAC] =	sst s4  }
0xd: {  	[smem:$0x3FAD] =	sst s5  }
0xe: {  	[smem:$0x3FAE] =	sst s6  }
0xf: {  	[smem:$0x3FAF] =	sst s7  }
0x10: {  	[smem:$0x3FB0] =	sst s8  }
0x11: {  	[smem:$0x3FB1] =	sst s9;
	s0 =	simm.s32 @!p0 $0x0  }
0x12: {  	s1 =	sld [smem:$0x3F97];
	s0 =	simm.s32 @p0 $0x1  }
0x13: {  	[smem:$0x3FB2] =	sst s0;
	s0 =	simm.s32 @!p1 $0x0  }
0x14: {  	s2 =	sld [smem:$0x3F96];
	s0 =	simm.s32 @p1 $0x1  }
0x15: {  	[smem:$0x3FB3] =	sst s0;
	s0 =	simm.s32 @!p2 $0x0  }
0x16: {  	s3 =	sld [smem:$0x3FDB];
	s0 =	simm.s32 @p2 $0x1  }
0x17: {  	s4 =	simm.s32 $0x1BF5;
	[smem:$0x3FB5] =	sst s0  }
0x18: {  	s0 =	sld [smem:$0x3F98];
	_ =	swait.ge [sflag:s4], $0x0  }
0x19: {  	s7 =	sld [smem:$0x3F99]  }
0x1a: {  	s8 =	sadd.s32 $0xFFFFE003, lr  }
0x1b: {  	s9 =	sadd.s32 $0xFFFFFEF7, lr;
	s5 =	simm.s32 $0xFFFFFFFF;
	p2 =	slt.u32 s8, $0xFFFFF086  }
0x1c: {  	p1 =	slt.u32 s9, $0xF7A;
	s5 =	simm.s32 @!p2 $0x0  }
0x1d: {  	s5 =	simm.s32 @p1 $0x1;
	p0 =	seq.s32 s7, s2  }
0x1e: {  	s7 =	smul.u32 @!p0 $0xF7A, s2;
	p2 =	seq.s32 @!p0 s5, $0x0  }
0x1f: {  	s9 =	smul.u32 $0xF7A, s1;
	s8 =	simm.s32 @!p0 $0x1BF5;
	p2 =	por !p2, p0  }
0x20: {  	[sflag:s8] =	ssyncset.s32 @!p0 $0xFFFFF086;
	s6 =	sadd.s32 @!p0 s3, s7;
	s7 =	simm.s32 @!p0 $0x108  }
0x21: {  	s3 =	sadd.s32 s3, s9;
	s6 =	sadd.s32 @!p0 $0x88, s6;
	s7 =	simm.s32 @p2 $0x1082  }
0x22: {  	[simem:s7], [sflag:s8] =	dma.local @!p0 [hbm:s6], $0xF7A  }
0x23: {  	s9 =	sor.u32 $0xD0000000, s2;
	s6 =	simm.s32 $0x108;
	_ =	swait.ge @!p0 [sflag:s8], $0x0  }
0x24: {  	s3 =	sadd.s32 $0x88, s3;
	s6 =	simm.s32 @!p1 $0x1082;
	[sflag:s4] =	ssyncset.s32 $0xFFFFF086  }
0x25: {  	[simem:s6], [sflag:s4] =	dma.local [hbm:s3], $0xF7A  }
0x26: {  	[smem:$0x3F99] =	sst s1;
	(tag) =	ssettag s2;
	_ =	strace s9  }
0x27: {  	s1 =	sld [smem:$0x3FA9]  }
0x28: {  	s2 =	sld [smem:$0x3FAA]  }
0x29: {  	s4 =	sld [smem:$0x3FAC]  }
0x2a: {  	p0 =	seq.s32 s5, $0x0;
	s5 =	sld [smem:$0x3FAD]  }
0x2b: {  	s6 =	sld [smem:$0x3FAE]  }
0x2c: {  	s7 =	sld [smem:$0x3FAF]  }
0x2d: {  	s3 =	simm.s32 $0x108;
	s8 =	sld [smem:$0x3FB0]  }
0x2e: {  	s3 =	simm.s32 @!p0 $0x1082;
	s9 =	sld [smem:$0x3FB1]  }
0x2f: {  	lr =	sadd.s32 s0, s3;
	s0 =	sld [smem:$0x3FA8]  }
0x30: {  	s3 =	sld [smem:$0x3FAB]  }
0x31: {  	[smem:$0x3FB4] =	sst s10  }
0x32: {  	s10 =	sld [smem:$0x3FB2];
	_ =	sdelay $0x3  }
0x33: {  	p0 =	seq.s32 s10, $0x1;
	s10 =	sld [smem:$0x3FB4];
	_ =	sdelay $0x3  }
0x34: {  	[smem:$0x3FB4] =	sst s10  }
0x35: {  	s10 =	sld [smem:$0x3FB3];
	_ =	sdelay $0x3  }
0x36: {  	p1 =	seq.s32 s10, $0x1;
	s10 =	sld [smem:$0x3FB4];
	_ =	sdelay $0x3  }
0x37: {  	[smem:$0x3FB4] =	sst s10  }
0x38: {  	s10 =	sld [smem:$0x3FB5]  }
0x39: {  	_ = 	snop;
	(pc) =	sbr.ind lr, $3  }
0x3a: {  	_ = 	snop  }
0x3b: {  	_ = 	snop  }
0x3c: {  	p2 =	seq.s32 s10, $0x1;
	s10 =	sld [smem:$0x3FB4]  }
0x3d: {  	_ =	shalt  }
0x3e: {  	_ =	shalt  }
0x3f: {  	_ =	shalt  }
0x40: {  	_ =	shalt  }
0x41: {  	_ =	shalt  }
0x42: {  	_ =	shalt  }
0x43: {  	_ =	shalt  }
0x44: {  	_ =	shalt  }
0x45: {  	_ =	shalt  }
0x46: {  	_ =	shalt  }
0x47: {  	_ =	shalt  }
0x48: {  	_ =	shalt  }
0x49: {  	_ =	shalt  }
0x4a: {  	_ =	shalt  }
0x4b: {  	_ =	shalt  }
0x4c: {  	_ =	shalt  }
0x4d: {  	_ =	shalt  }
0x4e: {  	_ =	shalt  }
0x4f: {  	_ =	shalt  }
0x50: {  	_ =	shalt  }
0x51: {  	_ =	shalt  }
0x52: {  	_ =	shalt  }
0x53: {  	_ =	shalt  }
0x54: {  	_ =	shalt  }
0x55: {  	_ =	shalt  }
0x56: {  	_ =	shalt  }
0x57: {  	_ =	shalt  }
0x58: {  	_ =	shalt  }
0x59: {  	_ =	shalt  }
0x5a: {  	_ =	shalt  }
0x5b: {  	_ =	shalt  }
0x5c: {  	_ =	shalt  }
0x5d: {  	_ =	shalt  }
0x5e: {  	_ =	shalt  }
0x5f: {  	_ =	shalt  }
0x60: {  	_ =	shalt  }
0x61: {  	_ =	shalt  }
0x62: {  	_ =	shalt  }
0x63: {  	_ =	shalt  }
0x64: {  	_ =	shalt  }
0x65: {  	_ =	shalt  }
0x66: {  	_ =	shalt  }
0x67: {  	_ =	shalt  }
0x68: {  	_ =	shalt  }
0x69: {  	_ =	shalt  }
0x6a: {  	_ =	shalt  }
0x6b: {  	_ =	shalt  }
0x6c: {  	_ =	shalt  }
0x6d: {  	_ =	shalt  }
0x6e: {  	_ =	shalt  }
0x6f: {  	_ =	shalt  }
0x70: {  	_ =	shalt  }
0x71: {  	_ =	shalt  }
0x72: {  	_ =	shalt  }
0x73: {  	_ =	shalt  }
0x74: {  	_ =	shalt  }
0x75: {  	_ =	shalt  }
0x76: {  	_ =	shalt  }
0x77: {  	_ =	shalt  }
0x78: {  	_ =	shalt  }
0x79: {  	_ =	shalt  }
0x7a: {  	_ =	shalt  }
0x7b: {  	_ =	shalt  }
0x7c: {  	_ =	shalt  }
0x7d: {  	_ =	shalt  }
0x7e: {  	_ =	shalt  }
0x7f: {  	_ =	shalt  }
0x80: {  	_ =	shalt  }
0x81: {  	_ =	shalt  }
0x82: {  	_ =	shalt  }
0x83: {  	_ =	shalt  }
0x84: {  	_ =	shalt  }
0x85: {  	_ =	shalt  }
0x86: {  	_ =	shalt  }
0x87: {  	_ =	shalt  }
.Lfunc_end0:
.L_simem_size_0:
called_computation_lowered:
.L_overlay_start_0:
0x88: {  	s2 =	sld [smem:$0x3FD9]  }
0x89: {  	s3 =	sld [smem:$0x3FFE];
	_ =	sdelay $0x1  }
0x8a: {  	s1 =	srdreg.scid  }
0x8b: {  	s0 =	sand.u32 $0x1, s1  }
0x8c: {  	s17 =	sshll.u32 s0, $0xA;
	s2 =	sadd.s32 s3, s2  }
0x8d: {  	s2 =	sadd.s32 s2, s17  }
0x8e: {  	[smem:$0x3FC0] =	sst s2  }
0x8f: {  	_ = 	snop  }
0x90: {  	s2 =	sld [smem:$0x3FC9]  }
0x91: {  	s18 =	sld [smem:$0x3FD0];
	(tm) =	ssettm $0x1  }
0x92: {  	s4 =	sld [smem:$0x3FFB];
	_ =	sdelay $0x3  }
0x93: {  	_ =	strace s4  }
0x94: {  	s4 =	sld [smem:$0x3FFC];
	_ =	sdelay $0x3  }
0x95: {  	_ =	strace s4  }
0x96: {  	s4 =	sld [smem:$0x3FFD];
	_ =	sdelay $0x3  }
0x97: {  	_ =	strace s4  }
0x98: {  	_ =	strace $0x8FFFFFFF  }
0x99: {  	s19 =	sld [smem:$0x3FDB];
	_ =	sdelay $0x1  }
0x9a: {  	s5 =	simm.s32 $_scs_section_size  }
0x9b: {  	s6 =	simm.s32 $_size__tile_overlayer_lowered;
	s7 =	simm.s32 $_tile_overlayer_lowered  }
0x9c: {  	s22 =	simm.s32 $0x1BFF;
	s21 =	sshll.u32 s7, $0x1;
	s4 =	sadd.s32 s5, s19  }
0x9d: {  	s8 =	simm.s32 $0x0;
	s20 =	sshll.u32 s6, $0x1;
	s6 =	sadd.s32 s21, s4  }
0x9e: {  	[timem:s8], [sflag:s22] =	dma.local [hbm:s6], s20  }
0x9f: {  	_ =	swait.ge [sflag:s22], s20  }
0xa0: {  	s5 =	ssub.s32 $0x0, s20;
	[sflag:s22] =	ssyncset.done $0x0  }
0xa1: {  	[sflag:s22] =	ssyncadd.s32 s5;
	_ =	sdelay $0x1  }
0xa2: {  	s23 =	simm.s32 $0x1B8B  }
0xa3: {  	_ =	swait.ge [sflag:s23], $0x1  }
0xa4: {  	[sflag:s23] =	ssyncset.done $0x0  }
0xa5: {  	s25 =	simm.s32 $0x1B8E;
	s24 =	sld [smem:$0x3FFE];
	[sflag:s23] =	ssyncadd.s32 $0xFFFFFFFF  }
0xa6: {  	s26 =	simm.s32 $execute0_lowered;
	[smem:$0x3FD2] =	sst s25  }
0xa7: {  	s6 =	sshll.u32 s26, $0x1;
	_ =	strace $0x80000046;
	[dreg:$0x1] =	wrdreg $0xFFFFFFFF  }
0xa8: {  	s28 =	simm.s32 $_size_execute0_lowered;
	s4 =	sadd.s32 s4, s6;
	[dreg:$0x0] =	wrdreg $0x0  }
0xa9: {  	s6 =	sshll.u32 s28, $0x1;
	[dreg:$0x2] =	wrdreg s4  }
0xaa: {  	[dreg:$0x3] =	wrdreg s6  }
0xab: {  	[dreg:$0x4] =	wrdreg $0xC0  }
0xac: {  	_ =	task [dreg:s8], $0x5FFFF  }
0xad: {  	[dreg:$0x1] =	wrdreg $0xFFFFFFFF  }
0xae: {  	[dreg:$0x0] =	wrdreg $0x60  }
0xaf: {  	[dreg:$0x2] =	wrdreg s24  }
0xb0: {  	[dreg:$0x3] =	wrdreg s2  }
0xb1: {  	[dreg:$0x4] =	wrdreg s18  }
0xb2: {  	[dreg:$0x5] =	wrdreg $0x93000  }
0xb3: {  	[dreg:$0x6] =	wrdreg $0x1D3000  }
0xb4: {  	[dreg:$0x7] =	wrdreg $0x9  }
0xb5: {  	_ =	task.clear_ibuf [dreg:s8], $0x8FFFF;
	_ =	strace $0x90000046  }
0xb6: {  	s29 =	simm.s32 $0x9;
	_ =	strace $0x80000048  }
0xb7: {  	_ =	swait.ge [sflag:s29], $0x1  }
0xb8: {  	[sflag:s29] =	ssyncadd.s32 $0xFFFFFFFF  }
0xb9: {  	_ =	strace $0x90000048  }
0xba: {  	_ =	sfence  }
0xbb: {  	s30 =	sld [smem:$0x0];
	_ =	sdelay $0x2  }
0xbc: {  	s31 =	sshll.u32 s1, $0xD;
	s1 =	sshrl.u32 s1, $0x2  }
0xbd: {  	s3 =	sand.u32 $0x4000, s31;
	s1 =	sadd.s32 s1, s30  }
0xbe: {  	s0 =	sor.u32 s3, s0;
	s1 =	sshll.u32 s1, $0x11  }
0xbf: {  	s0 =	sor.u32 s1, s0  }
0xc0: {  	s0 =	sadd.s32 $0x8F2B, s0  }
0xc1: {  	[sflag:s0] =	ssyncadd.remote.s32 $0x1  }
0xc2: {  	_ =	sfence.sel $0xFFFF  }
0xc3: {  	[dreg:$0x0] =	wrdreg $0xFFFFFFFF;
	(pc) =	sbr.abs _section_cstart, $3  }
0xc4: {  	[dreg:$0x1] =	wrdreg $0xFFFFFFFF  }
0xc5: {  	_ =	task.clear_ibuf [dreg:s8], $0x2FFFF;
	_ =	strace $0x9FFFFFFF  }
0xc6: {  	(tm) =	ssettm $0x7FFFFFFF  }
0xc7: {  	_ =	shalt  }
tec
execute0_lowered:
.L_overlay_start_1:
0x0: {  	(tag) =	ssettag $0x1  }
0x1: {  	s0 =	rddreg [dreg:$0x0]  }
0x2: {  	s1 =	rddreg [dreg:$0x1];
	s13 =	stileid.u32  }
0x3: {  	s4 =	rddreg [dreg:$0x2];
	s8 =	smul.u32 $0x14000, s13  }
0x4: {  	s2 =	rddreg [dreg:$0x3];
	s11 =	smul.u32 $0x50000, s13  }
0x5: {  	s5 =	srdreg.scid;
	s12 =	smul.u32 $0x280, s13  }
0x6: {  	s6 =	sand.u32 $0x1, s5;
	s9 =	sshll.u32 s13, $0x1;
	s13 =	smul.u32 $0xA000, s13  }
0x7: {  	s3 =	rddreg [dreg:$0x4];
	s5 =	simm.s32 $0x0;
	s7 =	smul.u32 $0x140000, s6  }
0x8: {  	[smem:$0x7FF] =	sst s5;
	s26 =	smul.u32 $0x2800, s6  }
0x9: {  	s9 =	sor.u32 s6, s9;
	s24 =	ssub.s32 $0x2, s6;
	s6 =	smul.u32 $0x5000, s6  }
0xa: {  	s10 =	sadd.s32 $0x2200, s0;
	_ =	strace $0x80000047;
	s23 =	smul.u32 $0x5000, s9  }
0xb: {  	s25 =	sshrl.u32 s24, $0x1;
	s11 =	sshrl.u32 s11, $0x2;
	s7 =	sadd.s32 s8, s7  }
0xc: {  	s14 =	sadd.s32 s12, s26;
	s17 =	sadd.s32 s6, s13;
	s6 =	simm.s32 $0x100  }
0xd: {  	s7 =	sshrl.u32 s7, $0x3;
	s8 =	sshrl.u32 s23, $0x3;
	s15 =	sshrl.u32 s14, $0x3  }
0xe: {  	[dreg:$0x8] =	wrdreg s6;
	s14 =	simm.s32 $0x600;
	s0 =	sadd.s32 s7, s0  }
0xf: {  	s7 =	ssub.s32 s24, s25;
	s8 =	sadd.s32 s10, s8;
	[dreg:$0xc] =	wrdreg s14  }
0x10: {  	s25 =	sadd.s32 s12, s3;
	s12 =	simm.s32 $0x500;
	[dreg:$0xe] =	wrdreg s8  }
0x11: {  	s24 =	sadd.s32 s11, s2;
	[dreg:$0xb] =	wrdreg s12  }
0x12: {  	[dreg:$0xf] =	wrdreg s24  }
0x13: {  	s0 =	sadd.s32 $0x16200, s0;
	[dreg:$0x10] =	wrdreg s25  }
0x14: {  	s16 =	smax.u32 s7, $0x1;
	[dreg:$0x11] =	wrdreg s0  }
0x15: {  	s18 =	sadd.s32 $0x800, s24;
	[dreg:$0x13] =	wrdreg s16  }
0x16: {  	s19 =	sadd.s32 $0x1000, s24;
	[dreg:$0x14] =	wrdreg s18  }
0x17: {  	s21 =	sadd.s32 $0x1800, s24;
	[dreg:$0x15] =	wrdreg s19  }
0x18: {  	s22 =	sadd.s32 $0x2000, s24;
	[dreg:$0x16] =	wrdreg s21  }
0x19: {  	s23 =	sadd.s32 $0x2800, s24;
	[dreg:$0x17] =	wrdreg s22  }
0x1a: {  	s26 =	sadd.s32 $0x3000, s24;
	[dreg:$0x18] =	wrdreg s23  }
0x1b: {  	s7 =	sadd.s32 $0x3800, s24;
	[dreg:$0x19] =	wrdreg s26  }
0x1c: {  	s9 =	sadd.s32 $0x4000, s24;
	[dreg:$0x1a] =	wrdreg s7  }
0x1d: {  	s8 =	simm.s32 $0x200;
	[dreg:$0x1b] =	wrdreg s9  }
0x1e: {  	s11 =	sadd.s32 $0x4800, s24;
	[dreg:$0x9] =	wrdreg s8  }
0x1f: {  	s13 =	sadd.s32 $0x5000, s24;
	[dreg:$0x1c] =	wrdreg s11  }
0x20: {  	s6 =	sadd.s32 $0xA800, s24;
	[dreg:$0x1d] =	wrdreg s13  }
0x21: {  	s12 =	sadd.s32 $0xD800, s24;
	[smem:$0x7EB] =	sst s6  }
0x22: {  	s14 =	sadd.s32 $0xE800, s24;
	[smem:$0x7F1] =	sst s12  }
0x23: {  	s0 =	sadd.s32 s4, s15;
	[smem:$0x7F3] =	sst s14  }
0x24: {  	s15 =	sadd.s32 $0x5800, s24;
	[dreg:$0x12] =	wrdreg s0  }
0x25: {  	s18 =	sadd.s32 $0x6800, s24;
	[dreg:$0x1e] =	wrdreg s15  }
0x26: {  	s16 =	simm.s32 $0x700;
	[smem:$0x7E3] =	sst s18  }
0x27: {  	s20 =	sor.u32 $0x800, s17;
	s19 =	sadd.s32 $0x7000, s24;
	[dreg:$0xd] =	wrdreg s16  }
0x28: {  	s4 =	sshrl.u32 s20, $0x3;
	s20 =	sadd.s32 $0x7800, s24;
	[smem:$0x7E4] =	sst s19  }
0x29: {  	s21 =	sadd.s32 $0x8000, s24;
	[smem:$0x7E5] =	sst s20  }
0x2a: {  	s22 =	sadd.s32 $0x8800, s24;
	[smem:$0x7E6] =	sst s21  }
0x2b: {  	s23 =	sadd.s32 $0x9000, s24;
	[smem:$0x7E7] =	sst s22  }
0x2c: {  	s26 =	sadd.s32 $0x9800, s24;
	[smem:$0x7E8] =	sst s23  }
0x2d: {  	s7 =	sadd.s32 $0xB000, s24;
	[smem:$0x7E9] =	sst s26  }
0x2e: {  	s28 =	simm.s32 $0x80;
	s8 =	sadd.s32 $0xB800, s24;
	[smem:$0x7EC] =	sst s7  }
0x2f: {  	s29 =	simm.s32 $0x800;
	s9 =	sadd.s32 $0xC000, s24;
	[smem:$0x7ED] =	sst s8  }
0x30: {  	s30 =	simm.s32 $0x8880;
	s11 =	sadd.s32 $0xD000, s24;
	[smem:$0x7EE] =	sst s9  }
0x31: {  	s31 =	simm.s32 $0xA;
	s13 =	sadd.s32 $0xE000, s24;
	[smem:$0x7F0] =	sst s11  }
0x32: {  	s6 =	simm.s32 $0x4800;
	s4 =	sadd.s32 s4, s10;
	[smem:$0x7F2] =	sst s13  }
0x33: {  	s0 =	sor.u32 $0x400, s17;
	s17 =	sadd.s32 $0x6000, s24;
	[dreg:$0x6] =	wrdreg s4  }
0x34: {  	s12 =	simm.s32 $0x8;
	s15 =	sadd.s32 $0xF000, s24;
	[dreg:$0x1f] =	wrdreg s17  }
0x35: {  	s14 =	simm.s32 $0x180;
	s16 =	sadd.s32 $0xF800, s24;
	[smem:$0x7F4] =	sst s15  }
0x36: {  	s18 =	sadd.s32 $0x10800, s24;
	s19 =	sadd.s32 $0x11000, s24;
	[smem:$0x7F5] =	sst s16  }
0x37: {  	s20 =	sadd.s32 $0x11800, s24;
	s21 =	sadd.s32 $0x12000, s24;
	[smem:$0x7F7] =	sst s18  }
0x38: {  	s22 =	sadd.s32 $0x12800, s24;
	s23 =	sadd.s32 $0x13000, s24;
	[smem:$0x7F8] =	sst s19  }
0x39: {  	s26 =	sadd.s32 $0x13800, s24;
	s9 =	simm.s32 $0x3;
	[smem:$0x7F9] =	sst s20  }
0x3a: {  	s11 =	simm.s32 $0x5;
	s13 =	simm.s32 $0x4;
	[smem:$0x7FA] =	sst s21  }
0x3b: {  	s8 =	simm.s32 $0x0;
	s0 =	sshrl.u32 s0, $0x3;
	[smem:$0x7FB] =	sst s22  }
0x3c: {  	s4 =	sadd.s32 $0xA000, s24;
	s17 =	sadd.s32 $0x10000, s24;
	[smem:$0x7FC] =	sst s23  }
0x3d: {  	[smem:$0x7FD] =	sst s26;
	s15 =	simm.s32 $0x6;
	s16 =	simm.s32 $0x9  }
0x3e: {  	s18 =	simm.s32 $0x2;
	s19 =	simm.s32 $0x380;
	s20 =	simm.s32 $0x480  }
0x3f: {  	s21 =	simm.s32 $0x580;
	s22 =	simm.s32 $0x680;
	[smem:$0x7EA] =	sst s4  }
0x40: {  	s23 =	simm.s32 $0x780;
	s0 =	sadd.s32 s0, s10;
	[smem:$0x7F6] =	sst s17  }
0x41: {  	s10 =	simm.s32 $0x300;
	s4 =	simm.s32 $0x400;
	[dreg:$0x7] =	wrdreg s0  }
0x42: {  	s17 =	simm.s32 $0x280;
	[dreg:$0xa] =	wrdreg s10;
	s10 =	sadd.s32 $0xC800, s24  }
0x43: {  	v0 =	vimm.f32 $0.0e+00;
	v1 =	vimm.f32 $1.000000000e+00;
	s0 =	simm.s32 $0x7;
	[smem:$0x7EF] =	sst s10;
	s10 =	simm.s32 $0x8800  }
.LBB2_1:
0x44: {  	[smem:$0x7E2] =	sst s8  }
0x45: {  	s7 =	rddreg [dreg:$0xe];
	s26 =	simm.s32 $0x1  }
0x46: {  	[tilespmem:s5], [sflag:$0x1] =	stream.linear.gather [hbm4b:s7+s5], $0x400, $0x38;
	[tilespmem:$0x1D580] =	vst v63  }
0x47: {  	_ =	swait.ge [sflag:s26], $0x400  }
0x48: {  	[sflag:s26] =	ssyncset.done $0x0  }
0x49: {  	s8 =	simm.s32 $0x200;
	s7 =	simm.s32 $0x0;
	[sflag:s26] =	ssyncadd.s32 $0xFFFFFC00  }
0x4a: {  	[tilespmem:s29], [sflag:$0x3] =	stream.indirect.gather [hbm4b:s1+s28], $0x80, s5, s28, $0xb8;
	[tilespmem:$0x1D580] =	vst v63  }
.LBB2_2:
0x4b: {  	p0 =	sne.s32 s8, $0x1E00;
	[tilespmem:s7+$0x88F0] =	vst v0  }
0x4c: {  	[tilespmem:s7+$0x8880] =	vst v0  }
0x4d: {  	[tilespmem:s7+$0x8890] =	vst v0  }
.Ltmp0:
0x4e: {  	[tilespmem:s7+$0x88A0] =	vst v0;
	(pc) =	sbr.rel @p0 .LBB2_2-.Ltmp0, $4  }
0x4f: {  	[tilespmem:s7+$0x88B0] =	vst v0  }
0x50: {  	[tilespmem:s7+$0x88C0] =	vst v0  }
0x51: {  	[tilespmem:s7+$0x88D0] =	vst v0  }
0x52: {  	[tilespmem:s7+$0x88E0] =	vst v0;
	s7 =	sshra.s32 s8, $0x2;
	s8 =	sadd.s32 $0x200, s8  }
0x53: {  	[tilespmem:s7+$0x88F0] =	vst v0  }
0x54: {  	[tilespmem:s7+$0x8880] =	vst v0  }
0x55: {  	[tilespmem:s7+$0x8890] =	vst v0  }
0x56: {  	[tilespmem:s7+$0x88A0] =	vst v0  }
0x57: {  	[tilespmem:s7+$0x88B0] =	vst v0  }
0x58: {  	[tilespmem:s7+$0x88C0] =	vst v0  }
0x59: {  	[tilespmem:s7+$0x88D0] =	vst v0  }
0x5a: {  	[tilespmem:s7+$0x88E0] =	vst v0;
	s26 =	rddreg [dreg:$0x14]  }
0x5b: {  	[spmem:s24] =	stream.linear.scatter [tilespmem:s30], [sflag:$0x7], $0x800, $0x38;
	[tilespmem:$0x1D580] =	vst v63  }
0x5c: {  	s8 =	rddreg [dreg:$0x15]  }
0x5d: {  	[spmem:s26] =	stream.linear.scatter [tilespmem:s30], [sflag:$0x7], $0x800, $0x38;
	[tilespmem:$0x1D580] =	vst v63  }
0x5e: {  	s24 =	rddreg [dreg:$0x16]  }
0x5f: {  	[spmem:s8] =	stream.linear.scatter [tilespmem:s30], [sflag:$0x7], $0x800, $0x38;
	[tilespmem:$0x1D580] =	vst v63  }
0x60: {  	s26 =	rddreg [dreg:$0x17]  }
0x61: {  	[spmem:s24] =	stream.linear.scatter [tilespmem:s30], [sflag:$0x7], $0x800, $0x38;
	[tilespmem:$0x1D580] =	vst v63  }
0x62: {  	s8 =	rddreg [dreg:$0x18]  }
0x63: {  	[spmem:s26] =	stream.linear.scatter [tilespmem:s30], [sflag:$0x7], $0x800, $0x38;
	[tilespmem:$0x1D580] =	vst v63  }
0x64: {  	s24 =	rddreg [dreg:$0x19]  }
0x65: {  	[spmem:s8] =	stream.linear.scatter [tilespmem:s30], [sflag:$0x7], $0x800, $0x38;
	[tilespmem:$0x1D580] =	vst v63  }
0x66: {  	s26 =	rddreg [dreg:$0x1a]  }
0x67: {  	[spmem:s24] =	stream.linear.scatter [tilespmem:s30], [sflag:$0x7], $0x800, $0x38;
	[tilespmem:$0x1D580] =	vst v63  }
0x68: {  	s8 =	rddreg [dreg:$0x1b]  }
0x69: {  	[spmem:s26] =	stream.linear.scatter [tilespmem:s30], [sflag:$0x7], $0x800, $0x38;
	[tilespmem:$0x1D580] =	vst v63  }
0x6a: {  	s24 =	rddreg [dreg:$0x1c]  }
0x6b: {  	[spmem:s8] =	stream.linear.scatter [tilespmem:s30], [sflag:$0x7], $0x800, $0x38;
	[tilespmem:$0x1D580] =	vst v63  }
0x6c: {  	s26 =	rddreg [dreg:$0x1d]  }
0x6d: {  	[spmem:s24] =	stream.linear.scatter [tilespmem:s30], [sflag:$0x7], $0x800, $0x38;
	[tilespmem:$0x1D580] =	vst v63  }
0x6e: {  	s8 =	rddreg [dreg:$0x1e]  }
0x6f: {  	[spmem:s26] =	stream.linear.scatter [tilespmem:s30], [sflag:$0x7], $0x800, $0x38;
	[tilespmem:$0x1D580] =	vst v63  }
0x70: {  	s24 =	rddreg [dreg:$0x1f]  }
0x71: {  	[spmem:s8] =	stream.linear.scatter [tilespmem:s30], [sflag:$0x7], $0x800, $0x38;
	[tilespmem:$0x1D580] =	vst v63  }
0x72: {  	s26 =	sld [smem:$0x7E3]  }
0x73: {  	[spmem:s24] =	stream.linear.scatter [tilespmem:s30], [sflag:$0x7], $0x800, $0x38;
	[tilespmem:$0x1D580] =	vst v63  }
0x74: {  	s8 =	sld [smem:$0x7E4]  }
0x75: {  	[spmem:s26] =	stream.linear.scatter [tilespmem:s30], [sflag:$0x7], $0x800, $0x38;
	[tilespmem:$0x1D580] =	vst v63  }
0x76: {  	s24 =	sld [smem:$0x7E5]  }
0x77: {  	[spmem:s8] =	stream.linear.scatter [tilespmem:s30], [sflag:$0x7], $0x800, $0x38;
	[tilespmem:$0x1D580] =	vst v63  }
0x78: {  	s26 =	sld [smem:$0x7E6]  }
0x79: {  	[spmem:s24] =	stream.linear.scatter [tilespmem:s30], [sflag:$0x7], $0x800, $0x38;
	[tilespmem:$0x1D580] =	vst v63  }
0x7a: {  	s8 =	sld [smem:$0x7E7]  }
0x7b: {  	[spmem:s26] =	stream.linear.scatter [tilespmem:s30], [sflag:$0x7], $0x800, $0x38;
	[tilespmem:$0x1D580] =	vst v63  }
0x7c: {  	s24 =	sld [smem:$0x7E8]  }
0x7d: {  	[spmem:s8] =	stream.linear.scatter [tilespmem:s30], [sflag:$0x7], $0x800, $0x38;
	[tilespmem:$0x1D580] =	vst v63  }
0x7e: {  	s26 =	sld [smem:$0x7E9]  }
0x7f: {  	[spmem:s24] =	stream.linear.scatter [tilespmem:s30], [sflag:$0x7], $0x800, $0x38;
	[tilespmem:$0x1D580] =	vst v63  }
0x80: {  	s8 =	sld [smem:$0x7EA]  }
0x81: {  	[spmem:s26] =	stream.linear.scatter [tilespmem:s30], [sflag:$0x7], $0x800, $0x38;
	[tilespmem:$0x1D580] =	vst v63  }
0x82: {  	s24 =	sld [smem:$0x7EB]  }
0x83: {  	[spmem:s8] =	stream.linear.scatter [tilespmem:s30], [sflag:$0x7], $0x800, $0x38;
	[tilespmem:$0x1D580] =	vst v63  }
0x84: {  	s26 =	sld [smem:$0x7EC]  }
0x85: {  	[spmem:s24] =	stream.linear.scatter [tilespmem:s30], [sflag:$0x7], $0x800, $0x38;
	[tilespmem:$0x1D580] =	vst v63  }
0x86: {  	s8 =	sld [smem:$0x7ED]  }
0x87: {  	[spmem:s26] =	stream.linear.scatter [tilespmem:s30], [sflag:$0x7], $0x800, $0x38;
	[tilespmem:$0x1D580] =	vst v63  }
0x88: {  	s24 =	sld [smem:$0x7EE]  }
0x89: {  	[spmem:s8] =	stream.linear.scatter [tilespmem:s30], [sflag:$0x7], $0x800, $0x38;
	[tilespmem:$0x1D580] =	vst v63  }
0x8a: {  	s26 =	sld [smem:$0x7EF]  }
0x8b: {  	[spmem:s24] =	stream.linear.scatter [tilespmem:s30], [sflag:$0x7], $0x800, $0x38;
	[tilespmem:$0x1D580] =	vst v63  }
0x8c: {  	s8 =	sld [smem:$0x7F0]  }
0x8d: {  	[spmem:s26] =	stream.linear.scatter [tilespmem:s30], [sflag:$0x7], $0x800, $0x38;
	[tilespmem:$0x1D580] =	vst v63  }
0x8e: {  	s24 =	sld [smem:$0x7F1]  }
0x8f: {  	[spmem:s8] =	stream.linear.scatter [tilespmem:s30], [sflag:$0x7], $0x800, $0x38;
	[tilespmem:$0x1D580] =	vst v63  }
0x90: {  	s26 =	sld [smem:$0x7F2]  }
0x91: {  	[spmem:s24] =	stream.linear.scatter [tilespmem:s30], [sflag:$0x7], $0x800, $0x38;
	[tilespmem:$0x1D580] =	vst v63  }
0x92: {  	s8 =	sld [smem:$0x7F3]  }
0x93: {  	[spmem:s26] =	stream.linear.scatter [tilespmem:s30], [sflag:$0x7], $0x800, $0x38;
	[tilespmem:$0x1D580] =	vst v63  }
0x94: {  	s24 =	sld [smem:$0x7F4]  }
0x95: {  	[spmem:s8] =	stream.linear.scatter [tilespmem:s30], [sflag:$0x7], $0x800, $0x38;
	[tilespmem:$0x1D580] =	vst v63  }
0x96: {  	s26 =	sld [smem:$0x7F5]  }
0x97: {  	[spmem:s24] =	stream.linear.scatter [tilespmem:s30], [sflag:$0x7], $0x800, $0x38;
	[tilespmem:$0x1D580] =	vst v63  }
0x98: {  	s8 =	sld [smem:$0x7F6]  }
0x99: {  	[spmem:s26] =	stream.linear.scatter [tilespmem:s30], [sflag:$0x7], $0x800, $0x38;
	[tilespmem:$0x1D580] =	vst v63  }
0x9a: {  	s24 =	sld [smem:$0x7F7]  }
0x9b: {  	[spmem:s8] =	stream.linear.scatter [tilespmem:s30], [sflag:$0x7], $0x800, $0x38;
	[tilespmem:$0x1D580] =	vst v63  }
0x9c: {  	s26 =	sld [smem:$0x7F8]  }
0x9d: {  	[spmem:s24] =	stream.linear.scatter [tilespmem:s30], [sflag:$0x7], $0x800, $0x38;
	[tilespmem:$0x1D580] =	vst v63  }
0x9e: {  	s8 =	sld [smem:$0x7F9]  }
0x9f: {  	[spmem:s26] =	stream.linear.scatter [tilespmem:s30], [sflag:$0x7], $0x800, $0x38;
	[tilespmem:$0x1D580] =	vst v63  }
0xa0: {  	s24 =	sld [smem:$0x7FA]  }
0xa1: {  	[spmem:s8] =	stream.linear.scatter [tilespmem:s30], [sflag:$0x7], $0x800, $0x38;
	[tilespmem:$0x1D580] =	vst v63  }
0xa2: {  	s26 =	sld [smem:$0x7FB]  }
0xa3: {  	[spmem:s24] =	stream.linear.scatter [tilespmem:s30], [sflag:$0x7], $0x800, $0x38;
	[tilespmem:$0x1D580] =	vst v63  }
0xa4: {  	s8 =	sld [smem:$0x7FC]  }
0xa5: {  	[spmem:s26] =	stream.linear.scatter [tilespmem:s30], [sflag:$0x7], $0x800, $0x38;
	[tilespmem:$0x1D580] =	vst v63  }
0xa6: {  	s24 =	sld [smem:$0x7FD]  }
0xa7: {  	[spmem:s8] =	stream.linear.scatter [tilespmem:s30], [sflag:$0x7], $0x800, $0x38;
	[tilespmem:$0x1D580] =	vst v63  }
0xa8: {  	_ = 	snop  }
0xa9: {  	[spmem:s24] =	stream.linear.scatter [tilespmem:s30], [sflag:$0x7], $0x800, $0x38;
	[tilespmem:$0x1D580] =	vst v63  }
0xaa: {  	[tilespmem:$0x8800] =	vst v1  }
0xab: {  	[tilespmem:$0x8810] =	vst v1  }
0xac: {  	[tilespmem:$0x8820] =	vst v1  }
0xad: {  	[tilespmem:$0x8830] =	vst v1  }
0xae: {  	[tilespmem:$0x8840] =	vst v1  }
0xaf: {  	[tilespmem:$0x8850] =	vst v1  }
0xb0: {  	[tilespmem:$0x8860] =	vst v1  }
0xb1: {  	[tilespmem:$0x8870] =	vst v1  }
0xb2: {  	[tilespmem:$0x9080] =	vst v0  }
0xb3: {  	[tilespmem:$0x9090] =	vst v0  }
0xb4: {  	[tilespmem:$0x90A0] =	vst v0  }
0xb5: {  	[tilespmem:$0x90B0] =	vst v0  }
0xb6: {  	[tilespmem:$0x90C0] =	vst v0  }
0xb7: {  	[tilespmem:$0x90D0] =	vst v0  }
0xb8: {  	[tilespmem:$0x90E0] =	vst v0  }
0xb9: {  	[tilespmem:$0x90F0] =	vst v0  }
0xba: {  	[tilespmem:$0x9100] =	vst v0  }
0xbb: {  	[tilespmem:$0x9110] =	vst v0  }
0xbc: {  	[tilespmem:$0x9120] =	vst v0  }
0xbd: {  	[tilespmem:$0x9130] =	vst v0  }
0xbe: {  	[tilespmem:$0x9140] =	vst v0  }
0xbf: {  	[tilespmem:$0x9150] =	vst v0  }
0xc0: {  	[tilespmem:$0x9160] =	vst v0  }
0xc1: {  	[tilespmem:$0x9170] =	vst v0  }
0xc2: {  	[tilespmem:$0x9180] =	vst v0  }
0xc3: {  	[tilespmem:$0x9190] =	vst v0  }
0xc4: {  	[tilespmem:$0x91A0] =	vst v0  }
0xc5: {  	[tilespmem:$0x91B0] =	vst v0  }
0xc6: {  	[tilespmem:$0x91C0] =	vst v0  }
0xc7: {  	[tilespmem:$0x91D0] =	vst v0  }
0xc8: {  	[tilespmem:$0x91E0] =	vst v0  }
0xc9: {  	[tilespmem:$0x91F0] =	vst v0  }
0xca: {  	[tilespmem:$0x9200] =	vst v0  }
0xcb: {  	[tilespmem:$0x9210] =	vst v0  }
0xcc: {  	[tilespmem:$0x9220] =	vst v0  }
0xcd: {  	[tilespmem:$0x9230] =	vst v0  }
0xce: {  	[tilespmem:$0x9240] =	vst v0  }
0xcf: {  	[tilespmem:$0x9250] =	vst v0  }
0xd0: {  	[tilespmem:$0x9260] =	vst v0  }
0xd1: {  	[tilespmem:$0x9270] =	vst v0  }
0xd2: {  	[tilespmem:$0x9280] =	vst v0  }
0xd3: {  	[tilespmem:$0x9290] =	vst v0  }
0xd4: {  	[tilespmem:$0x92A0] =	vst v0  }
0xd5: {  	[tilespmem:$0x92B0] =	vst v0  }
0xd6: {  	[tilespmem:$0x92C0] =	vst v0  }
0xd7: {  	[tilespmem:$0x92D0] =	vst v0  }
0xd8: {  	[tilespmem:$0x92E0] =	vst v0  }
0xd9: {  	s26 =	simm.s32 $0x9080;
	[tilespmem:$0x92F0] =	vst v0  }
0xda: {  	[spmem:s25] =	stream.linear.scatter [tilespmem:s26], [sflag:$0xA], $0x280, $0x38;
	[tilespmem:$0x1D580] =	vst v63  }
0xdb: {  	_ =	swait.ge [sflag:s31], $0x280  }
0xdc: {  	[sflag:s31] =	ssyncset.done $0x0  }
0xdd: {  	[sflag:s31] =	ssyncadd.s32 $0xFFFFFD80  }
0xde: {  	_ =	swait.ge [sflag:s0], $0x800  }
0xdf: {  	s7 =	simm.s32 $0x27;
	[sflag:s0] =	ssyncset.done $0x0  }
.LBB2_4:
0xe0: {  	p0 =	sne.s32 s7, $0x1;
	s7 =	sadd.s32 $0xFFFFFFFF, s7;
	[sflag:s0] =	ssyncadd.s32 $0xFFFFF800  }
.Ltmp1:
0xe1: {  	(pc) =	sbr.rel @p0 .LBB2_4-.Ltmp1, $3  }
0xe2: {  	_ =	sdelay $0x1  }
0xe3: {  	_ =	swait.ge [sflag:s0], $0x800  }
0xe4: {  	[sflag:s0] =	ssyncset.done $0x0  }
0xe5: {  	p0 =	por $0x1, $0x1  }
0xe6: {  	[sflag:s0] =	ssyncadd.s32 $0xFFFFF800;
	p0 =	por p0, p0  }
0xe7: {  	[bflag:$0x0] =	sbarrier.arrive $0xFFFF;
	s7 =	simm.s32 @!p0 $0x6  }
0xe8: {  	_ =	swait.ge @!p0 [sflag:s7], $0x4000  }
0xe9: {  	[sflag:s7] =	ssyncset.done @!p0 $0x0  }
0xea: {  	[sflag:s7] =	ssyncadd.s32 @!p0 $0xFFFFC000;
	s7 =	simm.s32 @!p0 $0x9  }
0xeb: {  	_ =	swait.ge @!p0 [sflag:s7], $0x80  }
0xec: {  	s8 =	rddreg [dreg:$0x7];
	[sflag:s7] =	ssyncset.done @!p0 $0x0  }
0xed: {  	[sflag:s7] =	ssyncadd.s32 @!p0 $0xFFFFFF80;
	s25 =	sadd.s32 $0x0, s8  }
0xee: {  	[tilespmem:s4], [sflag:$0x2] =	stream.linear.gather [hbm4b:s25+s5], $0x400, $0x38;
	[tilespmem:$0x1D580] =	vst v63  }
0xef: {  	s26 =	rddreg [dreg:$0x8]  }
0xf0: {  	[tilespmem:s6], [sflag:$0x4] =	stream.indirect.gather [hbm4b:s1+s28], $0x80, s26, s28, $0xb8;
	[tilespmem:$0x1D580] =	vst v63  }
0xf1: {  	_ =	swait.ge [sflag:s9], $0x4000  }
0xf2: {  	[sflag:s9] =	ssyncset.done $0x0  }
0xf3: {  	[sflag:s9] =	ssyncadd.s32 $0xFFFFC000  }
0xf4: {  	[spmem:s2] =	stream.indirect.scatter.add.f32 [tilespmem:s29], [sflag:$0x5], $0x80, s28, s28, $0xb8;
	[tilespmem:$0x1D580] =	vst v63  }
0xf5: {  	_ = 	snop  }
0xf6: {  	[spmem:s3] =	stream.indirect.scatter.add.f32 [tilespmem:s10], [sflag:$0x8], $0x1, s28, s28, $0xb8;
	[tilespmem:$0x1D580] =	vst v63  }
0xf7: {  	_ =	swait.ge [sflag:s11], $0x4000  }
0xf8: {  	[sflag:s11] =	ssyncset.done $0x0  }
0xf9: {  	[sflag:s11] =	ssyncadd.s32 $0xFFFFC000  }
0xfa: {  	_ =	swait.ge [sflag:s12], $0x80  }
0xfb: {  	[sflag:s12] =	ssyncset.done $0x0  }
0xfc: {  	s31 =	rddreg [dreg:$0x9];
	[sflag:s12] =	ssyncadd.s32 $0xFFFFFF80  }
0xfd: {  	[tilespmem:s29], [sflag:$0x3] =	stream.indirect.gather [hbm4b:s1+s28], $0x80, s31, s28, $0xb8;
	[tilespmem:$0x1D580] =	vst v63  }
0xfe: {  	_ =	swait.ge [sflag:s13], $0x4000  }
0xff: {  	[sflag:s13] =	ssyncset.done $0x0  }
0x100: {  	[sflag:s13] =	ssyncadd.s32 $0xFFFFC000  }
0x101: {  	[spmem:s2] =	stream.indirect.scatter.add.f32 [tilespmem:s6], [sflag:$0x6], $0x80, s14, s28, $0xb8;
	[tilespmem:$0x1D580] =	vst v63  }
0x102: {  	_ = 	snop  }
0x103: {  	[spmem:s3] =	stream.indirect.scatter.add.f32 [tilespmem:s10], [sflag:$0x9], $0x1, s14, s28, $0xb8;
	[tilespmem:$0x1D580] =	vst v63  }
0x104: {  	_ =	swait.ge [sflag:s15], $0x4000  }
0x105: {  	[sflag:s15] =	ssyncset.done $0x0  }
0x106: {  	[sflag:s15] =	ssyncadd.s32 $0xFFFFC000  }
0x107: {  	_ =	swait.ge [sflag:s16], $0x80  }
0x108: {  	[sflag:s16] =	ssyncset.done $0x0  }
0x109: {  	s8 =	rddreg [dreg:$0xa];
	[sflag:s16] =	ssyncadd.s32 $0xFFFFFF80  }
0x10a: {  	[tilespmem:s6], [sflag:$0x4] =	stream.indirect.gather [hbm4b:s1+s28], $0x80, s8, s28, $0xb8;
	[tilespmem:$0x1D580] =	vst v63  }
0x10b: {  	_ =	swait.ge [sflag:s9], $0x4000  }
0x10c: {  	[sflag:s9] =	ssyncset.done $0x0  }
0x10d: {  	[sflag:s9] =	ssyncadd.s32 $0xFFFFC000  }
0x10e: {  	[spmem:s2] =	stream.indirect.scatter.add.f32 [tilespmem:s29], [sflag:$0x5], $0x80, s17, s28, $0xb8;
	[tilespmem:$0x1D580] =	vst v63  }
0x10f: {  	_ = 	snop  }
0x110: {  	[spmem:s3] =	stream.indirect.scatter.add.f32 [tilespmem:s10], [sflag:$0x8], $0x1, s17, s28, $0xb8;
	[tilespmem:$0x1D580] =	vst v63  }
0x111: {  	_ =	swait.ge [sflag:s11], $0x4000  }
0x112: {  	[sflag:s11] =	ssyncset.done $0x0  }
0x113: {  	[sflag:s11] =	ssyncadd.s32 $0xFFFFC000  }
0x114: {  	_ =	swait.ge [sflag:s12], $0x80  }
0x115: {  	[sflag:s12] =	ssyncset.done $0x0  }
0x116: {  	[sflag:s12] =	ssyncadd.s32 $0xFFFFFF80  }
0x117: {  	_ =	swait.ge [sflag:s18], $0x400  }
0x118: {  	[sflag:s18] =	ssyncset.done $0x0  }
0x119: {  	[sflag:s18] =	ssyncadd.s32 $0xFFFFFC00  }
0x11a: {  	[tilespmem:s29], [sflag:$0x3] =	stream.indirect.gather [hbm4b:s1+s28], $0x80, s4, s28, $0xb8;
	[tilespmem:$0x1D580] =	vst v63  }
0x11b: {  	_ =	swait.ge [sflag:s13], $0x4000  }
0x11c: {  	[sflag:s13] =	ssyncset.done $0x0  }
0x11d: {  	[sflag:s13] =	ssyncadd.s32 $0xFFFFC000  }
0x11e: {  	[spmem:s2] =	stream.indirect.scatter.add.f32 [tilespmem:s6], [sflag:$0x6], $0x80, s19, s28, $0xb8;
	[tilespmem:$0x1D580] =	vst v63  }
0x11f: {  	_ = 	snop  }
0x120: {  	[spmem:s3] =	stream.indirect.scatter.add.f32 [tilespmem:s10], [sflag:$0x9], $0x1, s19, s28, $0xb8;
	[tilespmem:$0x1D580] =	vst v63  }
0x121: {  	_ =	swait.ge [sflag:s15], $0x4000  }
0x122: {  	[sflag:s15] =	ssyncset.done $0x0  }
0x123: {  	[sflag:s15] =	ssyncadd.s32 $0xFFFFC000  }
0x124: {  	_ =	swait.ge [sflag:s16], $0x80  }
0x125: {  	p0 =	por $0x0, $0x0;
	s7 =	rddreg [dreg:$0x6];
	[sflag:s16] =	ssyncset.done $0x0  }
0x126: {  	s25 =	simm.s32 @!p0 $0x0;
	[sflag:s16] =	ssyncadd.s32 $0xFFFFFF80;
	s7 =	sadd.s32 @!p0 $0x0, s7  }
0x127: {  	[tilespmem:s25], [sflag:$0x1] =	stream.linear.gather @!p0 [hbm4b:s7+s25], $0x400, $0x38;
	[tilespmem:$0x1D580] =	vst v63  }
0x128: {  	s24 =	rddreg [dreg:$0xb]  }
0x129: {  	[tilespmem:s6], [sflag:$0x4] =	stream.indirect.gather [hbm4b:s1+s28], $0x80, s24, s28, $0xb8;
	[tilespmem:$0x1D580] =	vst v63  }
0x12a: {  	_ =	swait.ge [sflag:s9], $0x4000  }
0x12b: {  	[sflag:s9] =	ssyncset.done $0x0  }
0x12c: {  	[sflag:s9] =	ssyncadd.s32 $0xFFFFC000  }
0x12d: {  	[spmem:s2] =	stream.indirect.scatter.add.f32 [tilespmem:s29], [sflag:$0x5], $0x80, s20, s28, $0xb8;
	[tilespmem:$0x1D580] =	vst v63  }
0x12e: {  	_ = 	snop  }
0x12f: {  	[spmem:s3] =	stream.indirect.scatter.add.f32 [tilespmem:s10], [sflag:$0x8], $0x1, s20, s28, $0xb8;
	[tilespmem:$0x1D580] =	vst v63  }
0x130: {  	_ =	swait.ge [sflag:s11], $0x4000  }
0x131: {  	[sflag:s11] =	ssyncset.done $0x0  }
0x132: {  	[sflag:s11] =	ssyncadd.s32 $0xFFFFC000  }
0x133: {  	_ =	swait.ge [sflag:s12], $0x80  }
0x134: {  	[sflag:s12] =	ssyncset.done $0x0  }
0x135: {  	s26 =	rddreg [dreg:$0xc];
	[sflag:s12] =	ssyncadd.s32 $0xFFFFFF80  }
0x136: {  	[tilespmem:s29], [sflag:$0x3] =	stream.indirect.gather [hbm4b:s1+s28], $0x80, s26, s28, $0xb8;
	[tilespmem:$0x1D580] =	vst v63  }
0x137: {  	_ =	swait.ge [sflag:s13], $0x4000  }
0x138: {  	[sflag:s13] =	ssyncset.done $0x0  }
0x139: {  	[sflag:s13] =	ssyncadd.s32 $0xFFFFC000  }
0x13a: {  	[spmem:s2] =	stream.indirect.scatter.add.f32 [tilespmem:s6], [sflag:$0x6], $0x80, s21, s28, $0xb8;
	[tilespmem:$0x1D580] =	vst v63  }
0x13b: {  	_ = 	snop  }
0x13c: {  	[spmem:s3] =	stream.indirect.scatter.add.f32 [tilespmem:s10], [sflag:$0x9], $0x1, s21, s28, $0xb8;
	[tilespmem:$0x1D580] =	vst v63  }
0x13d: {  	_ =	swait.ge [sflag:s15], $0x4000  }
0x13e: {  	[sflag:s15] =	ssyncset.done $0x0  }
0x13f: {  	[sflag:s15] =	ssyncadd.s32 $0xFFFFC000  }
0x140: {  	_ =	swait.ge [sflag:s16], $0x80  }
0x141: {  	[sflag:s16] =	ssyncset.done $0x0  }
0x142: {  	s31 =	rddreg [dreg:$0xd];
	[sflag:s16] =	ssyncadd.s32 $0xFFFFFF80  }
0x143: {  	[tilespmem:s6], [sflag:$0x4] =	stream.indirect.gather [hbm4b:s1+s28], $0x80, s31, s28, $0xb8;
	[tilespmem:$0x1D580] =	vst v63  }
0x144: {  	_ =	swait.ge [sflag:s9], $0x4000  }
0x145: {  	[sflag:s9] =	ssyncset.done $0x0  }
0x146: {  	[sflag:s9] =	ssyncadd.s32 $0xFFFFC000  }
0x147: {  	[spmem:s2] =	stream.indirect.scatter.add.f32 [tilespmem:s29], [sflag:$0x5], $0x80, s22, s28, $0xb8;
	[tilespmem:$0x1D580] =	vst v63  }
0x148: {  	_ = 	snop  }
0x149: {  	[spmem:s3] =	stream.indirect.scatter.add.f32 [tilespmem:s10], [sflag:$0x8], $0x1, s22, s28, $0xb8;
	[tilespmem:$0x1D580] =	vst v63  }
0x14a: {  	_ =	swait.ge [sflag:s11], $0x4000  }
0x14b: {  	[sflag:s11] =	ssyncset.done $0x0  }
0x14c: {  	[sflag:s11] =	ssyncadd.s32 $0xFFFFC000  }
0x14d: {  	_ =	swait.ge [sflag:s12], $0x80  }
0x14e: {  	p0 =	por $0x0, $0x0;
	[sflag:s12] =	ssyncset.done $0x0  }
0x14f: {  	s7 =	simm.s32 @!p0 $0x1;
	[sflag:s12] =	ssyncadd.s32 $0xFFFFFF80  }
0x150: {  	_ =	swait.ge @!p0 [sflag:s7], $0x400  }
0x151: {  	s8 =	simm.s32 @!p0 $0x800;
	[sflag:s7] =	ssyncset.done @!p0 $0x0  }
0x152: {  	s25 =	simm.s32 @!p0 $0x0;
	[sflag:s7] =	ssyncadd.s32 @!p0 $0xFFFFFC00;
	s7 =	simm.s32 @!p0 $0x80  }
0x153: {  	[tilespmem:s8], [sflag:$0x3] =	stream.indirect.gather @!p0 [hbm4b:s1+s7], $0x80, s25, s7, $0xb8;
	[tilespmem:$0x1D580] =	vst v63  }
0x154: {  	p6 =	por $0x0, $0x0;
	_ =	swait.ge [sflag:s13], $0x4000  }
0x155: {  	s26 =	simm.s32 $0x100;
	s8 =	simm.s32 $0x200;
	[sflag:s13] =	ssyncset.done $0x0  }
0x156: {  	p0 =	por p6, p6;
	s25 =	simm.s32 $0x3;
	[sflag:s13] =	ssyncadd.s32 $0xFFFFC000  }
0x157: {  	[spmem:s2] =	stream.indirect.scatter.add.f32 [tilespmem:s6], [sflag:$0x6], $0x80, s23, s28, $0xb8;
	[tilespmem:$0x1D580] =	vst v63  }
.LBB2_6:
0x158: {  	[spmem:s3] =	stream.indirect.scatter.add.f32 [tilespmem:s10], [sflag:$0x9], $0x1, s23, s28, $0xb8;
	[tilespmem:$0x1D580] =	vst v63  }
0x159: {  	s31 =	simm.s32 @!p0 $0x6  }
0x15a: {  	_ =	swait.ge @!p0 [sflag:s31], $0x4000  }
0x15b: {  	[sflag:s31] =	ssyncset.done @!p0 $0x0  }
0x15c: {  	[sflag:s31] =	ssyncadd.s32 @!p0 $0xFFFFC000;
	s31 =	simm.s32 @!p0 $0x9  }
0x15d: {  	_ =	swait.ge @!p0 [sflag:s31], $0x80  }
0x15e: {  	s24 =	rddreg [dreg:$0x7];
	[sflag:s31] =	ssyncset.done @!p0 $0x0  }
0x15f: {  	[sflag:s31] =	ssyncadd.s32 @!p0 $0xFFFFFF80;
	s24 =	sadd.s32 s26, s24  }
0x160: {  	[tilespmem:s4], [sflag:$0x2] =	stream.linear.gather [hbm4b:s24+s5], $0x400, $0x38;
	[tilespmem:$0x1D580] =	vst v63  }
0x161: {  	s31 =	rddreg [dreg:$0x8]  }
0x162: {  	[tilespmem:s6], [sflag:$0x4] =	stream.indirect.gather [hbm4b:s1+s28], $0x80, s31, s28, $0xb8;
	[tilespmem:$0x1D580] =	vst v63  }
0x163: {  	_ =	swait.ge [sflag:s9], $0x4000  }
0x164: {  	[sflag:s9] =	ssyncset.done $0x0  }
0x165: {  	[sflag:s9] =	ssyncadd.s32 $0xFFFFC000  }
0x166: {  	[spmem:s2] =	stream.indirect.scatter.add.f32 [tilespmem:s29], [sflag:$0x5], $0x80, s28, s28, $0xb8;
	[tilespmem:$0x1D580] =	vst v63  }
0x167: {  	_ = 	snop  }
0x168: {  	[spmem:s3] =	stream.indirect.scatter.add.f32 [tilespmem:s10], [sflag:$0x8], $0x1, s28, s28, $0xb8;
	[tilespmem:$0x1D580] =	vst v63  }
0x169: {  	_ =	swait.ge [sflag:s11], $0x4000  }
0x16a: {  	[sflag:s11] =	ssyncset.done $0x0  }
0x16b: {  	[sflag:s11] =	ssyncadd.s32 $0xFFFFC000  }
0x16c: {  	_ =	swait.ge [sflag:s12], $0x80  }
0x16d: {  	[sflag:s12] =	ssyncset.done $0x0  }
0x16e: {  	s31 =	rddreg [dreg:$0x9];
	[sflag:s12] =	ssyncadd.s32 $0xFFFFFF80  }
0x16f: {  	[tilespmem:s29], [sflag:$0x3] =	stream.indirect.gather [hbm4b:s1+s28], $0x80, s31, s28, $0xb8;
	[tilespmem:$0x1D580] =	vst v63  }
0x170: {  	_ =	swait.ge [sflag:s13], $0x4000  }
0x171: {  	[sflag:s13] =	ssyncset.done $0x0  }
0x172: {  	[sflag:s13] =	ssyncadd.s32 $0xFFFFC000  }
0x173: {  	[spmem:s2] =	stream.indirect.scatter.add.f32 [tilespmem:s6], [sflag:$0x6], $0x80, s14, s28, $0xb8;
	[tilespmem:$0x1D580] =	vst v63  }
0x174: {  	_ = 	snop  }
0x175: {  	[spmem:s3] =	stream.indirect.scatter.add.f32 [tilespmem:s10], [sflag:$0x9], $0x1, s14, s28, $0xb8;
	[tilespmem:$0x1D580] =	vst v63  }
0x176: {  	_ =	swait.ge [sflag:s15], $0x4000  }
0x177: {  	[sflag:s15] =	ssyncset.done $0x0  }
0x178: {  	[sflag:s15] =	ssyncadd.s32 $0xFFFFC000  }
0x179: {  	_ =	swait.ge [sflag:s16], $0x80  }
0x17a: {  	[sflag:s16] =	ssyncset.done $0x0  }
0x17b: {  	s31 =	rddreg [dreg:$0xa];
	[sflag:s16] =	ssyncadd.s32 $0xFFFFFF80  }
0x17c: {  	[tilespmem:s6], [sflag:$0x4] =	stream.indirect.gather [hbm4b:s1+s28], $0x80, s31, s28, $0xb8;
	[tilespmem:$0x1D580] =	vst v63  }
0x17d: {  	_ =	swait.ge [sflag:s9], $0x4000  }
0x17e: {  	[sflag:s9] =	ssyncset.done $0x0  }
0x17f: {  	[sflag:s9] =	ssyncadd.s32 $0xFFFFC000  }
0x180: {  	[spmem:s2] =	stream.indirect.scatter.add.f32 [tilespmem:s29], [sflag:$0x5], $0x80, s17, s28, $0xb8;
	[tilespmem:$0x1D580] =	vst v63  }
0x181: {  	_ = 	snop  }
0x182: {  	[spmem:s3] =	stream.indirect.scatter.add.f32 [tilespmem:s10], [sflag:$0x8], $0x1, s17, s28, $0xb8;
	[tilespmem:$0x1D580] =	vst v63  }
0x183: {  	_ =	swait.ge [sflag:s11], $0x4000  }
0x184: {  	[sflag:s11] =	ssyncset.done $0x0  }
0x185: {  	[sflag:s11] =	ssyncadd.s32 $0xFFFFC000  }
0x186: {  	_ =	swait.ge [sflag:s12], $0x80  }
0x187: {  	[sflag:s12] =	ssyncset.done $0x0  }
0x188: {  	[sflag:s12] =	ssyncadd.s32 $0xFFFFFF80  }
0x189: {  	_ =	swait.ge [sflag:s18], $0x400  }
0x18a: {  	[sflag:s18] =	ssyncset.done $0x0  }
0x18b: {  	[sflag:s18] =	ssyncadd.s32 $0xFFFFFC00  }
0x18c: {  	[tilespmem:s29], [sflag:$0x3] =	stream.indirect.gather [hbm4b:s1+s28], $0x80, s4, s28, $0xb8;
	[tilespmem:$0x1D580] =	vst v63  }
0x18d: {  	_ =	swait.ge [sflag:s13], $0x4000  }
0x18e: {  	[sflag:s13] =	ssyncset.done $0x0  }
0x18f: {  	[sflag:s13] =	ssyncadd.s32 $0xFFFFC000  }
0x190: {  	[spmem:s2] =	stream.indirect.scatter.add.f32 [tilespmem:s6], [sflag:$0x6], $0x80, s19, s28, $0xb8;
	[tilespmem:$0x1D580] =	vst v63  }
0x191: {  	_ = 	snop  }
0x192: {  	[spmem:s3] =	stream.indirect.scatter.add.f32 [tilespmem:s10], [sflag:$0x9], $0x1, s19, s28, $0xb8;
	[tilespmem:$0x1D580] =	vst v63  }
0x193: {  	_ =	swait.ge [sflag:s15], $0x4000  }
0x194: {  	s7 =	smov.u32 s8;
	[sflag:s15] =	ssyncset.done $0x0  }
0x195: {  	p2 =	seq.s32 s7, $0x0;
	[sflag:s15] =	ssyncadd.s32 $0xFFFFC000  }
0x196: {  	p0 =	por p2, p2;
	_ =	swait.ge [sflag:s16], $0x80  }
0x197: {  	p2 =	seq.s32 s26, $0x900;
	s24 =	rddreg [dreg:$0x6];
	[sflag:s16] =	ssyncset.done $0x0  }
0x198: {  	[sflag:s16] =	ssyncadd.s32 $0xFFFFFF80;
	s24 =	sadd.s32 @!p2 s26, s24;
	s26 =	simm.s32 @!p2 $0x0  }
0x199: {  	[tilespmem:s26], [sflag:$0x1] =	stream.linear.gather @!p2 [hbm4b:s24+s26], $0x400, $0x38;
	[tilespmem:$0x1D580] =	vst v63  }
0x19a: {  	s31 =	rddreg [dreg:$0xb]  }
0x19b: {  	[tilespmem:s6], [sflag:$0x4] =	stream.indirect.gather [hbm4b:s1+s28], $0x80, s31, s28, $0xb8;
	[tilespmem:$0x1D580] =	vst v63  }
0x19c: {  	_ =	swait.ge [sflag:s9], $0x4000  }
0x19d: {  	[sflag:s9] =	ssyncset.done $0x0  }
0x19e: {  	[sflag:s9] =	ssyncadd.s32 $0xFFFFC000  }
0x19f: {  	[spmem:s2] =	stream.indirect.scatter.add.f32 [tilespmem:s29], [sflag:$0x5], $0x80, s20, s28, $0xb8;
	[tilespmem:$0x1D580] =	vst v63  }
0x1a0: {  	_ = 	snop  }
0x1a1: {  	[spmem:s3] =	stream.indirect.scatter.add.f32 [tilespmem:s10], [sflag:$0x8], $0x1, s20, s28, $0xb8;
	[tilespmem:$0x1D580] =	vst v63  }
0x1a2: {  	_ =	swait.ge [sflag:s11], $0x4000  }
0x1a3: {  	[sflag:s11] =	ssyncset.done $0x0  }
0x1a4: {  	[sflag:s11] =	ssyncadd.s32 $0xFFFFC000  }
0x1a5: {  	_ =	swait.ge [sflag:s12], $0x80  }
0x1a6: {  	[sflag:s12] =	ssyncset.done $0x0  }
0x1a7: {  	s24 =	rddreg [dreg:$0xc];
	[sflag:s12] =	ssyncadd.s32 $0xFFFFFF80  }
0x1a8: {  	[tilespmem:s29], [sflag:$0x3] =	stream.indirect.gather [hbm4b:s1+s28], $0x80, s24, s28, $0xb8;
	[tilespmem:$0x1D580] =	vst v63  }
0x1a9: {  	_ =	swait.ge [sflag:s13], $0x4000  }
0x1aa: {  	[sflag:s13] =	ssyncset.done $0x0  }
0x1ab: {  	[sflag:s13] =	ssyncadd.s32 $0xFFFFC000  }
0x1ac: {  	[spmem:s2] =	stream.indirect.scatter.add.f32 [tilespmem:s6], [sflag:$0x6], $0x80, s21, s28, $0xb8;
	[tilespmem:$0x1D580] =	vst v63  }
0x1ad: {  	_ = 	snop  }
0x1ae: {  	[spmem:s3] =	stream.indirect.scatter.add.f32 [tilespmem:s10], [sflag:$0x9], $0x1, s21, s28, $0xb8;
	[tilespmem:$0x1D580] =	vst v63  }
0x1af: {  	_ =	swait.ge [sflag:s15], $0x4000  }
0x1b0: {  	[sflag:s15] =	ssyncset.done $0x0  }
0x1b1: {  	[sflag:s15] =	ssyncadd.s32 $0xFFFFC000  }
0x1b2: {  	_ =	swait.ge [sflag:s16], $0x80  }
0x1b3: {  	[sflag:s16] =	ssyncset.done $0x0  }
0x1b4: {  	s31 =	rddreg [dreg:$0xd];
	[sflag:s16] =	ssyncadd.s32 $0xFFFFFF80  }
0x1b5: {  	[tilespmem:s6], [sflag:$0x4] =	stream.indirect.gather [hbm4b:s1+s28], $0x80, s31, s28, $0xb8;
	[tilespmem:$0x1D580] =	vst v63  }
0x1b6: {  	_ =	swait.ge [sflag:s9], $0x4000  }
0x1b7: {  	[sflag:s9] =	ssyncset.done $0x0  }
0x1b8: {  	[sflag:s9] =	ssyncadd.s32 $0xFFFFC000  }
0x1b9: {  	[spmem:s2] =	stream.indirect.scatter.add.f32 [tilespmem:s29], [sflag:$0x5], $0x80, s22, s28, $0xb8;
	[tilespmem:$0x1D580] =	vst v63  }
0x1ba: {  	_ = 	snop  }
0x1bb: {  	[spmem:s3] =	stream.indirect.scatter.add.f32 [tilespmem:s10], [sflag:$0x8], $0x1, s22, s28, $0xb8;
	[tilespmem:$0x1D580] =	vst v63  }
0x1bc: {  	_ =	swait.ge [sflag:s11], $0x4000  }
0x1bd: {  	[sflag:s11] =	ssyncset.done $0x0  }
0x1be: {  	[sflag:s11] =	ssyncadd.s32 $0xFFFFC000  }
0x1bf: {  	_ =	swait.ge [sflag:s12], $0x80  }
0x1c0: {  	p2 =	sgt.u32 s25, $0x12;
	[sflag:s12] =	ssyncset.done $0x0  }
0x1c1: {  	s26 =	smov.u32 s7;
	s7 =	simm.s32 @!p2 $0x1;
	[sflag:s12] =	ssyncadd.s32 $0xFFFFFF80  }
0x1c2: {  	s8 =	sadd.s32 $0x100, s8;
	_ =	swait.ge @!p2 [sflag:s7], $0x400  }
0x1c3: {  	p1 =	sne.s32 s8, $0xA00;
	s24 =	simm.s32 @!p2 $0x800;
	[sflag:s7] =	ssyncset.done @!p2 $0x0  }
0x1c4: {  	s31 =	simm.s32 @!p2 $0x0;
	[sflag:s7] =	ssyncadd.s32 @!p2 $0xFFFFFC00;
	s7 =	simm.s32 @!p2 $0x80  }
0x1c5: {  	[tilespmem:s24], [sflag:$0x3] =	stream.indirect.gather @!p2 [hbm4b:s1+s7], $0x80, s31, s7, $0xb8;
	[tilespmem:$0x1D580] =	vst v63  }
.Ltmp2:
0x1c6: {  	_ = 	snop;
	(pc) =	sbr.rel @p1 .LBB2_6-.Ltmp2, $4  }
0x1c7: {  	_ =	swait.ge [sflag:s13], $0x4000  }
0x1c8: {  	[sflag:s13] =	ssyncset.done $0x0  }
0x1c9: {  	s25 =	sadd.s32 $0x2, s25;
	[sflag:s13] =	ssyncadd.s32 $0xFFFFC000  }
0x1ca: {  	[spmem:s2] =	stream.indirect.scatter.add.f32 [tilespmem:s6], [sflag:$0x6], $0x80, s23, s28, $0xb8;
	[tilespmem:$0x1D580] =	vst v63  }
0x1cb: {  	[spmem:s3] =	stream.indirect.scatter.add.f32 [tilespmem:s10], [sflag:$0x9], $0x1, s23, s28, $0xb8;
	[tilespmem:$0x1D580] =	vst v63  }
0x1cc: {  	s7 =	simm.s32 @!p0 $0x6  }
0x1cd: {  	_ =	swait.ge @!p0 [sflag:s7], $0x4000  }
0x1ce: {  	[sflag:s7] =	ssyncset.done @!p0 $0x0  }
0x1cf: {  	[sflag:s7] =	ssyncadd.s32 @!p0 $0xFFFFC000;
	s7 =	simm.s32 @!p0 $0x9  }
0x1d0: {  	_ =	swait.ge @!p0 [sflag:s7], $0x80  }
0x1d1: {  	s8 =	rddreg [dreg:$0x7];
	[sflag:s7] =	ssyncset.done @!p0 $0x0  }
0x1d2: {  	[sflag:s7] =	ssyncadd.s32 @!p0 $0xFFFFFF80;
	s8 =	sadd.s32 s26, s8  }
0x1d3: {  	[tilespmem:s4], [sflag:$0x2] =	stream.linear.gather [hbm4b:s8+s5], $0x400, $0x38;
	[tilespmem:$0x1D580] =	vst v63  }
0x1d4: {  	s24 =	rddreg [dreg:$0x8]  }
0x1d5: {  	[tilespmem:s6], [sflag:$0x4] =	stream.indirect.gather [hbm4b:s1+s28], $0x80, s24, s28, $0xb8;
	[tilespmem:$0x1D580] =	vst v63  }
0x1d6: {  	_ =	swait.ge [sflag:s9], $0x4000  }
0x1d7: {  	[sflag:s9] =	ssyncset.done $0x0  }
0x1d8: {  	[sflag:s9] =	ssyncadd.s32 $0xFFFFC000  }
0x1d9: {  	[spmem:s2] =	stream.indirect.scatter.add.f32 [tilespmem:s29], [sflag:$0x5], $0x80, s28, s28, $0xb8;
	[tilespmem:$0x1D580] =	vst v63  }
0x1da: {  	_ = 	snop  }
0x1db: {  	[spmem:s3] =	stream.indirect.scatter.add.f32 [tilespmem:s10], [sflag:$0x8], $0x1, s28, s28, $0xb8;
	[tilespmem:$0x1D580] =	vst v63  }
0x1dc: {  	_ =	swait.ge [sflag:s11], $0x4000  }
0x1dd: {  	[sflag:s11] =	ssyncset.done $0x0  }
0x1de: {  	[sflag:s11] =	ssyncadd.s32 $0xFFFFC000  }
0x1df: {  	_ =	swait.ge [sflag:s12], $0x80  }
0x1e0: {  	[sflag:s12] =	ssyncset.done $0x0  }
0x1e1: {  	s8 =	rddreg [dreg:$0x9];
	[sflag:s12] =	ssyncadd.s32 $0xFFFFFF80  }
0x1e2: {  	[tilespmem:s29], [sflag:$0x3] =	stream.indirect.gather [hbm4b:s1+s28], $0x80, s8, s28, $0xb8;
	[tilespmem:$0x1D580] =	vst v63  }
0x1e3: {  	_ =	swait.ge [sflag:s13], $0x4000  }
0x1e4: {  	[sflag:s13] =	ssyncset.done $0x0  }
0x1e5: {  	[sflag:s13] =	ssyncadd.s32 $0xFFFFC000  }
0x1e6: {  	[spmem:s2] =	stream.indirect.scatter.add.f32 [tilespmem:s6], [sflag:$0x6], $0x80, s14, s28, $0xb8;
	[tilespmem:$0x1D580] =	vst v63  }
0x1e7: {  	_ = 	snop  }
0x1e8: {  	[spmem:s3] =	stream.indirect.scatter.add.f32 [tilespmem:s10], [sflag:$0x9], $0x1, s14, s28, $0xb8;
	[tilespmem:$0x1D580] =	vst v63  }
0x1e9: {  	_ =	swait.ge [sflag:s15], $0x4000  }
0x1ea: {  	[sflag:s15] =	ssyncset.done $0x0  }
0x1eb: {  	[sflag:s15] =	ssyncadd.s32 $0xFFFFC000  }
0x1ec: {  	_ =	swait.ge [sflag:s16], $0x80  }
0x1ed: {  	[sflag:s16] =	ssyncset.done $0x0  }
0x1ee: {  	s24 =	rddreg [dreg:$0xa];
	[sflag:s16] =	ssyncadd.s32 $0xFFFFFF80  }
0x1ef: {  	[tilespmem:s6], [sflag:$0x4] =	stream.indirect.gather [hbm4b:s1+s28], $0x80, s24, s28, $0xb8;
	[tilespmem:$0x1D580] =	vst v63  }
0x1f0: {  	_ =	swait.ge [sflag:s9], $0x4000  }
0x1f1: {  	[sflag:s9] =	ssyncset.done $0x0  }
0x1f2: {  	[sflag:s9] =	ssyncadd.s32 $0xFFFFC000  }
0x1f3: {  	[spmem:s2] =	stream.indirect.scatter.add.f32 [tilespmem:s29], [sflag:$0x5], $0x80, s17, s28, $0xb8;
	[tilespmem:$0x1D580] =	vst v63  }
0x1f4: {  	_ = 	snop  }
0x1f5: {  	[spmem:s3] =	stream.indirect.scatter.add.f32 [tilespmem:s10], [sflag:$0x8], $0x1, s17, s28, $0xb8;
	[tilespmem:$0x1D580] =	vst v63  }
0x1f6: {  	_ =	swait.ge [sflag:s11], $0x4000  }
0x1f7: {  	[sflag:s11] =	ssyncset.done $0x0  }
0x1f8: {  	[sflag:s11] =	ssyncadd.s32 $0xFFFFC000  }
0x1f9: {  	_ =	swait.ge [sflag:s12], $0x80  }
0x1fa: {  	[sflag:s12] =	ssyncset.done $0x0  }
0x1fb: {  	[sflag:s12] =	ssyncadd.s32 $0xFFFFFF80  }
0x1fc: {  	_ =	swait.ge [sflag:s18], $0x400  }
0x1fd: {  	[sflag:s18] =	ssyncset.done $0x0  }
0x1fe: {  	[sflag:s18] =	ssyncadd.s32 $0xFFFFFC00  }
0x1ff: {  	[tilespmem:s29], [sflag:$0x3] =	stream.indirect.gather [hbm4b:s1+s28], $0x80, s4, s28, $0xb8;
	[tilespmem:$0x1D580] =	vst v63  }
0x200: {  	_ =	swait.ge [sflag:s13], $0x4000  }
0x201: {  	[sflag:s13] =	ssyncset.done $0x0  }
0x202: {  	[sflag:s13] =	ssyncadd.s32 $0xFFFFC000  }
0x203: {  	[spmem:s2] =	stream.indirect.scatter.add.f32 [tilespmem:s6], [sflag:$0x6], $0x80, s19, s28, $0xb8;
	[tilespmem:$0x1D580] =	vst v63  }
0x204: {  	_ = 	snop  }
0x205: {  	[spmem:s3] =	stream.indirect.scatter.add.f32 [tilespmem:s10], [sflag:$0x9], $0x1, s19, s28, $0xb8;
	[tilespmem:$0x1D580] =	vst v63  }
0x206: {  	_ =	swait.ge [sflag:s15], $0x4000  }
0x207: {  	[sflag:s15] =	ssyncset.done $0x0  }
0x208: {  	[sflag:s15] =	ssyncadd.s32 $0xFFFFC000  }
0x209: {  	_ =	swait.ge [sflag:s16], $0x80  }
0x20a: {  	p0 =	seq.s32 s26, $0x900;
	s7 =	rddreg [dreg:$0x6];
	[sflag:s16] =	ssyncset.done $0x0  }
0x20b: {  	s24 =	simm.s32 @!p0 $0x0;
	[sflag:s16] =	ssyncadd.s32 $0xFFFFFF80;
	s7 =	sadd.s32 @!p0 s26, s7  }
0x20c: {  	[tilespmem:s24], [sflag:$0x1] =	stream.linear.gather @!p0 [hbm4b:s7+s24], $0x400, $0x38;
	[tilespmem:$0x1D580] =	vst v63  }
0x20d: {  	s8 =	rddreg [dreg:$0xb]  }
0x20e: {  	[tilespmem:s6], [sflag:$0x4] =	stream.indirect.gather [hbm4b:s1+s28], $0x80, s8, s28, $0xb8;
	[tilespmem:$0x1D580] =	vst v63  }
0x20f: {  	_ =	swait.ge [sflag:s9], $0x4000  }
0x210: {  	[sflag:s9] =	ssyncset.done $0x0  }
0x211: {  	[sflag:s9] =	ssyncadd.s32 $0xFFFFC000  }
0x212: {  	[spmem:s2] =	stream.indirect.scatter.add.f32 [tilespmem:s29], [sflag:$0x5], $0x80, s20, s28, $0xb8;
	[tilespmem:$0x1D580] =	vst v63  }
0x213: {  	_ = 	snop  }
0x214: {  	[spmem:s3] =	stream.indirect.scatter.add.f32 [tilespmem:s10], [sflag:$0x8], $0x1, s20, s28, $0xb8;
	[tilespmem:$0x1D580] =	vst v63  }
0x215: {  	_ =	swait.ge [sflag:s11], $0x4000  }
0x216: {  	[sflag:s11] =	ssyncset.done $0x0  }
0x217: {  	[sflag:s11] =	ssyncadd.s32 $0xFFFFC000  }
0x218: {  	_ =	swait.ge [sflag:s12], $0x80  }
0x219: {  	[sflag:s12] =	ssyncset.done $0x0  }
0x21a: {  	s26 =	rddreg [dreg:$0xc];
	[sflag:s12] =	ssyncadd.s32 $0xFFFFFF80  }
0x21b: {  	[tilespmem:s29], [sflag:$0x3] =	stream.indirect.gather [hbm4b:s1+s28], $0x80, s26, s28, $0xb8;
	[tilespmem:$0x1D580] =	vst v63  }
0x21c: {  	_ =	swait.ge [sflag:s13], $0x4000  }
0x21d: {  	[sflag:s13] =	ssyncset.done $0x0  }
0x21e: {  	[sflag:s13] =	ssyncadd.s32 $0xFFFFC000  }
0x21f: {  	[spmem:s2] =	stream.indirect.scatter.add.f32 [tilespmem:s6], [sflag:$0x6], $0x80, s21, s28, $0xb8;
	[tilespmem:$0x1D580] =	vst v63  }
0x220: {  	_ = 	snop  }
0x221: {  	[spmem:s3] =	stream.indirect.scatter.add.f32 [tilespmem:s10], [sflag:$0x9], $0x1, s21, s28, $0xb8;
	[tilespmem:$0x1D580] =	vst v63  }
0x222: {  	_ =	swait.ge [sflag:s15], $0x4000  }
0x223: {  	[sflag:s15] =	ssyncset.done $0x0  }
0x224: {  	[sflag:s15] =	ssyncadd.s32 $0xFFFFC000  }
0x225: {  	_ =	swait.ge [sflag:s16], $0x80  }
0x226: {  	[sflag:s16] =	ssyncset.done $0x0  }
0x227: {  	s8 =	rddreg [dreg:$0xd];
	[sflag:s16] =	ssyncadd.s32 $0xFFFFFF80  }
0x228: {  	[tilespmem:s6], [sflag:$0x4] =	stream.indirect.gather [hbm4b:s1+s28], $0x80, s8, s28, $0xb8;
	[tilespmem:$0x1D580] =	vst v63  }
0x229: {  	_ =	swait.ge [sflag:s9], $0x4000  }
0x22a: {  	[sflag:s9] =	ssyncset.done $0x0  }
0x22b: {  	[sflag:s9] =	ssyncadd.s32 $0xFFFFC000  }
0x22c: {  	[spmem:s2] =	stream.indirect.scatter.add.f32 [tilespmem:s29], [sflag:$0x5], $0x80, s22, s28, $0xb8;
	[tilespmem:$0x1D580] =	vst v63  }
0x22d: {  	_ = 	snop  }
0x22e: {  	[spmem:s3] =	stream.indirect.scatter.add.f32 [tilespmem:s10], [sflag:$0x8], $0x1, s22, s28, $0xb8;
	[tilespmem:$0x1D580] =	vst v63  }
0x22f: {  	_ =	swait.ge [sflag:s11], $0x4000  }
0x230: {  	[sflag:s11] =	ssyncset.done $0x0  }
0x231: {  	[sflag:s11] =	ssyncadd.s32 $0xFFFFC000  }
0x232: {  	_ =	swait.ge [sflag:s12], $0x80  }
0x233: {  	p0 =	sgt.u32 s25, $0x12;
	[sflag:s12] =	ssyncset.done $0x0  }
0x234: {  	s7 =	simm.s32 @!p0 $0x1;
	[sflag:s12] =	ssyncadd.s32 $0xFFFFFF80  }
0x235: {  	_ =	swait.ge @!p0 [sflag:s7], $0x400  }
0x236: {  	s24 =	simm.s32 @!p0 $0x0;
	[sflag:s7] =	ssyncset.done @!p0 $0x0  }
0x237: {  	s8 =	simm.s32 @!p0 $0x800;
	[sflag:s7] =	ssyncadd.s32 @!p0 $0xFFFFFC00;
	s7 =	simm.s32 @!p0 $0x80  }
0x238: {  	[tilespmem:s8], [sflag:$0x3] =	stream.indirect.gather @!p0 [hbm4b:s1+s7], $0x80, s24, s7, $0xb8;
	[tilespmem:$0x1D580] =	vst v63  }
0x239: {  	_ =	swait.ge [sflag:s13], $0x4000  }
0x23a: {  	[sflag:s13] =	ssyncset.done $0x0  }
0x23b: {  	[sflag:s13] =	ssyncadd.s32 $0xFFFFC000  }
0x23c: {  	[spmem:s2] =	stream.indirect.scatter.add.f32 [tilespmem:s6], [sflag:$0x6], $0x80, s23, s28, $0xb8;
	[tilespmem:$0x1D580] =	vst v63  }
0x23d: {  	_ = 	snop  }
0x23e: {  	[spmem:s3] =	stream.indirect.scatter.add.f32 [tilespmem:s10], [sflag:$0x9], $0x1, s23, s28, $0xb8;
	[tilespmem:$0x1D580] =	vst v63  }
0x23f: {  	_ =	swait.ge [sflag:s15], $0x4000  }
0x240: {  	[sflag:s15] =	ssyncset.done $0x0  }
0x241: {  	[sflag:s15] =	ssyncadd.s32 $0xFFFFC000  }
0x242: {  	_ =	swait.ge [sflag:s16], $0x80  }
0x243: {  	[sflag:s16] =	ssyncset.done $0x0  }
0x244: {  	[sflag:s16] =	ssyncadd.s32 $0xFFFFFF80  }
0x245: {  	s24 =	stileid.u32;
	[bflag:$0x0] =	sbarrier.arrive $0xFFFF  }
0x246: {  	s31 =	simm.s32 $0xA;
	s7 =	sshll.u32 s24, $0x6;
	s24 =	rddreg [dreg:$0xf]  }
0x247: {  	s7 =	sor.u32 $0x1C0A, s7;
	s26 =	rddreg [dreg:$0x11];
	s25 =	sshrl.u32 s24, $0x3  }
0x248: {  	[hbm:s26], [sflag:s7] =	dma.local [spmem:s25], $0x2800  }
0x249: {  	_ =	swait.ge [sflag:s31], $0x2800  }
0x24a: {  	[sflag:s31] =	ssyncset.done $0x0;
	s25 =	rddreg [dreg:$0x10]  }
0x24b: {  	s26 =	rddreg [dreg:$0x12];
	[sflag:s31] =	ssyncadd.s32 $0xFFFFD800;
	s8 =	sshrl.u32 s25, $0x3  }
0x24c: {  	[hbm:s26], [sflag:s7] =	dma.local [spmem:s8], $0x50  }
0x24d: {  	_ =	swait.ge [sflag:s31], $0x50  }
0x24e: {  	s7 =	sld [smem:$0x7E2];
	_ =	sdelay $0x2  }
0x24f: {  	s26 =	rddreg [dreg:$0x13];
	s8 =	sadd.s32 $0x1, s7  }
0x250: {  	p0 =	sne.s32 s8, s26  }
.Ltmp3:
0x251: {  	_ = 	snop;
	(pc) =	sbr.rel @p0 .LBB2_1-.Ltmp3, $3  }
0x252: {  	_ =	sdelay $0x1  }
0x253: {  	[sflag:s31] =	ssyncset.done $0x0  }
0x254: {  	[sflag:s31] =	ssyncadd.s32 $0xFFFFFFB0  }
0x255: {  	_ =	sfence.sel $0x180000  }
0x256: {  	[bflag:$0x0] =	sbarrier.arrive $0xFFFF  }
0x257: {  	_ =	strace $0x90000047  }
0x258: {  	s0 =	stileid.u32;
	[bflag:$0x2] =	sbarrier.arrive $0xFFFF  }
0x259: {  	p0 =	sne.s32 s0, $0x0;
	s0 =	rddreg [dreg:$0x5]  }
0x25a: {  	s0 =	sadd.s32 @!p0 $0x100000, s0  }
0x25b: {  	[sflag:s0] =	ssyncadd.tile.s32 @!p0 $0x1;
	_ =	shalt  }
.Lfunc_end2:
_tile_overlayer_lowered:
.L_overlay_start_2:
0x25c: {  	(tag) =	ssettag $0x2  }
0x25d: {  	s0 =	rddreg [dreg:$0x0];
	s2 =	stileid.u32  }
0x25e: {  	s1 =	rddreg [dreg:$0x1];
	p0 =	sne.s32 s2, $0x0  }
0x25f: {  	s3 =	rddreg [dreg:$0x2];
	[bflag:$0x3] =	sbarrier.arrive $0xFFFF;
	s2 =	simm.s32 @!p0 $0x1C0A  }
0x260: {  	[timem:s3], [sflag:s2] =	dma.local @!p0 [hbm:s0], s1  }
0x261: {  	s0 =	simm.s32 @!p0 $0xA  }
0x262: {  	_ =	swait.ge @!p0 [sflag:s0], s1  }
0x263: {  	s1 =	ssub.s32 @!p0 $0x0, s1;
	[sflag:s0] =	ssyncset.done @!p0 $0x0  }
0x264: {  	[sflag:s0] =	ssyncadd.s32 @!p0 s1  }
0x265: {  	[bflag:$0x3] =	sbarrier.arrive $0xFFFF  }
0x266: {  	_ =	shalt  }

</sc_bundles>
